<compile_context>
chip_gen: v7x
topology: tpu7x:2x2x1
jax: 0.10.2.dev20260603
libtpu: 0.0.44.dev20260713+nightly
codegen_flags: <defaults>
</compile_context>

<pallas_src>
import jax
import jax.numpy as jnp
from jax import lax
from jax.experimental import pallas as pl
from jax.experimental.pallas import tpu as pltpu
from jax.experimental.pallas import tpu_sc as plsc

VOCAB_LEN = 1000000
SEQ_LEN = 2048
H_DIM = 64
BATCH = 4

_NC = 2
_NS = 16
_NW = _NC * _NS
_B = BATCH * SEQ_LEN
_BPW = _B // _NW
_LANES = 16
_NBUF = 8


def _emb_kernel(
    table_hbm, idx_hbm, pos_hbm, out_hbm, idx_s, idx_v, ring, col_v, pos_v, sems
):
    wid = lax.axis_index("s") * _NC + lax.axis_index("c")
    base = wid * _BPW
    pos_base = lax.rem(base, SEQ_LEN)
    b = base // SEQ_LEN
    m = lax.rem(wid, 8)

    pltpu.sync_copy(
        idx_hbm.at[pl.ds(pl.multiple_of(8 * m, 8), 8), :], idx_v
    )

    iota = lax.iota(jnp.int32, _LANES)
    neg = jnp.int32(-2147483648)

    def fill(k, carry):
        row = jnp.full((_LANES,), b + 4 * (k // 8), jnp.int32)
        col = lax.rem(k, 8) * _LANES + iota
        v = plsc.load_gather(idx_v, [row, col])
        for lane in range(_LANES):
            idx_s[k * _LANES + lane] = jnp.max(jnp.where(iota == lane, v, neg))
        return carry

    fill(jnp.int32(0), 0)
    for tb in range(2):
        pltpu.sync_copy(
            pos_hbm.at[:, pl.ds(pos_base + 128 * tb, 128)], pos_v.at[tb]
        )

    def issue(j, slot):
        rt = idx_s[j] >> 7
        off = pl.multiple_of(rt * 128, 128)
        pltpu.async_copy(
            table_hbm.at[:, :, pl.ds(off, 128)], ring.at[slot], sems.at[slot]
        )

    def drain(slot):
        pltpu.make_async_copy(
            table_hbm.at[:, :, pl.ds(0, 128)], ring.at[slot], sems.at[slot]
        ).wait()

    def process(j, slot):
        ri = jnp.full((_LANES,), idx_s[j] & 127, jnp.int32)
        tb = jnp.full((_LANES,), j >> 7, jnp.int32)
        jm = jnp.full((_LANES,), j & 127, jnp.int32)
        for g in range(H_DIM // _LANES):
            c_vec = g * _LANES + iota
            a_vec = c_vec >> 3
            b_vec = c_vec & 7
            tv = plsc.load_gather(ring.at[slot], [a_vec, b_vec, ri])
            pv = plsc.load_gather(pos_v, [tb, c_vec, jm])
            plsc.store_scatter(col_v, [tb, c_vec, jm], tv + pv)

    for s in range(_NBUF):
        issue(jnp.int32(s), s)

    lax.fori_loop(1, _BPW // _LANES, fill, 0)

    def body(g, carry):
        for s in range(_NBUF):
            j = g * _NBUF + s
            drain(s)
            process(j, s)
            jn = j + _NBUF

            @pl.when(jn < _BPW)
            def _():
                issue(jn, s)

        return carry

    lax.fori_loop(0, _BPW // _NBUF, body, 0)

    for tb in range(2):
        pltpu.sync_copy(
            col_v.at[tb], out_hbm.at[b, :, pl.ds(pos_base + 128 * tb, 128)]
        )


@jax.jit
def kernel(x_input, vocab_emb_weight, pos_emb_weight):
    idx_2d = (
        x_input.astype(jnp.int32)
        .reshape(BATCH, SEQ_LEN // 128, 128)
        .transpose(1, 0, 2)
        .reshape(SEQ_LEN // 128 * BATCH, 128)
    )
    table_3d = vocab_emb_weight.T.reshape(H_DIM // 8, 8, VOCAB_LEN)
    mesh = plsc.VectorSubcoreMesh(core_axis_name="c", subcore_axis_name="s")
    run = pl.kernel(
        _emb_kernel,
        out_type=jax.ShapeDtypeStruct((BATCH, H_DIM, SEQ_LEN), jnp.float32),
        mesh=mesh,
        scratch_types=[
            pltpu.SMEM((_BPW,), jnp.int32),
            pltpu.VMEM((8, 128), jnp.int32),
            pltpu.VMEM((_NBUF, H_DIM // 8, 8, 128), jnp.float32),
            pltpu.VMEM((2, H_DIM, 128), jnp.float32),
            pltpu.VMEM((2, H_DIM, 128), jnp.float32),
            pltpu.SemaphoreType.DMA((_NBUF,)),
        ],
        compiler_params=pltpu.CompilerParams(
            needs_layout_passes=False,
            disable_bounds_checks=True,
        ),
    )
    out_t = run(table_3d, idx_2d, pos_emb_weight.T)
    return out_t.transpose(0, 2, 1)

# --- scband reference (transcript-rebuilt; emitter-appended) ---
"""Pipeline reference for scband-input-embedding-47107201302744 (READ-ONLY COPY).

The authoritative reference and input builder live on the scoring server;
editing this copy changes nothing except your own understanding.
"""

import jax, jax.numpy as jnp
import numpy as np

VOCAB_LEN = 1000000
SEQ_LEN = 2048
H_DIM = 64
BATCH = 4


def setup_inputs(seed: int = 0) -> dict:
    key = jax.random.key(seed)
    k1, k2, k3 = jax.random.split(key, 3)
    x_input = jax.random.randint(k1, (BATCH, SEQ_LEN), 0, VOCAB_LEN, dtype=jnp.int64 if jax.config.jax_enable_x64 else jnp.int32)
    vocab_emb_weight = jax.random.normal(k2, (VOCAB_LEN, H_DIM), dtype=jnp.float32)
    pos_emb_weight = jax.random.normal(k3, (SEQ_LEN, H_DIM), dtype=jnp.float32)
    return {"x_input": x_input, "vocab_emb_weight": vocab_emb_weight, "pos_emb_weight": pos_emb_weight}


def reference(x_input, vocab_emb_weight, pos_emb_weight):
    # vocab_emb(x_input): embedding lookup -> [B, S, H]
    tok = jnp.take(vocab_emb_weight, x_input, axis=0)
    # + pos_emb.weight: broadcast [S, H] over batch dim
    return tok + pos_emb_weight

if __name__ == "__main__":
    import jax
    _d = setup_inputs()
    print(jax.jit(kernel)(*tuple(_d.values())))

</pallas_src>

<mosaic_0001>
#map = affine_map<(d0, d1) -> (0, 0, 0)>
#map1 = affine_map<(d0, d1) -> (0, 0)>
module attributes {stable_mosaic.version = 14 : i64} {
  func.func @_emb_kernel(%arg0: i32, %arg1: i32, %arg2: memref<8x8x1000000xf32, #tpu.memory_space<hbm>>, %arg3: memref<64x128xi32, #tpu.memory_space<hbm>>, %arg4: memref<64x2048xf32, #tpu.memory_space<hbm>>, %arg5: memref<4x64x2048xf32, #tpu.memory_space<hbm>>, %arg6: memref<256xi32, #tpu.memory_space<smem>>, %arg7: memref<8x128xi32, #tpu.memory_space<vmem>>, %arg8: memref<8x8x8x128xf32, #tpu.memory_space<vmem>>, %arg9: memref<2x64x128xf32, #tpu.memory_space<vmem>>, %arg10: memref<2x64x128xf32, #tpu.memory_space<vmem>>, %arg11: memref<8x!tpu.dma_semaphore, #tpu.memory_space<semaphore_mem>>) attributes {dimension_semantics = [#tpu.dimension_semantics<core_parallel>, #tpu.dimension_semantics<subcore_parallel>], iteration_bounds = array<i64: 2, 16>, scalar_prefetch = 0 : i64, scratch_operands = 6 : i64, tpu.core_type = #tpu.core_type<sc_vector_subcore>, window_params = [{transform_indices = #map}, {transform_indices = #map1}, {transform_indices = #map1}, {transform_indices = #map}]} {
    %mul3A = arith.constant 2 : i32
    %mul3A_0 = arith.muli %arg1, %mul3A : i32
    %add3A = arith.addi %mul3A_0, %arg0 : i32
    %mul3A_1 = arith.constant 256 : i32
    %mul3A_2 = arith.muli %add3A, %mul3A_1 : i32
    %rem3A = arith.constant 2048 : i32
    %rem3A_3 = arith.remsi %mul3A_2, %rem3A : i32
    %jit3A = arith.constant 2048 : i32
    %div3A = arith.divsi %mul3A_2, %jit3A : i32
    %sign3A = arith.constant 0 : i32
    %sign3A_4 = arith.cmpi sgt, %mul3A_2, %sign3A : i32
    %sign3A_5 = arith.extui %sign3A_4 : i1 to i32
    %sign3A_6 = arith.constant 0 : i32
    %sign3A_7 = arith.cmpi slt, %mul3A_2, %sign3A_6 : i32
    %sign3A_8 = arith.extui %sign3A_7 : i1 to i32
    %sign3A_9 = arith.subi %sign3A_5, %sign3A_8 : i32
    %sign3A_10 = arith.constant 0 : i32
    %sign3A_11 = arith.cmpi sgt, %jit3A, %sign3A_10 : i32
    %sign3A_12 = arith.extui %sign3A_11 : i1 to i32
    %sign3A_13 = arith.constant 0 : i32
    %sign3A_14 = arith.cmpi slt, %jit3A, %sign3A_13 : i32
    %sign3A_15 = arith.extui %sign3A_14 : i1 to i32
    %sign3A_16 = arith.subi %sign3A_12, %sign3A_15 : i32
    %ne3A = arith.cmpi ne, %sign3A_9, %sign3A_16 : i32
    %rem3A_17 = arith.remsi %mul3A_2, %jit3A : i32
    %ne3A_18 = arith.constant 0 : i32
    %ne3A_19 = arith.cmpi ne, %rem3A_17, %ne3A_18 : i32
    %and3A = arith.andi %ne3A, %ne3A_19 : i1
    %sub3A = arith.constant 1 : i32
    %sub3A_20 = arith.subi %div3A, %sub3A : i32
    %select_n3A = arith.select %and3A, %sub3A_20, %div3A : i32
    %rem3A_21 = arith.constant 8 : i32
    %rem3A_22 = arith.remsi %add3A, %rem3A_21 : i32
    %mul3A_23 = arith.constant 8 : i32
    %mul3A_24 = arith.muli %mul3A_23, %rem3A_22 : i32
    %multiple_of3A = tpu.assume_multiple %mul3A_24, 8 : i32
    "tpu.region"() ({
      %run_scoped3A_637 = tpu.sem_alloc : memref<!tpu.dma_semaphore, #tpu.memory_space<semaphore_mem>>
      %dma_start3A_638 = arith.constant 0 : i32
      %dma_start3A_639 = tpu.memref_slice %arg3[%multiple_of3A, %dma_start3A_638] : memref<64x128xi32, #tpu.memory_space<hbm>> -> memref<8x128xi32, #tpu.memory_space<hbm>>
      %dma_start3A_640 = arith.constant 0 : i32
      %dma_start3A_641 = tpu.memref_slice %arg3[%multiple_of3A, %dma_start3A_640] : memref<64x128xi32, #tpu.memory_space<hbm>> -> memref<8x128xi32, #tpu.memory_space<hbm>>
      tpu.enqueue_dma source(%dma_start3A_641 : memref<8x128xi32, #tpu.memory_space<hbm>>) target(%arg7 : memref<8x128xi32, #tpu.memory_space<vmem>>) target_semaphore(%run_scoped3A_637 : memref<!tpu.dma_semaphore, #tpu.memory_space<semaphore_mem>>)
      %dma_wait3A = arith.constant 0 : i32
      %dma_wait3A_642 = tpu.memref_slice %arg3[%multiple_of3A, %dma_wait3A] : memref<64x128xi32, #tpu.memory_space<hbm>> -> memref<8x128xi32, #tpu.memory_space<hbm>>
      %dma_wait3A_643 = arith.constant 0 : i32
      %dma_wait3A_644 = tpu.memref_slice %arg3[%multiple_of3A, %dma_wait3A_643] : memref<64x128xi32, #tpu.memory_space<hbm>> -> memref<8x128xi32, #tpu.memory_space<hbm>>
      tpu.wait_dma2 semaphore(%run_scoped3A_637 : memref<!tpu.dma_semaphore, #tpu.memory_space<semaphore_mem>>) src(%dma_wait3A_644 : memref<8x128xi32, #tpu.memory_space<hbm>>) dst(%arg7 : memref<8x128xi32, #tpu.memory_space<vmem>>)
      tpu.yield
    }) : () -> ()
    %iota3A = tpu.iota {dimensions = array<i32: 0>} : vector<16xi32>
    %jit3A_25 = arith.constant 0 : i32
    %jit3A_26 = arith.constant 8 : i32
    %div3A_27 = arith.divsi %jit3A_25, %jit3A_26 : i32
    %sign3A_28 = arith.constant 0 : i32
    %sign3A_29 = arith.cmpi sgt, %jit3A_25, %sign3A_28 : i32
    %sign3A_30 = arith.extui %sign3A_29 : i1 to i32
    %sign3A_31 = arith.constant 0 : i32
    %sign3A_32 = arith.cmpi slt, %jit3A_25, %sign3A_31 : i32
    %sign3A_33 = arith.extui %sign3A_32 : i1 to i32
    %sign3A_34 = arith.subi %sign3A_30, %sign3A_33 : i32
    %sign3A_35 = arith.constant 0 : i32
    %sign3A_36 = arith.cmpi sgt, %jit3A_26, %sign3A_35 : i32
    %sign3A_37 = arith.extui %sign3A_36 : i1 to i32
    %sign3A_38 = arith.constant 0 : i32
    %sign3A_39 = arith.cmpi slt, %jit3A_26, %sign3A_38 : i32
    %sign3A_40 = arith.extui %sign3A_39 : i1 to i32
    %sign3A_41 = arith.subi %sign3A_37, %sign3A_40 : i32
    %ne3A_42 = arith.cmpi ne, %sign3A_34, %sign3A_41 : i32
    %rem3A_43 = arith.remsi %jit3A_25, %jit3A_26 : i32
    %ne3A_44 = arith.constant 0 : i32
    %ne3A_45 = arith.cmpi ne, %rem3A_43, %ne3A_44 : i32
    %and3A_46 = arith.andi %ne3A_42, %ne3A_45 : i1
    %sub3A_47 = arith.constant 1 : i32
    %sub3A_48 = arith.subi %div3A_27, %sub3A_47 : i32
    %select_n3A_49 = arith.select %and3A_46, %sub3A_48, %div3A_27 : i32
    %mul3A_50 = arith.constant 4 : i32
    %mul3A_51 = arith.muli %mul3A_50, %select_n3A_49 : i32
    %add3A_52 = arith.addi %select_n3A, %mul3A_51 : i32
    %broadcast_in_dim3A = vector.broadcast %add3A_52 : i32 to vector<16xi32>
    %rem3A_53 = arith.constant 0 : i32
    %rem3A_54 = arith.constant 8 : i32
    %rem3A_55 = arith.remsi %rem3A_53, %rem3A_54 : i32
    %mul3A_56 = arith.constant 16 : i32
    %mul3A_57 = arith.muli %rem3A_55, %mul3A_56 : i32
    %add3A_58 = vector.broadcast %mul3A_57 : i32 to vector<16xi32>
    %add3A_59 = arith.addi %add3A_58, %iota3A : vector<16xi32>
    %gather3A = tpu.vector_load_idx %arg7[%broadcast_in_dim3A, %add3A_59] : memref<8x128xi32, #tpu.memory_space<vmem>>[vector<16xi32>, vector<16xi32>], vector<16xi32>,
    %eq3A = arith.constant 0 : i32
    %eq3A_60 = vector.broadcast %eq3A : i32 to vector<16xi32>
    %eq3A_61 = arith.cmpi eq, %iota3A, %eq3A_60 : vector<16xi32>
    %jit3A_62 = arith.constant -2147483648 : i32
    %broadcast_in_dim3A_63 = vector.broadcast %jit3A_62 : i32 to vector<16xi32>
    %select_n3A_64 = arith.select %eq3A_61, %gather3A, %broadcast_in_dim3A_63 : vector<16xi1>, vector<16xi32>
    %reduce_max3A = arith.constant true
    %reduce_max3A_65 = vector.broadcast %reduce_max3A : i1 to vector<16xi1>
    %reduce_max3A_66 = arith.constant -2147483648 : i32
    %reduce_max3A_67 = vector.broadcast %reduce_max3A_66 : i32 to vector<16xi32>
    %reduce_max3A_68 = arith.xori %select_n3A_64, %reduce_max3A_67 : vector<16xi32>
    %reduce_max3A_69 = tpu.scan <max>, %reduce_max3A_68 masked %reduce_max3A_65 : vector<16xi32>, vector<16xi1> -> vector<16xi32>
    %reduce_max3A_70 = arith.xori %reduce_max3A_69, %reduce_max3A_67 : vector<16xi32>
    %reduce_max3A_71 = vector.extract %reduce_max3A_70[15] : i32 from vector<16xi32>
    %mul3A_72 = arith.constant 0 : i32
    %mul3A_73 = arith.constant 16 : i32
    %mul3A_74 = arith.muli %mul3A_72, %mul3A_73 : i32
    %add3A_75 = arith.constant 0 : i32
    %add3A_76 = arith.addi %mul3A_74, %add3A_75 : i32
    %swap3A = arith.index_cast %add3A_76 : i32 to index
    %swap3A_77 = memref.load %arg6[%swap3A] : memref<256xi32, #tpu.memory_space<smem>>
    memref.store %reduce_max3A_71, %arg6[%swap3A] : memref<256xi32, #tpu.memory_space<smem>>
    %eq3A_78 = arith.constant 1 : i32
    %eq3A_79 = vector.broadcast %eq3A_78 : i32 to vector<16xi32>
    %eq3A_80 = arith.cmpi eq, %iota3A, %eq3A_79 : vector<16xi32>
    %jit3A_81 = arith.constant -2147483648 : i32
    %broadcast_in_dim3A_82 = vector.broadcast %jit3A_81 : i32 to vector<16xi32>
    %select_n3A_83 = arith.select %eq3A_80, %gather3A, %broadcast_in_dim3A_82 : vector<16xi1>, vector<16xi32>
    %reduce_max3A_84 = arith.constant true
    %reduce_max3A_85 = vector.broadcast %reduce_max3A_84 : i1 to vector<16xi1>
    %reduce_max3A_86 = arith.constant -2147483648 : i32
    %reduce_max3A_87 = vector.broadcast %reduce_max3A_86 : i32 to vector<16xi32>
    %reduce_max3A_88 = arith.xori %select_n3A_83, %reduce_max3A_87 : vector<16xi32>
    %reduce_max3A_89 = tpu.scan <max>, %reduce_max3A_88 masked %reduce_max3A_85 : vector<16xi32>, vector<16xi1> -> vector<16xi32>
    %reduce_max3A_90 = arith.xori %reduce_max3A_89, %reduce_max3A_87 : vector<16xi32>
    %reduce_max3A_91 = vector.extract %reduce_max3A_90[15] : i32 from vector<16xi32>
    %mul3A_92 = arith.constant 0 : i32
    %mul3A_93 = arith.constant 16 : i32
    %mul3A_94 = arith.muli %mul3A_92, %mul3A_93 : i32
    %add3A_95 = arith.constant 1 : i32
    %add3A_96 = arith.addi %mul3A_94, %add3A_95 : i32
    %swap3A_97 = arith.index_cast %add3A_96 : i32 to index
    %swap3A_98 = memref.load %arg6[%swap3A_97] : memref<256xi32, #tpu.memory_space<smem>>
    memref.store %reduce_max3A_91, %arg6[%swap3A_97] : memref<256xi32, #tpu.memory_space<smem>>
    %eq3A_99 = arith.constant 2 : i32
    %eq3A_100 = vector.broadcast %eq3A_99 : i32 to vector<16xi32>
    %eq3A_101 = arith.cmpi eq, %iota3A, %eq3A_100 : vector<16xi32>
    %jit3A_102 = arith.constant -2147483648 : i32
    %broadcast_in_dim3A_103 = vector.broadcast %jit3A_102 : i32 to vector<16xi32>
    %select_n3A_104 = arith.select %eq3A_101, %gather3A, %broadcast_in_dim3A_103 : vector<16xi1>, vector<16xi32>
    %reduce_max3A_105 = arith.constant true
    %reduce_max3A_106 = vector.broadcast %reduce_max3A_105 : i1 to vector<16xi1>
    %reduce_max3A_107 = arith.constant -2147483648 : i32
    %reduce_max3A_108 = vector.broadcast %reduce_max3A_107 : i32 to vector<16xi32>
    %reduce_max3A_109 = arith.xori %select_n3A_104, %reduce_max3A_108 : vector<16xi32>
    %reduce_max3A_110 = tpu.scan <max>, %reduce_max3A_109 masked %reduce_max3A_106 : vector<16xi32>, vector<16xi1> -> vector<16xi32>
    %reduce_max3A_111 = arith.xori %reduce_max3A_110, %reduce_max3A_108 : vector<16xi32>
    %reduce_max3A_112 = vector.extract %reduce_max3A_111[15] : i32 from vector<16xi32>
    %mul3A_113 = arith.constant 0 : i32
    %mul3A_114 = arith.constant 16 : i32
    %mul3A_115 = arith.muli %mul3A_113, %mul3A_114 : i32
    %add3A_116 = arith.constant 2 : i32
    %add3A_117 = arith.addi %mul3A_115, %add3A_116 : i32
    %swap3A_118 = arith.index_cast %add3A_117 : i32 to index
    %swap3A_119 = memref.load %arg6[%swap3A_118] : memref<256xi32, #tpu.memory_space<smem>>
    memref.store %reduce_max3A_112, %arg6[%swap3A_118] : memref<256xi32, #tpu.memory_space<smem>>
    %eq3A_120 = arith.constant 3 : i32
    %eq3A_121 = vector.broadcast %eq3A_120 : i32 to vector<16xi32>
    %eq3A_122 = arith.cmpi eq, %iota3A, %eq3A_121 : vector<16xi32>
    %jit3A_123 = arith.constant -2147483648 : i32
    %broadcast_in_dim3A_124 = vector.broadcast %jit3A_123 : i32 to vector<16xi32>
    %select_n3A_125 = arith.select %eq3A_122, %gather3A, %broadcast_in_dim3A_124 : vector<16xi1>, vector<16xi32>
    %reduce_max3A_126 = arith.constant true
    %reduce_max3A_127 = vector.broadcast %reduce_max3A_126 : i1 to vector<16xi1>
    %reduce_max3A_128 = arith.constant -2147483648 : i32
    %reduce_max3A_129 = vector.broadcast %reduce_max3A_128 : i32 to vector<16xi32>
    %reduce_max3A_130 = arith.xori %select_n3A_125, %reduce_max3A_129 : vector<16xi32>
    %reduce_max3A_131 = tpu.scan <max>, %reduce_max3A_130 masked %reduce_max3A_127 : vector<16xi32>, vector<16xi1> -> vector<16xi32>
    %reduce_max3A_132 = arith.xori %reduce_max3A_131, %reduce_max3A_129 : vector<16xi32>
    %reduce_max3A_133 = vector.extract %reduce_max3A_132[15] : i32 from vector<16xi32>
    %mul3A_134 = arith.constant 0 : i32
    %mul3A_135 = arith.constant 16 : i32
    %mul3A_136 = arith.muli %mul3A_134, %mul3A_135 : i32
    %add3A_137 = arith.constant 3 : i32
    %add3A_138 = arith.addi %mul3A_136, %add3A_137 : i32
    %swap3A_139 = arith.index_cast %add3A_138 : i32 to index
    %swap3A_140 = memref.load %arg6[%swap3A_139] : memref<256xi32, #tpu.memory_space<smem>>
    memref.store %reduce_max3A_133, %arg6[%swap3A_139] : memref<256xi32, #tpu.memory_space<smem>>
    %eq3A_141 = arith.constant 4 : i32
    %eq3A_142 = vector.broadcast %eq3A_141 : i32 to vector<16xi32>
    %eq3A_143 = arith.cmpi eq, %iota3A, %eq3A_142 : vector<16xi32>
    %jit3A_144 = arith.constant -2147483648 : i32
    %broadcast_in_dim3A_145 = vector.broadcast %jit3A_144 : i32 to vector<16xi32>
    %select_n3A_146 = arith.select %eq3A_143, %gather3A, %broadcast_in_dim3A_145 : vector<16xi1>, vector<16xi32>
    %reduce_max3A_147 = arith.constant true
    %reduce_max3A_148 = vector.broadcast %reduce_max3A_147 : i1 to vector<16xi1>
    %reduce_max3A_149 = arith.constant -2147483648 : i32
    %reduce_max3A_150 = vector.broadcast %reduce_max3A_149 : i32 to vector<16xi32>
    %reduce_max3A_151 = arith.xori %select_n3A_146, %reduce_max3A_150 : vector<16xi32>
    %reduce_max3A_152 = tpu.scan <max>, %reduce_max3A_151 masked %reduce_max3A_148 : vector<16xi32>, vector<16xi1> -> vector<16xi32>
    %reduce_max3A_153 = arith.xori %reduce_max3A_152, %reduce_max3A_150 : vector<16xi32>
    %reduce_max3A_154 = vector.extract %reduce_max3A_153[15] : i32 from vector<16xi32>
    %mul3A_155 = arith.constant 0 : i32
    %mul3A_156 = arith.constant 16 : i32
    %mul3A_157 = arith.muli %mul3A_155, %mul3A_156 : i32
    %add3A_158 = arith.constant 4 : i32
    %add3A_159 = arith.addi %mul3A_157, %add3A_158 : i32
    %swap3A_160 = arith.index_cast %add3A_159 : i32 to index
    %swap3A_161 = memref.load %arg6[%swap3A_160] : memref<256xi32, #tpu.memory_space<smem>>
    memref.store %reduce_max3A_154, %arg6[%swap3A_160] : memref<256xi32, #tpu.memory_space<smem>>
    %eq3A_162 = arith.constant 5 : i32
    %eq3A_163 = vector.broadcast %eq3A_162 : i32 to vector<16xi32>
    %eq3A_164 = arith.cmpi eq, %iota3A, %eq3A_163 : vector<16xi32>
    %jit3A_165 = arith.constant -2147483648 : i32
    %broadcast_in_dim3A_166 = vector.broadcast %jit3A_165 : i32 to vector<16xi32>
    %select_n3A_167 = arith.select %eq3A_164, %gather3A, %broadcast_in_dim3A_166 : vector<16xi1>, vector<16xi32>
    %reduce_max3A_168 = arith.constant true
    %reduce_max3A_169 = vector.broadcast %reduce_max3A_168 : i1 to vector<16xi1>
    %reduce_max3A_170 = arith.constant -2147483648 : i32
    %reduce_max3A_171 = vector.broadcast %reduce_max3A_170 : i32 to vector<16xi32>
    %reduce_max3A_172 = arith.xori %select_n3A_167, %reduce_max3A_171 : vector<16xi32>
    %reduce_max3A_173 = tpu.scan <max>, %reduce_max3A_172 masked %reduce_max3A_169 : vector<16xi32>, vector<16xi1> -> vector<16xi32>
    %reduce_max3A_174 = arith.xori %reduce_max3A_173, %reduce_max3A_171 : vector<16xi32>
    %reduce_max3A_175 = vector.extract %reduce_max3A_174[15] : i32 from vector<16xi32>
    %mul3A_176 = arith.constant 0 : i32
    %mul3A_177 = arith.constant 16 : i32
    %mul3A_178 = arith.muli %mul3A_176, %mul3A_177 : i32
    %add3A_179 = arith.constant 5 : i32
    %add3A_180 = arith.addi %mul3A_178, %add3A_179 : i32
    %swap3A_181 = arith.index_cast %add3A_180 : i32 to index
    %swap3A_182 = memref.load %arg6[%swap3A_181] : memref<256xi32, #tpu.memory_space<smem>>
    memref.store %reduce_max3A_175, %arg6[%swap3A_181] : memref<256xi32, #tpu.memory_space<smem>>
    %eq3A_183 = arith.constant 6 : i32
    %eq3A_184 = vector.broadcast %eq3A_183 : i32 to vector<16xi32>
    %eq3A_185 = arith.cmpi eq, %iota3A, %eq3A_184 : vector<16xi32>
    %jit3A_186 = arith.constant -2147483648 : i32
    %broadcast_in_dim3A_187 = vector.broadcast %jit3A_186 : i32 to vector<16xi32>
    %select_n3A_188 = arith.select %eq3A_185, %gather3A, %broadcast_in_dim3A_187 : vector<16xi1>, vector<16xi32>
    %reduce_max3A_189 = arith.constant true
    %reduce_max3A_190 = vector.broadcast %reduce_max3A_189 : i1 to vector<16xi1>
    %reduce_max3A_191 = arith.constant -2147483648 : i32
    %reduce_max3A_192 = vector.broadcast %reduce_max3A_191 : i32 to vector<16xi32>
    %reduce_max3A_193 = arith.xori %select_n3A_188, %reduce_max3A_192 : vector<16xi32>
    %reduce_max3A_194 = tpu.scan <max>, %reduce_max3A_193 masked %reduce_max3A_190 : vector<16xi32>, vector<16xi1> -> vector<16xi32>
    %reduce_max3A_195 = arith.xori %reduce_max3A_194, %reduce_max3A_192 : vector<16xi32>
    %reduce_max3A_196 = vector.extract %reduce_max3A_195[15] : i32 from vector<16xi32>
    %mul3A_197 = arith.constant 0 : i32
    %mul3A_198 = arith.constant 16 : i32
    %mul3A_199 = arith.muli %mul3A_197, %mul3A_198 : i32
    %add3A_200 = arith.constant 6 : i32
    %add3A_201 = arith.addi %mul3A_199, %add3A_200 : i32
    %swap3A_202 = arith.index_cast %add3A_201 : i32 to index
    %swap3A_203 = memref.load %arg6[%swap3A_202] : memref<256xi32, #tpu.memory_space<smem>>
    memref.store %reduce_max3A_196, %arg6[%swap3A_202] : memref<256xi32, #tpu.memory_space<smem>>
    %eq3A_204 = arith.constant 7 : i32
    %eq3A_205 = vector.broadcast %eq3A_204 : i32 to vector<16xi32>
    %eq3A_206 = arith.cmpi eq, %iota3A, %eq3A_205 : vector<16xi32>
    %jit3A_207 = arith.constant -2147483648 : i32
    %broadcast_in_dim3A_208 = vector.broadcast %jit3A_207 : i32 to vector<16xi32>
    %select_n3A_209 = arith.select %eq3A_206, %gather3A, %broadcast_in_dim3A_208 : vector<16xi1>, vector<16xi32>
    %reduce_max3A_210 = arith.constant true
    %reduce_max3A_211 = vector.broadcast %reduce_max3A_210 : i1 to vector<16xi1>
    %reduce_max3A_212 = arith.constant -2147483648 : i32
    %reduce_max3A_213 = vector.broadcast %reduce_max3A_212 : i32 to vector<16xi32>
    %reduce_max3A_214 = arith.xori %select_n3A_209, %reduce_max3A_213 : vector<16xi32>
    %reduce_max3A_215 = tpu.scan <max>, %reduce_max3A_214 masked %reduce_max3A_211 : vector<16xi32>, vector<16xi1> -> vector<16xi32>
    %reduce_max3A_216 = arith.xori %reduce_max3A_215, %reduce_max3A_213 : vector<16xi32>
    %reduce_max3A_217 = vector.extract %reduce_max3A_216[15] : i32 from vector<16xi32>
    %mul3A_218 = arith.constant 0 : i32
    %mul3A_219 = arith.constant 16 : i32
    %mul3A_220 = arith.muli %mul3A_218, %mul3A_219 : i32
    %add3A_221 = arith.constant 7 : i32
    %add3A_222 = arith.addi %mul3A_220, %add3A_221 : i32
    %swap3A_223 = arith.index_cast %add3A_222 : i32 to index
    %swap3A_224 = memref.load %arg6[%swap3A_223] : memref<256xi32, #tpu.memory_space<smem>>
    memref.store %reduce_max3A_217, %arg6[%swap3A_223] : memref<256xi32, #tpu.memory_space<smem>>
    %eq3A_225 = arith.constant 8 : i32
    %eq3A_226 = vector.broadcast %eq3A_225 : i32 to vector<16xi32>
    %eq3A_227 = arith.cmpi eq, %iota3A, %eq3A_226 : vector<16xi32>
    %jit3A_228 = arith.constant -2147483648 : i32
    %broadcast_in_dim3A_229 = vector.broadcast %jit3A_228 : i32 to vector<16xi32>
    %select_n3A_230 = arith.select %eq3A_227, %gather3A, %broadcast_in_dim3A_229 : vector<16xi1>, vector<16xi32>
    %reduce_max3A_231 = arith.constant true
    %reduce_max3A_232 = vector.broadcast %reduce_max3A_231 : i1 to vector<16xi1>
    %reduce_max3A_233 = arith.constant -2147483648 : i32
    %reduce_max3A_234 = vector.broadcast %reduce_max3A_233 : i32 to vector<16xi32>
    %reduce_max3A_235 = arith.xori %select_n3A_230, %reduce_max3A_234 : vector<16xi32>
    %reduce_max3A_236 = tpu.scan <max>, %reduce_max3A_235 masked %reduce_max3A_232 : vector<16xi32>, vector<16xi1> -> vector<16xi32>
    %reduce_max3A_237 = arith.xori %reduce_max3A_236, %reduce_max3A_234 : vector<16xi32>
    %reduce_max3A_238 = vector.extract %reduce_max3A_237[15] : i32 from vector<16xi32>
    %mul3A_239 = arith.constant 0 : i32
    %mul3A_240 = arith.constant 16 : i32
    %mul3A_241 = arith.muli %mul3A_239, %mul3A_240 : i32
    %add3A_242 = arith.constant 8 : i32
    %add3A_243 = arith.addi %mul3A_241, %add3A_242 : i32
    %swap3A_244 = arith.index_cast %add3A_243 : i32 to index
    %swap3A_245 = memref.load %arg6[%swap3A_244] : memref<256xi32, #tpu.memory_space<smem>>
    memref.store %reduce_max3A_238, %arg6[%swap3A_244] : memref<256xi32, #tpu.memory_space<smem>>
    %eq3A_246 = arith.constant 9 : i32
    %eq3A_247 = vector.broadcast %eq3A_246 : i32 to vector<16xi32>
    %eq3A_248 = arith.cmpi eq, %iota3A, %eq3A_247 : vector<16xi32>
    %jit3A_249 = arith.constant -2147483648 : i32
    %broadcast_in_dim3A_250 = vector.broadcast %jit3A_249 : i32 to vector<16xi32>
    %select_n3A_251 = arith.select %eq3A_248, %gather3A, %broadcast_in_dim3A_250 : vector<16xi1>, vector<16xi32>
    %reduce_max3A_252 = arith.constant true
    %reduce_max3A_253 = vector.broadcast %reduce_max3A_252 : i1 to vector<16xi1>
    %reduce_max3A_254 = arith.constant -2147483648 : i32
    %reduce_max3A_255 = vector.broadcast %reduce_max3A_254 : i32 to vector<16xi32>
    %reduce_max3A_256 = arith.xori %select_n3A_251, %reduce_max3A_255 : vector<16xi32>
    %reduce_max3A_257 = tpu.scan <max>, %reduce_max3A_256 masked %reduce_max3A_253 : vector<16xi32>, vector<16xi1> -> vector<16xi32>
    %reduce_max3A_258 = arith.xori %reduce_max3A_257, %reduce_max3A_255 : vector<16xi32>
    %reduce_max3A_259 = vector.extract %reduce_max3A_258[15] : i32 from vector<16xi32>
    %mul3A_260 = arith.constant 0 : i32
    %mul3A_261 = arith.constant 16 : i32
    %mul3A_262 = arith.muli %mul3A_260, %mul3A_261 : i32
    %add3A_263 = arith.constant 9 : i32
    %add3A_264 = arith.addi %mul3A_262, %add3A_263 : i32
    %swap3A_265 = arith.index_cast %add3A_264 : i32 to index
    %swap3A_266 = memref.load %arg6[%swap3A_265] : memref<256xi32, #tpu.memory_space<smem>>
    memref.store %reduce_max3A_259, %arg6[%swap3A_265] : memref<256xi32, #tpu.memory_space<smem>>
    %eq3A_267 = arith.constant 10 : i32
    %eq3A_268 = vector.broadcast %eq3A_267 : i32 to vector<16xi32>
    %eq3A_269 = arith.cmpi eq, %iota3A, %eq3A_268 : vector<16xi32>
    %jit3A_270 = arith.constant -2147483648 : i32
    %broadcast_in_dim3A_271 = vector.broadcast %jit3A_270 : i32 to vector<16xi32>
    %select_n3A_272 = arith.select %eq3A_269, %gather3A, %broadcast_in_dim3A_271 : vector<16xi1>, vector<16xi32>
    %reduce_max3A_273 = arith.constant true
    %reduce_max3A_274 = vector.broadcast %reduce_max3A_273 : i1 to vector<16xi1>
    %reduce_max3A_275 = arith.constant -2147483648 : i32
    %reduce_max3A_276 = vector.broadcast %reduce_max3A_275 : i32 to vector<16xi32>
    %reduce_max3A_277 = arith.xori %select_n3A_272, %reduce_max3A_276 : vector<16xi32>
    %reduce_max3A_278 = tpu.scan <max>, %reduce_max3A_277 masked %reduce_max3A_274 : vector<16xi32>, vector<16xi1> -> vector<16xi32>
    %reduce_max3A_279 = arith.xori %reduce_max3A_278, %reduce_max3A_276 : vector<16xi32>
    %reduce_max3A_280 = vector.extract %reduce_max3A_279[15] : i32 from vector<16xi32>
    %mul3A_281 = arith.constant 0 : i32
    %mul3A_282 = arith.constant 16 : i32
    %mul3A_283 = arith.muli %mul3A_281, %mul3A_282 : i32
    %add3A_284 = arith.constant 10 : i32
    %add3A_285 = arith.addi %mul3A_283, %add3A_284 : i32
    %swap3A_286 = arith.index_cast %add3A_285 : i32 to index
    %swap3A_287 = memref.load %arg6[%swap3A_286] : memref<256xi32, #tpu.memory_space<smem>>
    memref.store %reduce_max3A_280, %arg6[%swap3A_286] : memref<256xi32, #tpu.memory_space<smem>>
    %eq3A_288 = arith.constant 11 : i32
    %eq3A_289 = vector.broadcast %eq3A_288 : i32 to vector<16xi32>
    %eq3A_290 = arith.cmpi eq, %iota3A, %eq3A_289 : vector<16xi32>
    %jit3A_291 = arith.constant -2147483648 : i32
    %broadcast_in_dim3A_292 = vector.broadcast %jit3A_291 : i32 to vector<16xi32>
    %select_n3A_293 = arith.select %eq3A_290, %gather3A, %broadcast_in_dim3A_292 : vector<16xi1>, vector<16xi32>
    %reduce_max3A_294 = arith.constant true
    %reduce_max3A_295 = vector.broadcast %reduce_max3A_294 : i1 to vector<16xi1>
    %reduce_max3A_296 = arith.constant -2147483648 : i32
    %reduce_max3A_297 = vector.broadcast %reduce_max3A_296 : i32 to vector<16xi32>
    %reduce_max3A_298 = arith.xori %select_n3A_293, %reduce_max3A_297 : vector<16xi32>
    %reduce_max3A_299 = tpu.scan <max>, %reduce_max3A_298 masked %reduce_max3A_295 : vector<16xi32>, vector<16xi1> -> vector<16xi32>
    %reduce_max3A_300 = arith.xori %reduce_max3A_299, %reduce_max3A_297 : vector<16xi32>
    %reduce_max3A_301 = vector.extract %reduce_max3A_300[15] : i32 from vector<16xi32>
    %mul3A_302 = arith.constant 0 : i32
    %mul3A_303 = arith.constant 16 : i32
    %mul3A_304 = arith.muli %mul3A_302, %mul3A_303 : i32
    %add3A_305 = arith.constant 11 : i32
    %add3A_306 = arith.addi %mul3A_304, %add3A_305 : i32
    %swap3A_307 = arith.index_cast %add3A_306 : i32 to index
    %swap3A_308 = memref.load %arg6[%swap3A_307] : memref<256xi32, #tpu.memory_space<smem>>
    memref.store %reduce_max3A_301, %arg6[%swap3A_307] : memref<256xi32, #tpu.memory_space<smem>>
    %eq3A_309 = arith.constant 12 : i32
    %eq3A_310 = vector.broadcast %eq3A_309 : i32 to vector<16xi32>
    %eq3A_311 = arith.cmpi eq, %iota3A, %eq3A_310 : vector<16xi32>
    %jit3A_312 = arith.constant -2147483648 : i32
    %broadcast_in_dim3A_313 = vector.broadcast %jit3A_312 : i32 to vector<16xi32>
    %select_n3A_314 = arith.select %eq3A_311, %gather3A, %broadcast_in_dim3A_313 : vector<16xi1>, vector<16xi32>
    %reduce_max3A_315 = arith.constant true
    %reduce_max3A_316 = vector.broadcast %reduce_max3A_315 : i1 to vector<16xi1>
    %reduce_max3A_317 = arith.constant -2147483648 : i32
    %reduce_max3A_318 = vector.broadcast %reduce_max3A_317 : i32 to vector<16xi32>
    %reduce_max3A_319 = arith.xori %select_n3A_314, %reduce_max3A_318 : vector<16xi32>
    %reduce_max3A_320 = tpu.scan <max>, %reduce_max3A_319 masked %reduce_max3A_316 : vector<16xi32>, vector<16xi1> -> vector<16xi32>
    %reduce_max3A_321 = arith.xori %reduce_max3A_320, %reduce_max3A_318 : vector<16xi32>
    %reduce_max3A_322 = vector.extract %reduce_max3A_321[15] : i32 from vector<16xi32>
    %mul3A_323 = arith.constant 0 : i32
    %mul3A_324 = arith.constant 16 : i32
    %mul3A_325 = arith.muli %mul3A_323, %mul3A_324 : i32
    %add3A_326 = arith.constant 12 : i32
    %add3A_327 = arith.addi %mul3A_325, %add3A_326 : i32
    %swap3A_328 = arith.index_cast %add3A_327 : i32 to index
    %swap3A_329 = memref.load %arg6[%swap3A_328] : memref<256xi32, #tpu.memory_space<smem>>
    memref.store %reduce_max3A_322, %arg6[%swap3A_328] : memref<256xi32, #tpu.memory_space<smem>>
    %eq3A_330 = arith.constant 13 : i32
    %eq3A_331 = vector.broadcast %eq3A_330 : i32 to vector<16xi32>
    %eq3A_332 = arith.cmpi eq, %iota3A, %eq3A_331 : vector<16xi32>
    %jit3A_333 = arith.constant -2147483648 : i32
    %broadcast_in_dim3A_334 = vector.broadcast %jit3A_333 : i32 to vector<16xi32>
    %select_n3A_335 = arith.select %eq3A_332, %gather3A, %broadcast_in_dim3A_334 : vector<16xi1>, vector<16xi32>
    %reduce_max3A_336 = arith.constant true
    %reduce_max3A_337 = vector.broadcast %reduce_max3A_336 : i1 to vector<16xi1>
    %reduce_max3A_338 = arith.constant -2147483648 : i32
    %reduce_max3A_339 = vector.broadcast %reduce_max3A_338 : i32 to vector<16xi32>
    %reduce_max3A_340 = arith.xori %select_n3A_335, %reduce_max3A_339 : vector<16xi32>
    %reduce_max3A_341 = tpu.scan <max>, %reduce_max3A_340 masked %reduce_max3A_337 : vector<16xi32>, vector<16xi1> -> vector<16xi32>
    %reduce_max3A_342 = arith.xori %reduce_max3A_341, %reduce_max3A_339 : vector<16xi32>
    %reduce_max3A_343 = vector.extract %reduce_max3A_342[15] : i32 from vector<16xi32>
    %mul3A_344 = arith.constant 0 : i32
    %mul3A_345 = arith.constant 16 : i32
    %mul3A_346 = arith.muli %mul3A_344, %mul3A_345 : i32
    %add3A_347 = arith.constant 13 : i32
    %add3A_348 = arith.addi %mul3A_346, %add3A_347 : i32
    %swap3A_349 = arith.index_cast %add3A_348 : i32 to index
    %swap3A_350 = memref.load %arg6[%swap3A_349] : memref<256xi32, #tpu.memory_space<smem>>
    memref.store %reduce_max3A_343, %arg6[%swap3A_349] : memref<256xi32, #tpu.memory_space<smem>>
    %eq3A_351 = arith.constant 14 : i32
    %eq3A_352 = vector.broadcast %eq3A_351 : i32 to vector<16xi32>
    %eq3A_353 = arith.cmpi eq, %iota3A, %eq3A_352 : vector<16xi32>
    %jit3A_354 = arith.constant -2147483648 : i32
    %broadcast_in_dim3A_355 = vector.broadcast %jit3A_354 : i32 to vector<16xi32>
    %select_n3A_356 = arith.select %eq3A_353, %gather3A, %broadcast_in_dim3A_355 : vector<16xi1>, vector<16xi32>
    %reduce_max3A_357 = arith.constant true
    %reduce_max3A_358 = vector.broadcast %reduce_max3A_357 : i1 to vector<16xi1>
    %reduce_max3A_359 = arith.constant -2147483648 : i32
    %reduce_max3A_360 = vector.broadcast %reduce_max3A_359 : i32 to vector<16xi32>
    %reduce_max3A_361 = arith.xori %select_n3A_356, %reduce_max3A_360 : vector<16xi32>
    %reduce_max3A_362 = tpu.scan <max>, %reduce_max3A_361 masked %reduce_max3A_358 : vector<16xi32>, vector<16xi1> -> vector<16xi32>
    %reduce_max3A_363 = arith.xori %reduce_max3A_362, %reduce_max3A_360 : vector<16xi32>
    %reduce_max3A_364 = vector.extract %reduce_max3A_363[15] : i32 from vector<16xi32>
    %mul3A_365 = arith.constant 0 : i32
    %mul3A_366 = arith.constant 16 : i32
    %mul3A_367 = arith.muli %mul3A_365, %mul3A_366 : i32
    %add3A_368 = arith.constant 14 : i32
    %add3A_369 = arith.addi %mul3A_367, %add3A_368 : i32
    %swap3A_370 = arith.index_cast %add3A_369 : i32 to index
    %swap3A_371 = memref.load %arg6[%swap3A_370] : memref<256xi32, #tpu.memory_space<smem>>
    memref.store %reduce_max3A_364, %arg6[%swap3A_370] : memref<256xi32, #tpu.memory_space<smem>>
    %eq3A_372 = arith.constant 15 : i32
    %eq3A_373 = vector.broadcast %eq3A_372 : i32 to vector<16xi32>
    %eq3A_374 = arith.cmpi eq, %iota3A, %eq3A_373 : vector<16xi32>
    %jit3A_375 = arith.constant -2147483648 : i32
    %broadcast_in_dim3A_376 = vector.broadcast %jit3A_375 : i32 to vector<16xi32>
    %select_n3A_377 = arith.select %eq3A_374, %gather3A, %broadcast_in_dim3A_376 : vector<16xi1>, vector<16xi32>
    %reduce_max3A_378 = arith.constant true
    %reduce_max3A_379 = vector.broadcast %reduce_max3A_378 : i1 to vector<16xi1>
    %reduce_max3A_380 = arith.constant -2147483648 : i32
    %reduce_max3A_381 = vector.broadcast %reduce_max3A_380 : i32 to vector<16xi32>
    %reduce_max3A_382 = arith.xori %select_n3A_377, %reduce_max3A_381 : vector<16xi32>
    %reduce_max3A_383 = tpu.scan <max>, %reduce_max3A_382 masked %reduce_max3A_379 : vector<16xi32>, vector<16xi1> -> vector<16xi32>
    %reduce_max3A_384 = arith.xori %reduce_max3A_383, %reduce_max3A_381 : vector<16xi32>
    %reduce_max3A_385 = vector.extract %reduce_max3A_384[15] : i32 from vector<16xi32>
    %mul3A_386 = arith.constant 0 : i32
    %mul3A_387 = arith.constant 16 : i32
    %mul3A_388 = arith.muli %mul3A_386, %mul3A_387 : i32
    %add3A_389 = arith.constant 15 : i32
    %add3A_390 = arith.addi %mul3A_388, %add3A_389 : i32
    %swap3A_391 = arith.index_cast %add3A_390 : i32 to index
    %swap3A_392 = memref.load %arg6[%swap3A_391] : memref<256xi32, #tpu.memory_space<smem>>
    memref.store %reduce_max3A_385, %arg6[%swap3A_391] : memref<256xi32, #tpu.memory_space<smem>>
    %add3A_393 = arith.constant 0 : i32
    %add3A_394 = arith.addi %rem3A_3, %add3A_393 : i32
    %run_scoped3A = arith.constant 0 : i32
    "tpu.region"() ({
      %run_scoped3A_637 = tpu.sem_alloc : memref<!tpu.dma_semaphore, #tpu.memory_space<semaphore_mem>>
      %dma_start3A_638 = arith.constant 0 : i32
      %dma_start3A_639 = arith.constant 0 : i32
      %dma_start3A_640 = tpu.memref_slice %arg10[%run_scoped3A, %dma_start3A_638, %dma_start3A_639] : memref<2x64x128xf32, #tpu.memory_space<vmem>> -> memref<1x64x128xf32, #tpu.memory_space<vmem>>
      %dma_start3A_641 = tpu.memref_squeeze %dma_start3A_640 : memref<1x64x128xf32, #tpu.memory_space<vmem>> -> memref<64x128xf32, #tpu.memory_space<vmem>>
      %dma_start3A_642 = arith.constant 0 : i32
      %dma_start3A_643 = tpu.memref_slice %arg4[%dma_start3A_642, %add3A_394] : memref<64x2048xf32, #tpu.memory_space<hbm>> -> memref<64x128xf32, #tpu.memory_space<hbm>>
      %dma_start3A_644 = arith.constant 0 : i32
      %dma_start3A_645 = arith.constant 0 : i32
      %dma_start3A_646 = tpu.memref_slice %arg10[%run_scoped3A, %dma_start3A_644, %dma_start3A_645] : memref<2x64x128xf32, #tpu.memory_space<vmem>> -> memref<1x64x128xf32, #tpu.memory_space<vmem>>
      %dma_start3A_647 = tpu.memref_squeeze %dma_start3A_646 : memref<1x64x128xf32, #tpu.memory_space<vmem>> -> memref<64x128xf32, #tpu.memory_space<vmem>>
      %dma_start3A_648 = arith.constant 0 : i32
      %dma_start3A_649 = tpu.memref_slice %arg4[%dma_start3A_648, %add3A_394] : memref<64x2048xf32, #tpu.memory_space<hbm>> -> memref<64x128xf32, #tpu.memory_space<hbm>>
      tpu.enqueue_dma source(%dma_start3A_649 : memref<64x128xf32, #tpu.memory_space<hbm>>) target(%dma_start3A_647 : memref<64x128xf32, #tpu.memory_space<vmem>>) target_semaphore(%run_scoped3A_637 : memref<!tpu.dma_semaphore, #tpu.memory_space<semaphore_mem>>)
      %dma_wait3A = arith.constant 0 : i32
      %dma_wait3A_650 = arith.constant 0 : i32
      %dma_wait3A_651 = tpu.memref_slice %arg10[%run_scoped3A, %dma_wait3A, %dma_wait3A_650] : memref<2x64x128xf32, #tpu.memory_space<vmem>> -> memref<1x64x128xf32, #tpu.memory_space<vmem>>
      %dma_wait3A_652 = tpu.memref_squeeze %dma_wait3A_651 : memref<1x64x128xf32, #tpu.memory_space<vmem>> -> memref<64x128xf32, #tpu.memory_space<vmem>>
      %dma_wait3A_653 = arith.constant 0 : i32
      %dma_wait3A_654 = tpu.memref_slice %arg4[%dma_wait3A_653, %add3A_394] : memref<64x2048xf32, #tpu.memory_space<hbm>> -> memref<64x128xf32, #tpu.memory_space<hbm>>
      %dma_wait3A_655 = arith.constant 0 : i32
      %dma_wait3A_656 = arith.constant 0 : i32
      %dma_wait3A_657 = tpu.memref_slice %arg10[%run_scoped3A, %dma_wait3A_655, %dma_wait3A_656] : memref<2x64x128xf32, #tpu.memory_space<vmem>> -> memref<1x64x128xf32, #tpu.memory_space<vmem>>
      %dma_wait3A_658 = tpu.memref_squeeze %dma_wait3A_657 : memref<1x64x128xf32, #tpu.memory_space<vmem>> -> memref<64x128xf32, #tpu.memory_space<vmem>>
      %dma_wait3A_659 = arith.constant 0 : i32
      %dma_wait3A_660 = tpu.memref_slice %arg4[%dma_wait3A_659, %add3A_394] : memref<64x2048xf32, #tpu.memory_space<hbm>> -> memref<64x128xf32, #tpu.memory_space<hbm>>
      tpu.wait_dma2 semaphore(%run_scoped3A_637 : memref<!tpu.dma_semaphore, #tpu.memory_space<semaphore_mem>>) src(%dma_wait3A_660 : memref<64x128xf32, #tpu.memory_space<hbm>>) dst(%dma_wait3A_658 : memref<64x128xf32, #tpu.memory_space<vmem>>)
      tpu.yield
    }) : () -> ()
    %add3A_395 = arith.constant 128 : i32
    %add3A_396 = arith.addi %rem3A_3, %add3A_395 : i32
    %run_scoped3A_397 = arith.constant 1 : i32
    "tpu.region"() ({
      %run_scoped3A_637 = tpu.sem_alloc : memref<!tpu.dma_semaphore, #tpu.memory_space<semaphore_mem>>
      %dma_start3A_638 = arith.constant 0 : i32
      %dma_start3A_639 = arith.constant 0 : i32
      %dma_start3A_640 = tpu.memref_slice %arg10[%run_scoped3A_397, %dma_start3A_638, %dma_start3A_639] : memref<2x64x128xf32, #tpu.memory_space<vmem>> -> memref<1x64x128xf32, #tpu.memory_space<vmem>>
      %dma_start3A_641 = tpu.memref_squeeze %dma_start3A_640 : memref<1x64x128xf32, #tpu.memory_space<vmem>> -> memref<64x128xf32, #tpu.memory_space<vmem>>
      %dma_start3A_642 = arith.constant 0 : i32
      %dma_start3A_643 = tpu.memref_slice %arg4[%dma_start3A_642, %add3A_396] : memref<64x2048xf32, #tpu.memory_space<hbm>> -> memref<64x128xf32, #tpu.memory_space<hbm>>
      %dma_start3A_644 = arith.constant 0 : i32
      %dma_start3A_645 = arith.constant 0 : i32
      %dma_start3A_646 = tpu.memref_slice %arg10[%run_scoped3A_397, %dma_start3A_644, %dma_start3A_645] : memref<2x64x128xf32, #tpu.memory_space<vmem>> -> memref<1x64x128xf32, #tpu.memory_space<vmem>>
      %dma_start3A_647 = tpu.memref_squeeze %dma_start3A_646 : memref<1x64x128xf32, #tpu.memory_space<vmem>> -> memref<64x128xf32, #tpu.memory_space<vmem>>
      %dma_start3A_648 = arith.constant 0 : i32
      %dma_start3A_649 = tpu.memref_slice %arg4[%dma_start3A_648, %add3A_396] : memref<64x2048xf32, #tpu.memory_space<hbm>> -> memref<64x128xf32, #tpu.memory_space<hbm>>
      tpu.enqueue_dma source(%dma_start3A_649 : memref<64x128xf32, #tpu.memory_space<hbm>>) target(%dma_start3A_647 : memref<64x128xf32, #tpu.memory_space<vmem>>) target_semaphore(%run_scoped3A_637 : memref<!tpu.dma_semaphore, #tpu.memory_space<semaphore_mem>>)
      %dma_wait3A = arith.constant 0 : i32
      %dma_wait3A_650 = arith.constant 0 : i32
      %dma_wait3A_651 = tpu.memref_slice %arg10[%run_scoped3A_397, %dma_wait3A, %dma_wait3A_650] : memref<2x64x128xf32, #tpu.memory_space<vmem>> -> memref<1x64x128xf32, #tpu.memory_space<vmem>>
      %dma_wait3A_652 = tpu.memref_squeeze %dma_wait3A_651 : memref<1x64x128xf32, #tpu.memory_space<vmem>> -> memref<64x128xf32, #tpu.memory_space<vmem>>
      %dma_wait3A_653 = arith.constant 0 : i32
      %dma_wait3A_654 = tpu.memref_slice %arg4[%dma_wait3A_653, %add3A_396] : memref<64x2048xf32, #tpu.memory_space<hbm>> -> memref<64x128xf32, #tpu.memory_space<hbm>>
      %dma_wait3A_655 = arith.constant 0 : i32
      %dma_wait3A_656 = arith.constant 0 : i32
      %dma_wait3A_657 = tpu.memref_slice %arg10[%run_scoped3A_397, %dma_wait3A_655, %dma_wait3A_656] : memref<2x64x128xf32, #tpu.memory_space<vmem>> -> memref<1x64x128xf32, #tpu.memory_space<vmem>>
      %dma_wait3A_658 = tpu.memref_squeeze %dma_wait3A_657 : memref<1x64x128xf32, #tpu.memory_space<vmem>> -> memref<64x128xf32, #tpu.memory_space<vmem>>
      %dma_wait3A_659 = arith.constant 0 : i32
      %dma_wait3A_660 = tpu.memref_slice %arg4[%dma_wait3A_659, %add3A_396] : memref<64x2048xf32, #tpu.memory_space<hbm>> -> memref<64x128xf32, #tpu.memory_space<hbm>>
      tpu.wait_dma2 semaphore(%run_scoped3A_637 : memref<!tpu.dma_semaphore, #tpu.memory_space<semaphore_mem>>) src(%dma_wait3A_660 : memref<64x128xf32, #tpu.memory_space<hbm>>) dst(%dma_wait3A_658 : memref<64x128xf32, #tpu.memory_space<vmem>>)
      tpu.yield
    }) : () -> ()
    %get3A = arith.constant 0 : i32
    %get3A_398 = arith.index_cast %get3A : i32 to index
    %get3A_399 = memref.load %arg6[%get3A_398] : memref<256xi32, #tpu.memory_space<smem>>
    %shift_right_arithmetic3A = arith.constant 7 : i32
    %shift_right_arithmetic3A_400 = arith.shrsi %get3A_399, %shift_right_arithmetic3A : i32
    %mul3A_401 = arith.constant 128 : i32
    %mul3A_402 = arith.muli %shift_right_arithmetic3A_400, %mul3A_401 : i32
    %multiple_of3A_403 = tpu.assume_multiple %mul3A_402, 128 : i32
    %dma_start3A = arith.constant 0 : i32
    %dma_start3A_404 = arith.constant 0 : i32
    %dma_start3A_405 = arith.constant 0 : i32
    %dma_start3A_406 = arith.constant 0 : i32
    %dma_start3A_407 = arith.constant 0 : i32
    %dma_start3A_408 = tpu.memref_slice %arg8[%dma_start3A, %dma_start3A_405, %dma_start3A_406, %dma_start3A_407] : memref<8x8x8x128xf32, #tpu.memory_space<vmem>> -> memref<1x8x8x128xf32, #tpu.memory_space<vmem>>
    %dma_start3A_409 = tpu.memref_squeeze %dma_start3A_408 : memref<1x8x8x128xf32, #tpu.memory_space<vmem>> -> memref<8x8x128xf32, #tpu.memory_space<vmem>>
    %dma_start3A_410 = arith.constant 0 : i32
    %dma_start3A_411 = arith.constant 0 : i32
    %dma_start3A_412 = tpu.memref_slice %arg2[%dma_start3A_410, %dma_start3A_411, %multiple_of3A_403] : memref<8x8x1000000xf32, #tpu.memory_space<hbm>> -> memref<8x8x128xf32, #tpu.memory_space<hbm>>
    %dma_start3A_413 = tpu.memref_slice %arg11[%dma_start3A_404] : memref<8x!tpu.dma_semaphore, #tpu.memory_space<semaphore_mem>> -> memref<1x!tpu.dma_semaphore, #tpu.memory_space<semaphore_mem>>
    %dma_start3A_414 = tpu.memref_squeeze %dma_start3A_413 : memref<1x!tpu.dma_semaphore, #tpu.memory_space<semaphore_mem>> -> memref<!tpu.dma_semaphore, #tpu.memory_space<semaphore_mem>>
    %dma_start3A_415 = arith.constant 0 : i32
    %dma_start3A_416 = arith.constant 0 : i32
    %dma_start3A_417 = arith.constant 0 : i32
    %dma_start3A_418 = tpu.memref_slice %arg8[%dma_start3A, %dma_start3A_415, %dma_start3A_416, %dma_start3A_417] : memref<8x8x8x128xf32, #tpu.memory_space<vmem>> -> memref<1x8x8x128xf32, #tpu.memory_space<vmem>>
    %dma_start3A_419 = tpu.memref_squeeze %dma_start3A_418 : memref<1x8x8x128xf32, #tpu.memory_space<vmem>> -> memref<8x8x128xf32, #tpu.memory_space<vmem>>
    %dma_start3A_420 = arith.constant 0 : i32
    %dma_start3A_421 = arith.constant 0 : i32
    %dma_start3A_422 = tpu.memref_slice %arg2[%dma_start3A_420, %dma_start3A_421, %multiple_of3A_403] : memref<8x8x1000000xf32, #tpu.memory_space<hbm>> -> memref<8x8x128xf32, #tpu.memory_space<hbm>>
    tpu.enqueue_dma source(%dma_start3A_422 : memref<8x8x128xf32, #tpu.memory_space<hbm>>) target(%dma_start3A_419 : memref<8x8x128xf32, #tpu.memory_space<vmem>>) target_semaphore(%dma_start3A_414 : memref<!tpu.dma_semaphore, #tpu.memory_space<semaphore_mem>>)
    %get3A_423 = arith.constant 1 : i32
    %get3A_424 = arith.index_cast %get3A_423 : i32 to index
    %get3A_425 = memref.load %arg6[%get3A_424] : memref<256xi32, #tpu.memory_space<smem>>
    %shift_right_arithmetic3A_426 = arith.constant 7 : i32
    %shift_right_arithmetic3A_427 = arith.shrsi %get3A_425, %shift_right_arithmetic3A_426 : i32
    %mul3A_428 = arith.constant 128 : i32
    %mul3A_429 = arith.muli %shift_right_arithmetic3A_427, %mul3A_428 : i32
    %multiple_of3A_430 = tpu.assume_multiple %mul3A_429, 128 : i32
    %dma_start3A_431 = arith.constant 1 : i32
    %dma_start3A_432 = arith.constant 1 : i32
    %dma_start3A_433 = arith.constant 0 : i32
    %dma_start3A_434 = arith.constant 0 : i32
    %dma_start3A_435 = arith.constant 0 : i32
    %dma_start3A_436 = tpu.memref_slice %arg8[%dma_start3A_431, %dma_start3A_433, %dma_start3A_434, %dma_start3A_435] : memref<8x8x8x128xf32, #tpu.memory_space<vmem>> -> memref<1x8x8x128xf32, #tpu.memory_space<vmem>>
    %dma_start3A_437 = tpu.memref_squeeze %dma_start3A_436 : memref<1x8x8x128xf32, #tpu.memory_space<vmem>> -> memref<8x8x128xf32, #tpu.memory_space<vmem>>
    %dma_start3A_438 = arith.constant 0 : i32
    %dma_start3A_439 = arith.constant 0 : i32
    %dma_start3A_440 = tpu.memref_slice %arg2[%dma_start3A_438, %dma_start3A_439, %multiple_of3A_430] : memref<8x8x1000000xf32, #tpu.memory_space<hbm>> -> memref<8x8x128xf32, #tpu.memory_space<hbm>>
    %dma_start3A_441 = tpu.memref_slice %arg11[%dma_start3A_432] : memref<8x!tpu.dma_semaphore, #tpu.memory_space<semaphore_mem>> -> memref<1x!tpu.dma_semaphore, #tpu.memory_space<semaphore_mem>>
    %dma_start3A_442 = tpu.memref_squeeze %dma_start3A_441 : memref<1x!tpu.dma_semaphore, #tpu.memory_space<semaphore_mem>> -> memref<!tpu.dma_semaphore, #tpu.memory_space<semaphore_mem>>
    %dma_start3A_443 = arith.constant 0 : i32
    %dma_start3A_444 = arith.constant 0 : i32
    %dma_start3A_445 = arith.constant 0 : i32
    %dma_start3A_446 = tpu.memref_slice %arg8[%dma_start3A_431, %dma_start3A_443, %dma_start3A_444, %dma_start3A_445] : memref<8x8x8x128xf32, #tpu.memory_space<vmem>> -> memref<1x8x8x128xf32, #tpu.memory_space<vmem>>
    %dma_start3A_447 = tpu.memref_squeeze %dma_start3A_446 : memref<1x8x8x128xf32, #tpu.memory_space<vmem>> -> memref<8x8x128xf32, #tpu.memory_space<vmem>>
    %dma_start3A_448 = arith.constant 0 : i32
    %dma_start3A_449 = arith.constant 0 : i32
    %dma_start3A_450 = tpu.memref_slice %arg2[%dma_start3A_448, %dma_start3A_449, %multiple_of3A_430] : memref<8x8x1000000xf32, #tpu.memory_space<hbm>> -> memref<8x8x128xf32, #tpu.memory_space<hbm>>
    tpu.enqueue_dma source(%dma_start3A_450 : memref<8x8x128xf32, #tpu.memory_space<hbm>>) target(%dma_start3A_447 : memref<8x8x128xf32, #tpu.memory_space<vmem>>) target_semaphore(%dma_start3A_442 : memref<!tpu.dma_semaphore, #tpu.memory_space<semaphore_mem>>)
    %get3A_451 = arith.constant 2 : i32
    %get3A_452 = arith.index_cast %get3A_451 : i32 to index
    %get3A_453 = memref.load %arg6[%get3A_452] : memref<256xi32, #tpu.memory_space<smem>>
    %shift_right_arithmetic3A_454 = arith.constant 7 : i32
    %shift_right_arithmetic3A_455 = arith.shrsi %get3A_453, %shift_right_arithmetic3A_454 : i32
    %mul3A_456 = arith.constant 128 : i32
    %mul3A_457 = arith.muli %shift_right_arithmetic3A_455, %mul3A_456 : i32
    %multiple_of3A_458 = tpu.assume_multiple %mul3A_457, 128 : i32
    %dma_start3A_459 = arith.constant 2 : i32
    %dma_start3A_460 = arith.constant 2 : i32
    %dma_start3A_461 = arith.constant 0 : i32
    %dma_start3A_462 = arith.constant 0 : i32
    %dma_start3A_463 = arith.constant 0 : i32
    %dma_start3A_464 = tpu.memref_slice %arg8[%dma_start3A_459, %dma_start3A_461, %dma_start3A_462, %dma_start3A_463] : memref<8x8x8x128xf32, #tpu.memory_space<vmem>> -> memref<1x8x8x128xf32, #tpu.memory_space<vmem>>
    %dma_start3A_465 = tpu.memref_squeeze %dma_start3A_464 : memref<1x8x8x128xf32, #tpu.memory_space<vmem>> -> memref<8x8x128xf32, #tpu.memory_space<vmem>>
    %dma_start3A_466 = arith.constant 0 : i32
    %dma_start3A_467 = arith.constant 0 : i32
    %dma_start3A_468 = tpu.memref_slice %arg2[%dma_start3A_466, %dma_start3A_467, %multiple_of3A_458] : memref<8x8x1000000xf32, #tpu.memory_space<hbm>> -> memref<8x8x128xf32, #tpu.memory_space<hbm>>
    %dma_start3A_469 = tpu.memref_slice %arg11[%dma_start3A_460] : memref<8x!tpu.dma_semaphore, #tpu.memory_space<semaphore_mem>> -> memref<1x!tpu.dma_semaphore, #tpu.memory_space<semaphore_mem>>
    %dma_start3A_470 = tpu.memref_squeeze %dma_start3A_469 : memref<1x!tpu.dma_semaphore, #tpu.memory_space<semaphore_mem>> -> memref<!tpu.dma_semaphore, #tpu.memory_space<semaphore_mem>>
    %dma_start3A_471 = arith.constant 0 : i32
    %dma_start3A_472 = arith.constant 0 : i32
    %dma_start3A_473 = arith.constant 0 : i32
    %dma_start3A_474 = tpu.memref_slice %arg8[%dma_start3A_459, %dma_start3A_471, %dma_start3A_472, %dma_start3A_473] : memref<8x8x8x128xf32, #tpu.memory_space<vmem>> -> memref<1x8x8x128xf32, #tpu.memory_space<vmem>>
    %dma_start3A_475 = tpu.memref_squeeze %dma_start3A_474 : memref<1x8x8x128xf32, #tpu.memory_space<vmem>> -> memref<8x8x128xf32, #tpu.memory_space<vmem>>
    %dma_start3A_476 = arith.constant 0 : i32
    %dma_start3A_477 = arith.constant 0 : i32
    %dma_start3A_478 = tpu.memref_slice %arg2[%dma_start3A_476, %dma_start3A_477, %multiple_of3A_458] : memref<8x8x1000000xf32, #tpu.memory_space<hbm>> -> memref<8x8x128xf32, #tpu.memory_space<hbm>>
    tpu.enqueue_dma source(%dma_start3A_478 : memref<8x8x128xf32, #tpu.memory_space<hbm>>) target(%dma_start3A_475 : memref<8x8x128xf32, #tpu.memory_space<vmem>>) target_semaphore(%dma_start3A_470 : memref<!tpu.dma_semaphore, #tpu.memory_space<semaphore_mem>>)
    %get3A_479 = arith.constant 3 : i32
    %get3A_480 = arith.index_cast %get3A_479 : i32 to index
    %get3A_481 = memref.load %arg6[%get3A_480] : memref<256xi32, #tpu.memory_space<smem>>
    %shift_right_arithmetic3A_482 = arith.constant 7 : i32
    %shift_right_arithmetic3A_483 = arith.shrsi %get3A_481, %shift_right_arithmetic3A_482 : i32
    %mul3A_484 = arith.constant 128 : i32
    %mul3A_485 = arith.muli %shift_right_arithmetic3A_483, %mul3A_484 : i32
    %multiple_of3A_486 = tpu.assume_multiple %mul3A_485, 128 : i32
    %dma_start3A_487 = arith.constant 3 : i32
    %dma_start3A_488 = arith.constant 3 : i32
    %dma_start3A_489 = arith.constant 0 : i32
    %dma_start3A_490 = arith.constant 0 : i32
    %dma_start3A_491 = arith.constant 0 : i32
    %dma_start3A_492 = tpu.memref_slice %arg8[%dma_start3A_487, %dma_start3A_489, %dma_start3A_490, %dma_start3A_491] : memref<8x8x8x128xf32, #tpu.memory_space<vmem>> -> memref<1x8x8x128xf32, #tpu.memory_space<vmem>>
    %dma_start3A_493 = tpu.memref_squeeze %dma_start3A_492 : memref<1x8x8x128xf32, #tpu.memory_space<vmem>> -> memref<8x8x128xf32, #tpu.memory_space<vmem>>
    %dma_start3A_494 = arith.constant 0 : i32
    %dma_start3A_495 = arith.constant 0 : i32
    %dma_start3A_496 = tpu.memref_slice %arg2[%dma_start3A_494, %dma_start3A_495, %multiple_of3A_486] : memref<8x8x1000000xf32, #tpu.memory_space<hbm>> -> memref<8x8x128xf32, #tpu.memory_space<hbm>>
    %dma_start3A_497 = tpu.memref_slice %arg11[%dma_start3A_488] : memref<8x!tpu.dma_semaphore, #tpu.memory_space<semaphore_mem>> -> memref<1x!tpu.dma_semaphore, #tpu.memory_space<semaphore_mem>>
    %dma_start3A_498 = tpu.memref_squeeze %dma_start3A_497 : memref<1x!tpu.dma_semaphore, #tpu.memory_space<semaphore_mem>> -> memref<!tpu.dma_semaphore, #tpu.memory_space<semaphore_mem>>
    %dma_start3A_499 = arith.constant 0 : i32
    %dma_start3A_500 = arith.constant 0 : i32
    %dma_start3A_501 = arith.constant 0 : i32
    %dma_start3A_502 = tpu.memref_slice %arg8[%dma_start3A_487, %dma_start3A_499, %dma_start3A_500, %dma_start3A_501] : memref<8x8x8x128xf32, #tpu.memory_space<vmem>> -> memref<1x8x8x128xf32, #tpu.memory_space<vmem>>
    %dma_start3A_503 = tpu.memref_squeeze %dma_start3A_502 : memref<1x8x8x128xf32, #tpu.memory_space<vmem>> -> memref<8x8x128xf32, #tpu.memory_space<vmem>>
    %dma_start3A_504 = arith.constant 0 : i32
    %dma_start3A_505 = arith.constant 0 : i32
    %dma_start3A_506 = tpu.memref_slice %arg2[%dma_start3A_504, %dma_start3A_505, %multiple_of3A_486] : memref<8x8x1000000xf32, #tpu.memory_space<hbm>> -> memref<8x8x128xf32, #tpu.memory_space<hbm>>
    tpu.enqueue_dma source(%dma_start3A_506 : memref<8x8x128xf32, #tpu.memory_space<hbm>>) target(%dma_start3A_503 : memref<8x8x128xf32, #tpu.memory_space<vmem>>) target_semaphore(%dma_start3A_498 : memref<!tpu.dma_semaphore, #tpu.memory_space<semaphore_mem>>)
    %get3A_507 = arith.constant 4 : i32
    %get3A_508 = arith.index_cast %get3A_507 : i32 to index
    %get3A_509 = memref.load %arg6[%get3A_508] : memref<256xi32, #tpu.memory_space<smem>>
    %shift_right_arithmetic3A_510 = arith.constant 7 : i32
    %shift_right_arithmetic3A_511 = arith.shrsi %get3A_509, %shift_right_arithmetic3A_510 : i32
    %mul3A_512 = arith.constant 128 : i32
    %mul3A_513 = arith.muli %shift_right_arithmetic3A_511, %mul3A_512 : i32
    %multiple_of3A_514 = tpu.assume_multiple %mul3A_513, 128 : i32
    %dma_start3A_515 = arith.constant 4 : i32
    %dma_start3A_516 = arith.constant 4 : i32
    %dma_start3A_517 = arith.constant 0 : i32
    %dma_start3A_518 = arith.constant 0 : i32
    %dma_start3A_519 = arith.constant 0 : i32
    %dma_start3A_520 = tpu.memref_slice %arg8[%dma_start3A_515, %dma_start3A_517, %dma_start3A_518, %dma_start3A_519] : memref<8x8x8x128xf32, #tpu.memory_space<vmem>> -> memref<1x8x8x128xf32, #tpu.memory_space<vmem>>
    %dma_start3A_521 = tpu.memref_squeeze %dma_start3A_520 : memref<1x8x8x128xf32, #tpu.memory_space<vmem>> -> memref<8x8x128xf32, #tpu.memory_space<vmem>>
    %dma_start3A_522 = arith.constant 0 : i32
    %dma_start3A_523 = arith.constant 0 : i32
    %dma_start3A_524 = tpu.memref_slice %arg2[%dma_start3A_522, %dma_start3A_523, %multiple_of3A_514] : memref<8x8x1000000xf32, #tpu.memory_space<hbm>> -> memref<8x8x128xf32, #tpu.memory_space<hbm>>
    %dma_start3A_525 = tpu.memref_slice %arg11[%dma_start3A_516] : memref<8x!tpu.dma_semaphore, #tpu.memory_space<semaphore_mem>> -> memref<1x!tpu.dma_semaphore, #tpu.memory_space<semaphore_mem>>
    %dma_start3A_526 = tpu.memref_squeeze %dma_start3A_525 : memref<1x!tpu.dma_semaphore, #tpu.memory_space<semaphore_mem>> -> memref<!tpu.dma_semaphore, #tpu.memory_space<semaphore_mem>>
    %dma_start3A_527 = arith.constant 0 : i32
    %dma_start3A_528 = arith.constant 0 : i32
    %dma_start3A_529 = arith.constant 0 : i32
    %dma_start3A_530 = tpu.memref_slice %arg8[%dma_start3A_515, %dma_start3A_527, %dma_start3A_528, %dma_start3A_529] : memref<8x8x8x128xf32, #tpu.memory_space<vmem>> -> memref<1x8x8x128xf32, #tpu.memory_space<vmem>>
    %dma_start3A_531 = tpu.memref_squeeze %dma_start3A_530 : memref<1x8x8x128xf32, #tpu.memory_space<vmem>> -> memref<8x8x128xf32, #tpu.memory_space<vmem>>
    %dma_start3A_532 = arith.constant 0 : i32
    %dma_start3A_533 = arith.constant 0 : i32
    %dma_start3A_534 = tpu.memref_slice %arg2[%dma_start3A_532, %dma_start3A_533, %multiple_of3A_514] : memref<8x8x1000000xf32, #tpu.memory_space<hbm>> -> memref<8x8x128xf32, #tpu.memory_space<hbm>>
    tpu.enqueue_dma source(%dma_start3A_534 : memref<8x8x128xf32, #tpu.memory_space<hbm>>) target(%dma_start3A_531 : memref<8x8x128xf32, #tpu.memory_space<vmem>>) target_semaphore(%dma_start3A_526 : memref<!tpu.dma_semaphore, #tpu.memory_space<semaphore_mem>>)
    %get3A_535 = arith.constant 5 : i32
    %get3A_536 = arith.index_cast %get3A_535 : i32 to index
    %get3A_537 = memref.load %arg6[%get3A_536] : memref<256xi32, #tpu.memory_space<smem>>
    %shift_right_arithmetic3A_538 = arith.constant 7 : i32
    %shift_right_arithmetic3A_539 = arith.shrsi %get3A_537, %shift_right_arithmetic3A_538 : i32
    %mul3A_540 = arith.constant 128 : i32
    %mul3A_541 = arith.muli %shift_right_arithmetic3A_539, %mul3A_540 : i32
    %multiple_of3A_542 = tpu.assume_multiple %mul3A_541, 128 : i32
    %dma_start3A_543 = arith.constant 5 : i32
    %dma_start3A_544 = arith.constant 5 : i32
    %dma_start3A_545 = arith.constant 0 : i32
    %dma_start3A_546 = arith.constant 0 : i32
    %dma_start3A_547 = arith.constant 0 : i32
    %dma_start3A_548 = tpu.memref_slice %arg8[%dma_start3A_543, %dma_start3A_545, %dma_start3A_546, %dma_start3A_547] : memref<8x8x8x128xf32, #tpu.memory_space<vmem>> -> memref<1x8x8x128xf32, #tpu.memory_space<vmem>>
    %dma_start3A_549 = tpu.memref_squeeze %dma_start3A_548 : memref<1x8x8x128xf32, #tpu.memory_space<vmem>> -> memref<8x8x128xf32, #tpu.memory_space<vmem>>
    %dma_start3A_550 = arith.constant 0 : i32
    %dma_start3A_551 = arith.constant 0 : i32
    %dma_start3A_552 = tpu.memref_slice %arg2[%dma_start3A_550, %dma_start3A_551, %multiple_of3A_542] : memref<8x8x1000000xf32, #tpu.memory_space<hbm>> -> memref<8x8x128xf32, #tpu.memory_space<hbm>>
    %dma_start3A_553 = tpu.memref_slice %arg11[%dma_start3A_544] : memref<8x!tpu.dma_semaphore, #tpu.memory_space<semaphore_mem>> -> memref<1x!tpu.dma_semaphore, #tpu.memory_space<semaphore_mem>>
    %dma_start3A_554 = tpu.memref_squeeze %dma_start3A_553 : memref<1x!tpu.dma_semaphore, #tpu.memory_space<semaphore_mem>> -> memref<!tpu.dma_semaphore, #tpu.memory_space<semaphore_mem>>
    %dma_start3A_555 = arith.constant 0 : i32
    %dma_start3A_556 = arith.constant 0 : i32
    %dma_start3A_557 = arith.constant 0 : i32
    %dma_start3A_558 = tpu.memref_slice %arg8[%dma_start3A_543, %dma_start3A_555, %dma_start3A_556, %dma_start3A_557] : memref<8x8x8x128xf32, #tpu.memory_space<vmem>> -> memref<1x8x8x128xf32, #tpu.memory_space<vmem>>
    %dma_start3A_559 = tpu.memref_squeeze %dma_start3A_558 : memref<1x8x8x128xf32, #tpu.memory_space<vmem>> -> memref<8x8x128xf32, #tpu.memory_space<vmem>>
    %dma_start3A_560 = arith.constant 0 : i32
    %dma_start3A_561 = arith.constant 0 : i32
    %dma_start3A_562 = tpu.memref_slice %arg2[%dma_start3A_560, %dma_start3A_561, %multiple_of3A_542] : memref<8x8x1000000xf32, #tpu.memory_space<hbm>> -> memref<8x8x128xf32, #tpu.memory_space<hbm>>
    tpu.enqueue_dma source(%dma_start3A_562 : memref<8x8x128xf32, #tpu.memory_space<hbm>>) target(%dma_start3A_559 : memref<8x8x128xf32, #tpu.memory_space<vmem>>) target_semaphore(%dma_start3A_554 : memref<!tpu.dma_semaphore, #tpu.memory_space<semaphore_mem>>)
    %get3A_563 = arith.constant 6 : i32
    %get3A_564 = arith.index_cast %get3A_563 : i32 to index
    %get3A_565 = memref.load %arg6[%get3A_564] : memref<256xi32, #tpu.memory_space<smem>>
    %shift_right_arithmetic3A_566 = arith.constant 7 : i32
    %shift_right_arithmetic3A_567 = arith.shrsi %get3A_565, %shift_right_arithmetic3A_566 : i32
    %mul3A_568 = arith.constant 128 : i32
    %mul3A_569 = arith.muli %shift_right_arithmetic3A_567, %mul3A_568 : i32
    %multiple_of3A_570 = tpu.assume_multiple %mul3A_569, 128 : i32
    %dma_start3A_571 = arith.constant 6 : i32
    %dma_start3A_572 = arith.constant 6 : i32
    %dma_start3A_573 = arith.constant 0 : i32
    %dma_start3A_574 = arith.constant 0 : i32
    %dma_start3A_575 = arith.constant 0 : i32
    %dma_start3A_576 = tpu.memref_slice %arg8[%dma_start3A_571, %dma_start3A_573, %dma_start3A_574, %dma_start3A_575] : memref<8x8x8x128xf32, #tpu.memory_space<vmem>> -> memref<1x8x8x128xf32, #tpu.memory_space<vmem>>
    %dma_start3A_577 = tpu.memref_squeeze %dma_start3A_576 : memref<1x8x8x128xf32, #tpu.memory_space<vmem>> -> memref<8x8x128xf32, #tpu.memory_space<vmem>>
    %dma_start3A_578 = arith.constant 0 : i32
    %dma_start3A_579 = arith.constant 0 : i32
    %dma_start3A_580 = tpu.memref_slice %arg2[%dma_start3A_578, %dma_start3A_579, %multiple_of3A_570] : memref<8x8x1000000xf32, #tpu.memory_space<hbm>> -> memref<8x8x128xf32, #tpu.memory_space<hbm>>
    %dma_start3A_581 = tpu.memref_slice %arg11[%dma_start3A_572] : memref<8x!tpu.dma_semaphore, #tpu.memory_space<semaphore_mem>> -> memref<1x!tpu.dma_semaphore, #tpu.memory_space<semaphore_mem>>
    %dma_start3A_582 = tpu.memref_squeeze %dma_start3A_581 : memref<1x!tpu.dma_semaphore, #tpu.memory_space<semaphore_mem>> -> memref<!tpu.dma_semaphore, #tpu.memory_space<semaphore_mem>>
    %dma_start3A_583 = arith.constant 0 : i32
    %dma_start3A_584 = arith.constant 0 : i32
    %dma_start3A_585 = arith.constant 0 : i32
    %dma_start3A_586 = tpu.memref_slice %arg8[%dma_start3A_571, %dma_start3A_583, %dma_start3A_584, %dma_start3A_585] : memref<8x8x8x128xf32, #tpu.memory_space<vmem>> -> memref<1x8x8x128xf32, #tpu.memory_space<vmem>>
    %dma_start3A_587 = tpu.memref_squeeze %dma_start3A_586 : memref<1x8x8x128xf32, #tpu.memory_space<vmem>> -> memref<8x8x128xf32, #tpu.memory_space<vmem>>
    %dma_start3A_588 = arith.constant 0 : i32
    %dma_start3A_589 = arith.constant 0 : i32
    %dma_start3A_590 = tpu.memref_slice %arg2[%dma_start3A_588, %dma_start3A_589, %multiple_of3A_570] : memref<8x8x1000000xf32, #tpu.memory_space<hbm>> -> memref<8x8x128xf32, #tpu.memory_space<hbm>>
    tpu.enqueue_dma source(%dma_start3A_590 : memref<8x8x128xf32, #tpu.memory_space<hbm>>) target(%dma_start3A_587 : memref<8x8x128xf32, #tpu.memory_space<vmem>>) target_semaphore(%dma_start3A_582 : memref<!tpu.dma_semaphore, #tpu.memory_space<semaphore_mem>>)
    %get3A_591 = arith.constant 7 : i32
    %get3A_592 = arith.index_cast %get3A_591 : i32 to index
    %get3A_593 = memref.load %arg6[%get3A_592] : memref<256xi32, #tpu.memory_space<smem>>
    %shift_right_arithmetic3A_594 = arith.constant 7 : i32
    %shift_right_arithmetic3A_595 = arith.shrsi %get3A_593, %shift_right_arithmetic3A_594 : i32
    %mul3A_596 = arith.constant 128 : i32
    %mul3A_597 = arith.muli %shift_right_arithmetic3A_595, %mul3A_596 : i32
    %multiple_of3A_598 = tpu.assume_multiple %mul3A_597, 128 : i32
    %dma_start3A_599 = arith.constant 7 : i32
    %dma_start3A_600 = arith.constant 7 : i32
    %dma_start3A_601 = arith.constant 0 : i32
    %dma_start3A_602 = arith.constant 0 : i32
    %dma_start3A_603 = arith.constant 0 : i32
    %dma_start3A_604 = tpu.memref_slice %arg8[%dma_start3A_599, %dma_start3A_601, %dma_start3A_602, %dma_start3A_603] : memref<8x8x8x128xf32, #tpu.memory_space<vmem>> -> memref<1x8x8x128xf32, #tpu.memory_space<vmem>>
    %dma_start3A_605 = tpu.memref_squeeze %dma_start3A_604 : memref<1x8x8x128xf32, #tpu.memory_space<vmem>> -> memref<8x8x128xf32, #tpu.memory_space<vmem>>
    %dma_start3A_606 = arith.constant 0 : i32
    %dma_start3A_607 = arith.constant 0 : i32
    %dma_start3A_608 = tpu.memref_slice %arg2[%dma_start3A_606, %dma_start3A_607, %multiple_of3A_598] : memref<8x8x1000000xf32, #tpu.memory_space<hbm>> -> memref<8x8x128xf32, #tpu.memory_space<hbm>>
    %dma_start3A_609 = tpu.memref_slice %arg11[%dma_start3A_600] : memref<8x!tpu.dma_semaphore, #tpu.memory_space<semaphore_mem>> -> memref<1x!tpu.dma_semaphore, #tpu.memory_space<semaphore_mem>>
    %dma_start3A_610 = tpu.memref_squeeze %dma_start3A_609 : memref<1x!tpu.dma_semaphore, #tpu.memory_space<semaphore_mem>> -> memref<!tpu.dma_semaphore, #tpu.memory_space<semaphore_mem>>
    %dma_start3A_611 = arith.constant 0 : i32
    %dma_start3A_612 = arith.constant 0 : i32
    %dma_start3A_613 = arith.constant 0 : i32
    %dma_start3A_614 = tpu.memref_slice %arg8[%dma_start3A_599, %dma_start3A_611, %dma_start3A_612, %dma_start3A_613] : memref<8x8x8x128xf32, #tpu.memory_space<vmem>> -> memref<1x8x8x128xf32, #tpu.memory_space<vmem>>
    %dma_start3A_615 = tpu.memref_squeeze %dma_start3A_614 : memref<1x8x8x128xf32, #tpu.memory_space<vmem>> -> memref<8x8x128xf32, #tpu.memory_space<vmem>>
    %dma_start3A_616 = arith.constant 0 : i32
    %dma_start3A_617 = arith.constant 0 : i32
    %dma_start3A_618 = tpu.memref_slice %arg2[%dma_start3A_616, %dma_start3A_617, %multiple_of3A_598] : memref<8x8x1000000xf32, #tpu.memory_space<hbm>> -> memref<8x8x128xf32, #tpu.memory_space<hbm>>
    tpu.enqueue_dma source(%dma_start3A_618 : memref<8x8x128xf32, #tpu.memory_space<hbm>>) target(%dma_start3A_615 : memref<8x8x128xf32, #tpu.memory_space<vmem>>) target_semaphore(%dma_start3A_610 : memref<!tpu.dma_semaphore, #tpu.memory_space<semaphore_mem>>)
    %scan3A = arith.constant 0 : i32
    %scan3A_619 = arith.constant -2147483648 : i32
    %scan3A_620 = arith.constant 1 : i32
    %scan3A_621 = arith.constant 15 : i32
    %scan3A_622 = arith.addi %scan3A_620, %scan3A_621 : i32
    %scan3A_623 = arith.constant 1 : i32
    scf.for %scan3A_637 = %scan3A_620 to %scan3A_622 step %scan3A_623  : i32 {
      %jit3A_638 = arith.constant 8 : i32
      %div3A_639 = arith.divsi %scan3A_637, %jit3A_638 : i32
      %sign3A_640 = arith.constant 0 : i32
      %sign3A_641 = arith.cmpi sgt, %scan3A_637, %sign3A_640 : i32
      %sign3A_642 = arith.extui %sign3A_641 : i1 to i32
      %sign3A_643 = arith.constant 0 : i32
      %sign3A_644 = arith.cmpi slt, %scan3A_637, %sign3A_643 : i32
      %sign3A_645 = arith.extui %sign3A_644 : i1 to i32
      %sign3A_646 = arith.subi %sign3A_642, %sign3A_645 : i32
      %sign3A_647 = arith.constant 0 : i32
      %sign3A_648 = arith.cmpi sgt, %jit3A_638, %sign3A_647 : i32
      %sign3A_649 = arith.extui %sign3A_648 : i1 to i32
      %sign3A_650 = arith.constant 0 : i32
      %sign3A_651 = arith.cmpi slt, %jit3A_638, %sign3A_650 : i32
      %sign3A_652 = arith.extui %sign3A_651 : i1 to i32
      %sign3A_653 = arith.subi %sign3A_649, %sign3A_652 : i32
      %ne3A_654 = arith.cmpi ne, %sign3A_646, %sign3A_653 : i32
      %rem3A_655 = arith.remsi %scan3A_637, %jit3A_638 : i32
      %ne3A_656 = arith.constant 0 : i32
      %ne3A_657 = arith.cmpi ne, %rem3A_655, %ne3A_656 : i32
      %and3A_658 = arith.andi %ne3A_654, %ne3A_657 : i1
      %sub3A_659 = arith.constant 1 : i32
      %sub3A_660 = arith.subi %div3A_639, %sub3A_659 : i32
      %select_n3A_661 = arith.select %and3A_658, %sub3A_660, %div3A_639 : i32
      %mul3A_662 = arith.constant 4 : i32
      %mul3A_663 = arith.muli %mul3A_662, %select_n3A_661 : i32
      %add3A_664 = arith.addi %select_n3A, %mul3A_663 : i32
      %broadcast_in_dim3A_665 = vector.broadcast %add3A_664 : i32 to vector<16xi32>
      %rem3A_666 = arith.constant 8 : i32
      %rem3A_667 = arith.remsi %scan3A_637, %rem3A_666 : i32
      %mul3A_668 = arith.constant 16 : i32
      %mul3A_669 = arith.muli %rem3A_667, %mul3A_668 : i32
      %add3A_670 = vector.broadcast %mul3A_669 : i32 to vector<16xi32>
      %add3A_671 = arith.addi %add3A_670, %iota3A : vector<16xi32>
      %gather3A_672 = tpu.vector_load_idx %arg7[%broadcast_in_dim3A_665, %add3A_671] : memref<8x128xi32, #tpu.memory_space<vmem>>[vector<16xi32>, vector<16xi32>], vector<16xi32>,
      %eq3A_673 = arith.constant 0 : i32
      %eq3A_674 = vector.broadcast %eq3A_673 : i32 to vector<16xi32>
      %eq3A_675 = arith.cmpi eq, %iota3A, %eq3A_674 : vector<16xi32>
      %broadcast_in_dim3A_676 = vector.broadcast %scan3A_619 : i32 to vector<16xi32>
      %select_n3A_677 = arith.select %eq3A_675, %gather3A_672, %broadcast_in_dim3A_676 : vector<16xi1>, vector<16xi32>
      %reduce_max3A_678 = arith.constant true
      %reduce_max3A_679 = vector.broadcast %reduce_max3A_678 : i1 to vector<16xi1>
      %reduce_max3A_680 = arith.constant -2147483648 : i32
      %reduce_max3A_681 = vector.broadcast %reduce_max3A_680 : i32 to vector<16xi32>
      %reduce_max3A_682 = arith.xori %select_n3A_677, %reduce_max3A_681 : vector<16xi32>
      %reduce_max3A_683 = tpu.scan <max>, %reduce_max3A_682 masked %reduce_max3A_679 : vector<16xi32>, vector<16xi1> -> vector<16xi32>
      %reduce_max3A_684 = arith.xori %reduce_max3A_683, %reduce_max3A_681 : vector<16xi32>
      %reduce_max3A_685 = vector.extract %reduce_max3A_684[15] : i32 from vector<16xi32>
      %mul3A_686 = arith.constant 16 : i32
      %mul3A_687 = arith.muli %scan3A_637, %mul3A_686 : i32
      %add3A_688 = arith.constant 0 : i32
      %add3A_689 = arith.addi %mul3A_687, %add3A_688 : i32
      %swap3A_690 = arith.index_cast %add3A_689 : i32 to index
      %swap3A_691 = memref.load %arg6[%swap3A_690] : memref<256xi32, #tpu.memory_space<smem>>
      memref.store %reduce_max3A_685, %arg6[%swap3A_690] : memref<256xi32, #tpu.memory_space<smem>>
      %eq3A_692 = arith.constant 1 : i32
      %eq3A_693 = vector.broadcast %eq3A_692 : i32 to vector<16xi32>
      %eq3A_694 = arith.cmpi eq, %iota3A, %eq3A_693 : vector<16xi32>
      %broadcast_in_dim3A_695 = vector.broadcast %scan3A_619 : i32 to vector<16xi32>
      %select_n3A_696 = arith.select %eq3A_694, %gather3A_672, %broadcast_in_dim3A_695 : vector<16xi1>, vector<16xi32>
      %reduce_max3A_697 = arith.constant true
      %reduce_max3A_698 = vector.broadcast %reduce_max3A_697 : i1 to vector<16xi1>
      %reduce_max3A_699 = arith.constant -2147483648 : i32
      %reduce_max3A_700 = vector.broadcast %reduce_max3A_699 : i32 to vector<16xi32>
      %reduce_max3A_701 = arith.xori %select_n3A_696, %reduce_max3A_700 : vector<16xi32>
      %reduce_max3A_702 = tpu.scan <max>, %reduce_max3A_701 masked %reduce_max3A_698 : vector<16xi32>, vector<16xi1> -> vector<16xi32>
      %reduce_max3A_703 = arith.xori %reduce_max3A_702, %reduce_max3A_700 : vector<16xi32>
      %reduce_max3A_704 = vector.extract %reduce_max3A_703[15] : i32 from vector<16xi32>
      %mul3A_705 = arith.constant 16 : i32
      %mul3A_706 = arith.muli %scan3A_637, %mul3A_705 : i32
      %add3A_707 = arith.constant 1 : i32
      %add3A_708 = arith.addi %mul3A_706, %add3A_707 : i32
      %swap3A_709 = arith.index_cast %add3A_708 : i32 to index
      %swap3A_710 = memref.load %arg6[%swap3A_709] : memref<256xi32, #tpu.memory_space<smem>>
      memref.store %reduce_max3A_704, %arg6[%swap3A_709] : memref<256xi32, #tpu.memory_space<smem>>
      %eq3A_711 = arith.constant 2 : i32
      %eq3A_712 = vector.broadcast %eq3A_711 : i32 to vector<16xi32>
      %eq3A_713 = arith.cmpi eq, %iota3A, %eq3A_712 : vector<16xi32>
      %broadcast_in_dim3A_714 = vector.broadcast %scan3A_619 : i32 to vector<16xi32>
      %select_n3A_715 = arith.select %eq3A_713, %gather3A_672, %broadcast_in_dim3A_714 : vector<16xi1>, vector<16xi32>
      %reduce_max3A_716 = arith.constant true
      %reduce_max3A_717 = vector.broadcast %reduce_max3A_716 : i1 to vector<16xi1>
      %reduce_max3A_718 = arith.constant -2147483648 : i32
      %reduce_max3A_719 = vector.broadcast %reduce_max3A_718 : i32 to vector<16xi32>
      %reduce_max3A_720 = arith.xori %select_n3A_715, %reduce_max3A_719 : vector<16xi32>
      %reduce_max3A_721 = tpu.scan <max>, %reduce_max3A_720 masked %reduce_max3A_717 : vector<16xi32>, vector<16xi1> -> vector<16xi32>
      %reduce_max3A_722 = arith.xori %reduce_max3A_721, %reduce_max3A_719 : vector<16xi32>
      %reduce_max3A_723 = vector.extract %reduce_max3A_722[15] : i32 from vector<16xi32>
      %mul3A_724 = arith.constant 16 : i32
      %mul3A_725 = arith.muli %scan3A_637, %mul3A_724 : i32
      %add3A_726 = arith.constant 2 : i32
      %add3A_727 = arith.addi %mul3A_725, %add3A_726 : i32
      %swap3A_728 = arith.index_cast %add3A_727 : i32 to index
      %swap3A_729 = memref.load %arg6[%swap3A_728] : memref<256xi32, #tpu.memory_space<smem>>
      memref.store %reduce_max3A_723, %arg6[%swap3A_728] : memref<256xi32, #tpu.memory_space<smem>>
      %eq3A_730 = arith.constant 3 : i32
      %eq3A_731 = vector.broadcast %eq3A_730 : i32 to vector<16xi32>
      %eq3A_732 = arith.cmpi eq, %iota3A, %eq3A_731 : vector<16xi32>
      %broadcast_in_dim3A_733 = vector.broadcast %scan3A_619 : i32 to vector<16xi32>
      %select_n3A_734 = arith.select %eq3A_732, %gather3A_672, %broadcast_in_dim3A_733 : vector<16xi1>, vector<16xi32>
      %reduce_max3A_735 = arith.constant true
      %reduce_max3A_736 = vector.broadcast %reduce_max3A_735 : i1 to vector<16xi1>
      %reduce_max3A_737 = arith.constant -2147483648 : i32
      %reduce_max3A_738 = vector.broadcast %reduce_max3A_737 : i32 to vector<16xi32>
      %reduce_max3A_739 = arith.xori %select_n3A_734, %reduce_max3A_738 : vector<16xi32>
      %reduce_max3A_740 = tpu.scan <max>, %reduce_max3A_739 masked %reduce_max3A_736 : vector<16xi32>, vector<16xi1> -> vector<16xi32>
      %reduce_max3A_741 = arith.xori %reduce_max3A_740, %reduce_max3A_738 : vector<16xi32>
      %reduce_max3A_742 = vector.extract %reduce_max3A_741[15] : i32 from vector<16xi32>
      %mul3A_743 = arith.constant 16 : i32
      %mul3A_744 = arith.muli %scan3A_637, %mul3A_743 : i32
      %add3A_745 = arith.constant 3 : i32
      %add3A_746 = arith.addi %mul3A_744, %add3A_745 : i32
      %swap3A_747 = arith.index_cast %add3A_746 : i32 to index
      %swap3A_748 = memref.load %arg6[%swap3A_747] : memref<256xi32, #tpu.memory_space<smem>>
      memref.store %reduce_max3A_742, %arg6[%swap3A_747] : memref<256xi32, #tpu.memory_space<smem>>
      %eq3A_749 = arith.constant 4 : i32
      %eq3A_750 = vector.broadcast %eq3A_749 : i32 to vector<16xi32>
      %eq3A_751 = arith.cmpi eq, %iota3A, %eq3A_750 : vector<16xi32>
      %broadcast_in_dim3A_752 = vector.broadcast %scan3A_619 : i32 to vector<16xi32>
      %select_n3A_753 = arith.select %eq3A_751, %gather3A_672, %broadcast_in_dim3A_752 : vector<16xi1>, vector<16xi32>
      %reduce_max3A_754 = arith.constant true
      %reduce_max3A_755 = vector.broadcast %reduce_max3A_754 : i1 to vector<16xi1>
      %reduce_max3A_756 = arith.constant -2147483648 : i32
      %reduce_max3A_757 = vector.broadcast %reduce_max3A_756 : i32 to vector<16xi32>
      %reduce_max3A_758 = arith.xori %select_n3A_753, %reduce_max3A_757 : vector<16xi32>
      %reduce_max3A_759 = tpu.scan <max>, %reduce_max3A_758 masked %reduce_max3A_755 : vector<16xi32>, vector<16xi1> -> vector<16xi32>
      %reduce_max3A_760 = arith.xori %reduce_max3A_759, %reduce_max3A_757 : vector<16xi32>
      %reduce_max3A_761 = vector.extract %reduce_max3A_760[15] : i32 from vector<16xi32>
      %mul3A_762 = arith.constant 16 : i32
      %mul3A_763 = arith.muli %scan3A_637, %mul3A_762 : i32
      %add3A_764 = arith.constant 4 : i32
      %add3A_765 = arith.addi %mul3A_763, %add3A_764 : i32
      %swap3A_766 = arith.index_cast %add3A_765 : i32 to index
      %swap3A_767 = memref.load %arg6[%swap3A_766] : memref<256xi32, #tpu.memory_space<smem>>
      memref.store %reduce_max3A_761, %arg6[%swap3A_766] : memref<256xi32, #tpu.memory_space<smem>>
      %eq3A_768 = arith.constant 5 : i32
      %eq3A_769 = vector.broadcast %eq3A_768 : i32 to vector<16xi32>
      %eq3A_770 = arith.cmpi eq, %iota3A, %eq3A_769 : vector<16xi32>
      %broadcast_in_dim3A_771 = vector.broadcast %scan3A_619 : i32 to vector<16xi32>
      %select_n3A_772 = arith.select %eq3A_770, %gather3A_672, %broadcast_in_dim3A_771 : vector<16xi1>, vector<16xi32>
      %reduce_max3A_773 = arith.constant true
      %reduce_max3A_774 = vector.broadcast %reduce_max3A_773 : i1 to vector<16xi1>
      %reduce_max3A_775 = arith.constant -2147483648 : i32
      %reduce_max3A_776 = vector.broadcast %reduce_max3A_775 : i32 to vector<16xi32>
      %reduce_max3A_777 = arith.xori %select_n3A_772, %reduce_max3A_776 : vector<16xi32>
      %reduce_max3A_778 = tpu.scan <max>, %reduce_max3A_777 masked %reduce_max3A_774 : vector<16xi32>, vector<16xi1> -> vector<16xi32>
      %reduce_max3A_779 = arith.xori %reduce_max3A_778, %reduce_max3A_776 : vector<16xi32>
      %reduce_max3A_780 = vector.extract %reduce_max3A_779[15] : i32 from vector<16xi32>
      %mul3A_781 = arith.constant 16 : i32
      %mul3A_782 = arith.muli %scan3A_637, %mul3A_781 : i32
      %add3A_783 = arith.constant 5 : i32
      %add3A_784 = arith.addi %mul3A_782, %add3A_783 : i32
      %swap3A_785 = arith.index_cast %add3A_784 : i32 to index
      %swap3A_786 = memref.load %arg6[%swap3A_785] : memref<256xi32, #tpu.memory_space<smem>>
      memref.store %reduce_max3A_780, %arg6[%swap3A_785] : memref<256xi32, #tpu.memory_space<smem>>
      %eq3A_787 = arith.constant 6 : i32
      %eq3A_788 = vector.broadcast %eq3A_787 : i32 to vector<16xi32>
      %eq3A_789 = arith.cmpi eq, %iota3A, %eq3A_788 : vector<16xi32>
      %broadcast_in_dim3A_790 = vector.broadcast %scan3A_619 : i32 to vector<16xi32>
      %select_n3A_791 = arith.select %eq3A_789, %gather3A_672, %broadcast_in_dim3A_790 : vector<16xi1>, vector<16xi32>
      %reduce_max3A_792 = arith.constant true
      %reduce_max3A_793 = vector.broadcast %reduce_max3A_792 : i1 to vector<16xi1>
      %reduce_max3A_794 = arith.constant -2147483648 : i32
      %reduce_max3A_795 = vector.broadcast %reduce_max3A_794 : i32 to vector<16xi32>
      %reduce_max3A_796 = arith.xori %select_n3A_791, %reduce_max3A_795 : vector<16xi32>
      %reduce_max3A_797 = tpu.scan <max>, %reduce_max3A_796 masked %reduce_max3A_793 : vector<16xi32>, vector<16xi1> -> vector<16xi32>
      %reduce_max3A_798 = arith.xori %reduce_max3A_797, %reduce_max3A_795 : vector<16xi32>
      %reduce_max3A_799 = vector.extract %reduce_max3A_798[15] : i32 from vector<16xi32>
      %mul3A_800 = arith.constant 16 : i32
      %mul3A_801 = arith.muli %scan3A_637, %mul3A_800 : i32
      %add3A_802 = arith.constant 6 : i32
      %add3A_803 = arith.addi %mul3A_801, %add3A_802 : i32
      %swap3A_804 = arith.index_cast %add3A_803 : i32 to index
      %swap3A_805 = memref.load %arg6[%swap3A_804] : memref<256xi32, #tpu.memory_space<smem>>
      memref.store %reduce_max3A_799, %arg6[%swap3A_804] : memref<256xi32, #tpu.memory_space<smem>>
      %eq3A_806 = arith.constant 7 : i32
      %eq3A_807 = vector.broadcast %eq3A_806 : i32 to vector<16xi32>
      %eq3A_808 = arith.cmpi eq, %iota3A, %eq3A_807 : vector<16xi32>
      %broadcast_in_dim3A_809 = vector.broadcast %scan3A_619 : i32 to vector<16xi32>
      %select_n3A_810 = arith.select %eq3A_808, %gather3A_672, %broadcast_in_dim3A_809 : vector<16xi1>, vector<16xi32>
      %reduce_max3A_811 = arith.constant true
      %reduce_max3A_812 = vector.broadcast %reduce_max3A_811 : i1 to vector<16xi1>
      %reduce_max3A_813 = arith.constant -2147483648 : i32
      %reduce_max3A_814 = vector.broadcast %reduce_max3A_813 : i32 to vector<16xi32>
      %reduce_max3A_815 = arith.xori %select_n3A_810, %reduce_max3A_814 : vector<16xi32>
      %reduce_max3A_816 = tpu.scan <max>, %reduce_max3A_815 masked %reduce_max3A_812 : vector<16xi32>, vector<16xi1> -> vector<16xi32>
      %reduce_max3A_817 = arith.xori %reduce_max3A_816, %reduce_max3A_814 : vector<16xi32>
      %reduce_max3A_818 = vector.extract %reduce_max3A_817[15] : i32 from vector<16xi32>
      %mul3A_819 = arith.constant 16 : i32
      %mul3A_820 = arith.muli %scan3A_637, %mul3A_819 : i32
      %add3A_821 = arith.constant 7 : i32
      %add3A_822 = arith.addi %mul3A_820, %add3A_821 : i32
      %swap3A_823 = arith.index_cast %add3A_822 : i32 to index
      %swap3A_824 = memref.load %arg6[%swap3A_823] : memref<256xi32, #tpu.memory_space<smem>>
      memref.store %reduce_max3A_818, %arg6[%swap3A_823] : memref<256xi32, #tpu.memory_space<smem>>
      %eq3A_825 = arith.constant 8 : i32
      %eq3A_826 = vector.broadcast %eq3A_825 : i32 to vector<16xi32>
      %eq3A_827 = arith.cmpi eq, %iota3A, %eq3A_826 : vector<16xi32>
      %broadcast_in_dim3A_828 = vector.broadcast %scan3A_619 : i32 to vector<16xi32>
      %select_n3A_829 = arith.select %eq3A_827, %gather3A_672, %broadcast_in_dim3A_828 : vector<16xi1>, vector<16xi32>
      %reduce_max3A_830 = arith.constant true
      %reduce_max3A_831 = vector.broadcast %reduce_max3A_830 : i1 to vector<16xi1>
      %reduce_max3A_832 = arith.constant -2147483648 : i32
      %reduce_max3A_833 = vector.broadcast %reduce_max3A_832 : i32 to vector<16xi32>
      %reduce_max3A_834 = arith.xori %select_n3A_829, %reduce_max3A_833 : vector<16xi32>
      %reduce_max3A_835 = tpu.scan <max>, %reduce_max3A_834 masked %reduce_max3A_831 : vector<16xi32>, vector<16xi1> -> vector<16xi32>
      %reduce_max3A_836 = arith.xori %reduce_max3A_835, %reduce_max3A_833 : vector<16xi32>
      %reduce_max3A_837 = vector.extract %reduce_max3A_836[15] : i32 from vector<16xi32>
      %mul3A_838 = arith.constant 16 : i32
      %mul3A_839 = arith.muli %scan3A_637, %mul3A_838 : i32
      %add3A_840 = arith.constant 8 : i32
      %add3A_841 = arith.addi %mul3A_839, %add3A_840 : i32
      %swap3A_842 = arith.index_cast %add3A_841 : i32 to index
      %swap3A_843 = memref.load %arg6[%swap3A_842] : memref<256xi32, #tpu.memory_space<smem>>
      memref.store %reduce_max3A_837, %arg6[%swap3A_842] : memref<256xi32, #tpu.memory_space<smem>>
      %eq3A_844 = arith.constant 9 : i32
      %eq3A_845 = vector.broadcast %eq3A_844 : i32 to vector<16xi32>
      %eq3A_846 = arith.cmpi eq, %iota3A, %eq3A_845 : vector<16xi32>
      %broadcast_in_dim3A_847 = vector.broadcast %scan3A_619 : i32 to vector<16xi32>
      %select_n3A_848 = arith.select %eq3A_846, %gather3A_672, %broadcast_in_dim3A_847 : vector<16xi1>, vector<16xi32>
      %reduce_max3A_849 = arith.constant true
      %reduce_max3A_850 = vector.broadcast %reduce_max3A_849 : i1 to vector<16xi1>
      %reduce_max3A_851 = arith.constant -2147483648 : i32
      %reduce_max3A_852 = vector.broadcast %reduce_max3A_851 : i32 to vector<16xi32>
      %reduce_max3A_853 = arith.xori %select_n3A_848, %reduce_max3A_852 : vector<16xi32>
      %reduce_max3A_854 = tpu.scan <max>, %reduce_max3A_853 masked %reduce_max3A_850 : vector<16xi32>, vector<16xi1> -> vector<16xi32>
      %reduce_max3A_855 = arith.xori %reduce_max3A_854, %reduce_max3A_852 : vector<16xi32>
      %reduce_max3A_856 = vector.extract %reduce_max3A_855[15] : i32 from vector<16xi32>
      %mul3A_857 = arith.constant 16 : i32
      %mul3A_858 = arith.muli %scan3A_637, %mul3A_857 : i32
      %add3A_859 = arith.constant 9 : i32
      %add3A_860 = arith.addi %mul3A_858, %add3A_859 : i32
      %swap3A_861 = arith.index_cast %add3A_860 : i32 to index
      %swap3A_862 = memref.load %arg6[%swap3A_861] : memref<256xi32, #tpu.memory_space<smem>>
      memref.store %reduce_max3A_856, %arg6[%swap3A_861] : memref<256xi32, #tpu.memory_space<smem>>
      %eq3A_863 = arith.constant 10 : i32
      %eq3A_864 = vector.broadcast %eq3A_863 : i32 to vector<16xi32>
      %eq3A_865 = arith.cmpi eq, %iota3A, %eq3A_864 : vector<16xi32>
      %broadcast_in_dim3A_866 = vector.broadcast %scan3A_619 : i32 to vector<16xi32>
      %select_n3A_867 = arith.select %eq3A_865, %gather3A_672, %broadcast_in_dim3A_866 : vector<16xi1>, vector<16xi32>
      %reduce_max3A_868 = arith.constant true
      %reduce_max3A_869 = vector.broadcast %reduce_max3A_868 : i1 to vector<16xi1>
      %reduce_max3A_870 = arith.constant -2147483648 : i32
      %reduce_max3A_871 = vector.broadcast %reduce_max3A_870 : i32 to vector<16xi32>
      %reduce_max3A_872 = arith.xori %select_n3A_867, %reduce_max3A_871 : vector<16xi32>
      %reduce_max3A_873 = tpu.scan <max>, %reduce_max3A_872 masked %reduce_max3A_869 : vector<16xi32>, vector<16xi1> -> vector<16xi32>
      %reduce_max3A_874 = arith.xori %reduce_max3A_873, %reduce_max3A_871 : vector<16xi32>
      %reduce_max3A_875 = vector.extract %reduce_max3A_874[15] : i32 from vector<16xi32>
      %mul3A_876 = arith.constant 16 : i32
      %mul3A_877 = arith.muli %scan3A_637, %mul3A_876 : i32
      %add3A_878 = arith.constant 10 : i32
      %add3A_879 = arith.addi %mul3A_877, %add3A_878 : i32
      %swap3A_880 = arith.index_cast %add3A_879 : i32 to index
      %swap3A_881 = memref.load %arg6[%swap3A_880] : memref<256xi32, #tpu.memory_space<smem>>
      memref.store %reduce_max3A_875, %arg6[%swap3A_880] : memref<256xi32, #tpu.memory_space<smem>>
      %eq3A_882 = arith.constant 11 : i32
      %eq3A_883 = vector.broadcast %eq3A_882 : i32 to vector<16xi32>
      %eq3A_884 = arith.cmpi eq, %iota3A, %eq3A_883 : vector<16xi32>
      %broadcast_in_dim3A_885 = vector.broadcast %scan3A_619 : i32 to vector<16xi32>
      %select_n3A_886 = arith.select %eq3A_884, %gather3A_672, %broadcast_in_dim3A_885 : vector<16xi1>, vector<16xi32>
      %reduce_max3A_887 = arith.constant true
      %reduce_max3A_888 = vector.broadcast %reduce_max3A_887 : i1 to vector<16xi1>
      %reduce_max3A_889 = arith.constant -2147483648 : i32
      %reduce_max3A_890 = vector.broadcast %reduce_max3A_889 : i32 to vector<16xi32>
      %reduce_max3A_891 = arith.xori %select_n3A_886, %reduce_max3A_890 : vector<16xi32>
      %reduce_max3A_892 = tpu.scan <max>, %reduce_max3A_891 masked %reduce_max3A_888 : vector<16xi32>, vector<16xi1> -> vector<16xi32>
      %reduce_max3A_893 = arith.xori %reduce_max3A_892, %reduce_max3A_890 : vector<16xi32>
      %reduce_max3A_894 = vector.extract %reduce_max3A_893[15] : i32 from vector<16xi32>
      %mul3A_895 = arith.constant 16 : i32
      %mul3A_896 = arith.muli %scan3A_637, %mul3A_895 : i32
      %add3A_897 = arith.constant 11 : i32
      %add3A_898 = arith.addi %mul3A_896, %add3A_897 : i32
      %swap3A_899 = arith.index_cast %add3A_898 : i32 to index
      %swap3A_900 = memref.load %arg6[%swap3A_899] : memref<256xi32, #tpu.memory_space<smem>>
      memref.store %reduce_max3A_894, %arg6[%swap3A_899] : memref<256xi32, #tpu.memory_space<smem>>
      %eq3A_901 = arith.constant 12 : i32
      %eq3A_902 = vector.broadcast %eq3A_901 : i32 to vector<16xi32>
      %eq3A_903 = arith.cmpi eq, %iota3A, %eq3A_902 : vector<16xi32>
      %broadcast_in_dim3A_904 = vector.broadcast %scan3A_619 : i32 to vector<16xi32>
      %select_n3A_905 = arith.select %eq3A_903, %gather3A_672, %broadcast_in_dim3A_904 : vector<16xi1>, vector<16xi32>
      %reduce_max3A_906 = arith.constant true
      %reduce_max3A_907 = vector.broadcast %reduce_max3A_906 : i1 to vector<16xi1>
      %reduce_max3A_908 = arith.constant -2147483648 : i32
      %reduce_max3A_909 = vector.broadcast %reduce_max3A_908 : i32 to vector<16xi32>
      %reduce_max3A_910 = arith.xori %select_n3A_905, %reduce_max3A_909 : vector<16xi32>
      %reduce_max3A_911 = tpu.scan <max>, %reduce_max3A_910 masked %reduce_max3A_907 : vector<16xi32>, vector<16xi1> -> vector<16xi32>
      %reduce_max3A_912 = arith.xori %reduce_max3A_911, %reduce_max3A_909 : vector<16xi32>
      %reduce_max3A_913 = vector.extract %reduce_max3A_912[15] : i32 from vector<16xi32>
      %mul3A_914 = arith.constant 16 : i32
      %mul3A_915 = arith.muli %scan3A_637, %mul3A_914 : i32
      %add3A_916 = arith.constant 12 : i32
      %add3A_917 = arith.addi %mul3A_915, %add3A_916 : i32
      %swap3A_918 = arith.index_cast %add3A_917 : i32 to index
      %swap3A_919 = memref.load %arg6[%swap3A_918] : memref<256xi32, #tpu.memory_space<smem>>
      memref.store %reduce_max3A_913, %arg6[%swap3A_918] : memref<256xi32, #tpu.memory_space<smem>>
      %eq3A_920 = arith.constant 13 : i32
      %eq3A_921 = vector.broadcast %eq3A_920 : i32 to vector<16xi32>
      %eq3A_922 = arith.cmpi eq, %iota3A, %eq3A_921 : vector<16xi32>
      %broadcast_in_dim3A_923 = vector.broadcast %scan3A_619 : i32 to vector<16xi32>
      %select_n3A_924 = arith.select %eq3A_922, %gather3A_672, %broadcast_in_dim3A_923 : vector<16xi1>, vector<16xi32>
      %reduce_max3A_925 = arith.constant true
      %reduce_max3A_926 = vector.broadcast %reduce_max3A_925 : i1 to vector<16xi1>
      %reduce_max3A_927 = arith.constant -2147483648 : i32
      %reduce_max3A_928 = vector.broadcast %reduce_max3A_927 : i32 to vector<16xi32>
      %reduce_max3A_929 = arith.xori %select_n3A_924, %reduce_max3A_928 : vector<16xi32>
      %reduce_max3A_930 = tpu.scan <max>, %reduce_max3A_929 masked %reduce_max3A_926 : vector<16xi32>, vector<16xi1> -> vector<16xi32>
      %reduce_max3A_931 = arith.xori %reduce_max3A_930, %reduce_max3A_928 : vector<16xi32>
      %reduce_max3A_932 = vector.extract %reduce_max3A_931[15] : i32 from vector<16xi32>
      %mul3A_933 = arith.constant 16 : i32
      %mul3A_934 = arith.muli %scan3A_637, %mul3A_933 : i32
      %add3A_935 = arith.constant 13 : i32
      %add3A_936 = arith.addi %mul3A_934, %add3A_935 : i32
      %swap3A_937 = arith.index_cast %add3A_936 : i32 to index
      %swap3A_938 = memref.load %arg6[%swap3A_937] : memref<256xi32, #tpu.memory_space<smem>>
      memref.store %reduce_max3A_932, %arg6[%swap3A_937] : memref<256xi32, #tpu.memory_space<smem>>
      %eq3A_939 = arith.constant 14 : i32
      %eq3A_940 = vector.broadcast %eq3A_939 : i32 to vector<16xi32>
      %eq3A_941 = arith.cmpi eq, %iota3A, %eq3A_940 : vector<16xi32>
      %broadcast_in_dim3A_942 = vector.broadcast %scan3A_619 : i32 to vector<16xi32>
      %select_n3A_943 = arith.select %eq3A_941, %gather3A_672, %broadcast_in_dim3A_942 : vector<16xi1>, vector<16xi32>
      %reduce_max3A_944 = arith.constant true
      %reduce_max3A_945 = vector.broadcast %reduce_max3A_944 : i1 to vector<16xi1>
      %reduce_max3A_946 = arith.constant -2147483648 : i32
      %reduce_max3A_947 = vector.broadcast %reduce_max3A_946 : i32 to vector<16xi32>
      %reduce_max3A_948 = arith.xori %select_n3A_943, %reduce_max3A_947 : vector<16xi32>
      %reduce_max3A_949 = tpu.scan <max>, %reduce_max3A_948 masked %reduce_max3A_945 : vector<16xi32>, vector<16xi1> -> vector<16xi32>
      %reduce_max3A_950 = arith.xori %reduce_max3A_949, %reduce_max3A_947 : vector<16xi32>
      %reduce_max3A_951 = vector.extract %reduce_max3A_950[15] : i32 from vector<16xi32>
      %mul3A_952 = arith.constant 16 : i32
      %mul3A_953 = arith.muli %scan3A_637, %mul3A_952 : i32
      %add3A_954 = arith.constant 14 : i32
      %add3A_955 = arith.addi %mul3A_953, %add3A_954 : i32
      %swap3A_956 = arith.index_cast %add3A_955 : i32 to index
      %swap3A_957 = memref.load %arg6[%swap3A_956] : memref<256xi32, #tpu.memory_space<smem>>
      memref.store %reduce_max3A_951, %arg6[%swap3A_956] : memref<256xi32, #tpu.memory_space<smem>>
      %eq3A_958 = arith.constant 15 : i32
      %eq3A_959 = vector.broadcast %eq3A_958 : i32 to vector<16xi32>
      %eq3A_960 = arith.cmpi eq, %iota3A, %eq3A_959 : vector<16xi32>
      %broadcast_in_dim3A_961 = vector.broadcast %scan3A_619 : i32 to vector<16xi32>
      %select_n3A_962 = arith.select %eq3A_960, %gather3A_672, %broadcast_in_dim3A_961 : vector<16xi1>, vector<16xi32>
      %reduce_max3A_963 = arith.constant true
      %reduce_max3A_964 = vector.broadcast %reduce_max3A_963 : i1 to vector<16xi1>
      %reduce_max3A_965 = arith.constant -2147483648 : i32
      %reduce_max3A_966 = vector.broadcast %reduce_max3A_965 : i32 to vector<16xi32>
      %reduce_max3A_967 = arith.xori %select_n3A_962, %reduce_max3A_966 : vector<16xi32>
      %reduce_max3A_968 = tpu.scan <max>, %reduce_max3A_967 masked %reduce_max3A_964 : vector<16xi32>, vector<16xi1> -> vector<16xi32>
      %reduce_max3A_969 = arith.xori %reduce_max3A_968, %reduce_max3A_966 : vector<16xi32>
      %reduce_max3A_970 = vector.extract %reduce_max3A_969[15] : i32 from vector<16xi32>
      %mul3A_971 = arith.constant 16 : i32
      %mul3A_972 = arith.muli %scan3A_637, %mul3A_971 : i32
      %add3A_973 = arith.constant 15 : i32
      %add3A_974 = arith.addi %mul3A_972, %add3A_973 : i32
      %swap3A_975 = arith.index_cast %add3A_974 : i32 to index
      %swap3A_976 = memref.load %arg6[%swap3A_975] : memref<256xi32, #tpu.memory_space<smem>>
      memref.store %reduce_max3A_970, %arg6[%swap3A_975] : memref<256xi32, #tpu.memory_space<smem>>
    }
    %scan3A_624 = arith.constant 15 : i32
    %scan3A_625 = arith.constant 0 : i32
    %scan3A_626 = arith.constant 0 : i32
    %scan3A_627 = arith.constant 32 : i32
    %scan3A_628 = arith.addi %scan3A_626, %scan3A_627 : i32
    %scan3A_629 = arith.constant 1 : i32
    scf.for %scan3A_637 = %scan3A_626 to %scan3A_628 step %scan3A_629  : i32 {
      %mul3A_638 = arith.constant 8 : i32
      %mul3A_639 = arith.muli %scan3A_637, %mul3A_638 : i32
      %add3A_640 = arith.constant 0 : i32
      %add3A_641 = arith.addi %mul3A_639, %add3A_640 : i32
      %dma_wait3A = arith.constant 0 : i32
      %dma_wait3A_642 = arith.constant 0 : i32
      %dma_wait3A_643 = arith.constant 0 : i32
      %dma_wait3A_644 = arith.constant 0 : i32
      %dma_wait3A_645 = arith.constant 0 : i32
      %dma_wait3A_646 = tpu.memref_slice %arg8[%dma_wait3A, %dma_wait3A_643, %dma_wait3A_644, %dma_wait3A_645] : memref<8x8x8x128xf32, #tpu.memory_space<vmem>> -> memref<1x8x8x128xf32, #tpu.memory_space<vmem>>
      %dma_wait3A_647 = tpu.memref_squeeze %dma_wait3A_646 : memref<1x8x8x128xf32, #tpu.memory_space<vmem>> -> memref<8x8x128xf32, #tpu.memory_space<vmem>>
      %dma_wait3A_648 = arith.constant 0 : i32
      %dma_wait3A_649 = arith.constant 0 : i32
      %dma_wait3A_650 = arith.constant 0 : i32
      %dma_wait3A_651 = tpu.memref_slice %arg2[%dma_wait3A_648, %dma_wait3A_649, %dma_wait3A_650] : memref<8x8x1000000xf32, #tpu.memory_space<hbm>> -> memref<8x8x128xf32, #tpu.memory_space<hbm>>
      %dma_wait3A_652 = tpu.memref_slice %arg11[%dma_wait3A_642] : memref<8x!tpu.dma_semaphore, #tpu.memory_space<semaphore_mem>> -> memref<1x!tpu.dma_semaphore, #tpu.memory_space<semaphore_mem>>
      %dma_wait3A_653 = tpu.memref_squeeze %dma_wait3A_652 : memref<1x!tpu.dma_semaphore, #tpu.memory_space<semaphore_mem>> -> memref<!tpu.dma_semaphore, #tpu.memory_space<semaphore_mem>>
      %dma_wait3A_654 = arith.constant 0 : i32
      %dma_wait3A_655 = arith.constant 0 : i32
      %dma_wait3A_656 = arith.constant 0 : i32
      %dma_wait3A_657 = tpu.memref_slice %arg8[%dma_wait3A, %dma_wait3A_654, %dma_wait3A_655, %dma_wait3A_656] : memref<8x8x8x128xf32, #tpu.memory_space<vmem>> -> memref<1x8x8x128xf32, #tpu.memory_space<vmem>>
      %dma_wait3A_658 = tpu.memref_squeeze %dma_wait3A_657 : memref<1x8x8x128xf32, #tpu.memory_space<vmem>> -> memref<8x8x128xf32, #tpu.memory_space<vmem>>
      %dma_wait3A_659 = arith.constant 0 : i32
      %dma_wait3A_660 = arith.constant 0 : i32
      %dma_wait3A_661 = arith.constant 0 : i32
      %dma_wait3A_662 = tpu.memref_slice %arg2[%dma_wait3A_659, %dma_wait3A_660, %dma_wait3A_661] : memref<8x8x1000000xf32, #tpu.memory_space<hbm>> -> memref<8x8x128xf32, #tpu.memory_space<hbm>>
      tpu.wait_dma2 semaphore(%dma_wait3A_653 : memref<!tpu.dma_semaphore, #tpu.memory_space<semaphore_mem>>) src(%dma_wait3A_662 : memref<8x8x128xf32, #tpu.memory_space<hbm>>) dst(%dma_wait3A_658 : memref<8x8x128xf32, #tpu.memory_space<vmem>>)
      %get3A_663 = arith.index_cast %add3A_641 : i32 to index
      %get3A_664 = memref.load %arg6[%get3A_663] : memref<256xi32, #tpu.memory_space<smem>>
      %and3A_665 = arith.constant 127 : i32
      %and3A_666 = arith.andi %get3A_664, %and3A_665 : i32
      %broadcast_in_dim3A_667 = vector.broadcast %and3A_666 : i32 to vector<16xi32>
      %shift_right_arithmetic3A_668 = arith.constant 7 : i32
      %shift_right_arithmetic3A_669 = arith.shrsi %add3A_641, %shift_right_arithmetic3A_668 : i32
      %broadcast_in_dim3A_670 = vector.broadcast %shift_right_arithmetic3A_669 : i32 to vector<16xi32>
      %and3A_671 = arith.constant 127 : i32
      %and3A_672 = arith.andi %add3A_641, %and3A_671 : i32
      %broadcast_in_dim3A_673 = vector.broadcast %and3A_672 : i32 to vector<16xi32>
      %add3A_674 = arith.constant 0 : i32
      %add3A_675 = vector.broadcast %add3A_674 : i32 to vector<16xi32>
      %add3A_676 = arith.addi %add3A_675, %iota3A : vector<16xi32>
      %shift_right_arithmetic3A_677 = arith.constant 3 : i32
      %shift_right_arithmetic3A_678 = vector.broadcast %shift_right_arithmetic3A_677 : i32 to vector<16xi32>
      %shift_right_arithmetic3A_679 = arith.shrsi %add3A_676, %shift_right_arithmetic3A_678 : vector<16xi32>
      %and3A_680 = arith.constant 7 : i32
      %and3A_681 = vector.broadcast %and3A_680 : i32 to vector<16xi32>
      %and3A_682 = arith.andi %add3A_676, %and3A_681 : vector<16xi32>
      %gather3A_683 = arith.constant 0 : i32
      %gather3A_684 = arith.constant 0 : i32
      %gather3A_685 = arith.constant 0 : i32
      %gather3A_686 = arith.constant 0 : i32
      %gather3A_687 = tpu.memref_slice %arg8[%gather3A_683, %gather3A_684, %gather3A_685, %gather3A_686] : memref<8x8x8x128xf32, #tpu.memory_space<vmem>> -> memref<1x8x8x128xf32, #tpu.memory_space<vmem>>
      %gather3A_688 = tpu.memref_squeeze %gather3A_687 : memref<1x8x8x128xf32, #tpu.memory_space<vmem>> -> memref<8x8x128xf32, #tpu.memory_space<vmem>>
      %gather3A_689 = tpu.vector_load_idx %gather3A_688[%shift_right_arithmetic3A_679, %and3A_682, %broadcast_in_dim3A_667] : memref<8x8x128xf32, #tpu.memory_space<vmem>>[vector<16xi32>, vector<16xi32>, vector<16xi32>], vector<16xf32>,
      %gather3A_690 = tpu.vector_load_idx %arg10[%broadcast_in_dim3A_670, %add3A_676, %broadcast_in_dim3A_673] : memref<2x64x128xf32, #tpu.memory_space<vmem>>[vector<16xi32>, vector<16xi32>, vector<16xi32>], vector<16xf32>,
      %add3A_691 = arith.addf %gather3A_689, %gather3A_690 : vector<16xf32>
      tpu.vector_store_idx %arg9[%broadcast_in_dim3A_670, %add3A_676, %broadcast_in_dim3A_673], %add3A_691 : memref<2x64x128xf32, #tpu.memory_space<vmem>>[vector<16xi32>, vector<16xi32>, vector<16xi32>], vector<16xf32>,
      %add3A_692 = arith.constant 16 : i32
      %add3A_693 = vector.broadcast %add3A_692 : i32 to vector<16xi32>
      %add3A_694 = arith.addi %add3A_693, %iota3A : vector<16xi32>
      %shift_right_arithmetic3A_695 = arith.constant 3 : i32
      %shift_right_arithmetic3A_696 = vector.broadcast %shift_right_arithmetic3A_695 : i32 to vector<16xi32>
      %shift_right_arithmetic3A_697 = arith.shrsi %add3A_694, %shift_right_arithmetic3A_696 : vector<16xi32>
      %and3A_698 = arith.constant 7 : i32
      %and3A_699 = vector.broadcast %and3A_698 : i32 to vector<16xi32>
      %and3A_700 = arith.andi %add3A_694, %and3A_699 : vector<16xi32>
      %gather3A_701 = arith.constant 0 : i32
      %gather3A_702 = arith.constant 0 : i32
      %gather3A_703 = arith.constant 0 : i32
      %gather3A_704 = arith.constant 0 : i32
      %gather3A_705 = tpu.memref_slice %arg8[%gather3A_701, %gather3A_702, %gather3A_703, %gather3A_704] : memref<8x8x8x128xf32, #tpu.memory_space<vmem>> -> memref<1x8x8x128xf32, #tpu.memory_space<vmem>>
      %gather3A_706 = tpu.memref_squeeze %gather3A_705 : memref<1x8x8x128xf32, #tpu.memory_space<vmem>> -> memref<8x8x128xf32, #tpu.memory_space<vmem>>
      %gather3A_707 = tpu.vector_load_idx %gather3A_706[%shift_right_arithmetic3A_697, %and3A_700, %broadcast_in_dim3A_667] : memref<8x8x128xf32, #tpu.memory_space<vmem>>[vector<16xi32>, vector<16xi32>, vector<16xi32>], vector<16xf32>,
      %gather3A_708 = tpu.vector_load_idx %arg10[%broadcast_in_dim3A_670, %add3A_694, %broadcast_in_dim3A_673] : memref<2x64x128xf32, #tpu.memory_space<vmem>>[vector<16xi32>, vector<16xi32>, vector<16xi32>], vector<16xf32>,
      %add3A_709 = arith.addf %gather3A_707, %gather3A_708 : vector<16xf32>
      tpu.vector_store_idx %arg9[%broadcast_in_dim3A_670, %add3A_694, %broadcast_in_dim3A_673], %add3A_709 : memref<2x64x128xf32, #tpu.memory_space<vmem>>[vector<16xi32>, vector<16xi32>, vector<16xi32>], vector<16xf32>,
      %add3A_710 = arith.constant 32 : i32
      %add3A_711 = vector.broadcast %add3A_710 : i32 to vector<16xi32>
      %add3A_712 = arith.addi %add3A_711, %iota3A : vector<16xi32>
      %shift_right_arithmetic3A_713 = arith.constant 3 : i32
      %shift_right_arithmetic3A_714 = vector.broadcast %shift_right_arithmetic3A_713 : i32 to vector<16xi32>
      %shift_right_arithmetic3A_715 = arith.shrsi %add3A_712, %shift_right_arithmetic3A_714 : vector<16xi32>
      %and3A_716 = arith.constant 7 : i32
      %and3A_717 = vector.broadcast %and3A_716 : i32 to vector<16xi32>
      %and3A_718 = arith.andi %add3A_712, %and3A_717 : vector<16xi32>
      %gather3A_719 = arith.constant 0 : i32
      %gather3A_720 = arith.constant 0 : i32
      %gather3A_721 = arith.constant 0 : i32
      %gather3A_722 = arith.constant 0 : i32
      %gather3A_723 = tpu.memref_slice %arg8[%gather3A_719, %gather3A_720, %gather3A_721, %gather3A_722] : memref<8x8x8x128xf32, #tpu.memory_space<vmem>> -> memref<1x8x8x128xf32, #tpu.memory_space<vmem>>
      %gather3A_724 = tpu.memref_squeeze %gather3A_723 : memref<1x8x8x128xf32, #tpu.memory_space<vmem>> -> memref<8x8x128xf32, #tpu.memory_space<vmem>>
      %gather3A_725 = tpu.vector_load_idx %gather3A_724[%shift_right_arithmetic3A_715, %and3A_718, %broadcast_in_dim3A_667] : memref<8x8x128xf32, #tpu.memory_space<vmem>>[vector<16xi32>, vector<16xi32>, vector<16xi32>], vector<16xf32>,
      %gather3A_726 = tpu.vector_load_idx %arg10[%broadcast_in_dim3A_670, %add3A_712, %broadcast_in_dim3A_673] : memref<2x64x128xf32, #tpu.memory_space<vmem>>[vector<16xi32>, vector<16xi32>, vector<16xi32>], vector<16xf32>,
      %add3A_727 = arith.addf %gather3A_725, %gather3A_726 : vector<16xf32>
      tpu.vector_store_idx %arg9[%broadcast_in_dim3A_670, %add3A_712, %broadcast_in_dim3A_673], %add3A_727 : memref<2x64x128xf32, #tpu.memory_space<vmem>>[vector<16xi32>, vector<16xi32>, vector<16xi32>], vector<16xf32>,
      %add3A_728 = arith.constant 48 : i32
      %add3A_729 = vector.broadcast %add3A_728 : i32 to vector<16xi32>
      %add3A_730 = arith.addi %add3A_729, %iota3A : vector<16xi32>
      %shift_right_arithmetic3A_731 = arith.constant 3 : i32
      %shift_right_arithmetic3A_732 = vector.broadcast %shift_right_arithmetic3A_731 : i32 to vector<16xi32>
      %shift_right_arithmetic3A_733 = arith.shrsi %add3A_730, %shift_right_arithmetic3A_732 : vector<16xi32>
      %and3A_734 = arith.constant 7 : i32
      %and3A_735 = vector.broadcast %and3A_734 : i32 to vector<16xi32>
      %and3A_736 = arith.andi %add3A_730, %and3A_735 : vector<16xi32>
      %gather3A_737 = arith.constant 0 : i32
      %gather3A_738 = arith.constant 0 : i32
      %gather3A_739 = arith.constant 0 : i32
      %gather3A_740 = arith.constant 0 : i32
      %gather3A_741 = tpu.memref_slice %arg8[%gather3A_737, %gather3A_738, %gather3A_739, %gather3A_740] : memref<8x8x8x128xf32, #tpu.memory_space<vmem>> -> memref<1x8x8x128xf32, #tpu.memory_space<vmem>>
      %gather3A_742 = tpu.memref_squeeze %gather3A_741 : memref<1x8x8x128xf32, #tpu.memory_space<vmem>> -> memref<8x8x128xf32, #tpu.memory_space<vmem>>
      %gather3A_743 = tpu.vector_load_idx %gather3A_742[%shift_right_arithmetic3A_733, %and3A_736, %broadcast_in_dim3A_667] : memref<8x8x128xf32, #tpu.memory_space<vmem>>[vector<16xi32>, vector<16xi32>, vector<16xi32>], vector<16xf32>,
      %gather3A_744 = tpu.vector_load_idx %arg10[%broadcast_in_dim3A_670, %add3A_730, %broadcast_in_dim3A_673] : memref<2x64x128xf32, #tpu.memory_space<vmem>>[vector<16xi32>, vector<16xi32>, vector<16xi32>], vector<16xf32>,
      %add3A_745 = arith.addf %gather3A_743, %gather3A_744 : vector<16xf32>
      tpu.vector_store_idx %arg9[%broadcast_in_dim3A_670, %add3A_730, %broadcast_in_dim3A_673], %add3A_745 : memref<2x64x128xf32, #tpu.memory_space<vmem>>[vector<16xi32>, vector<16xi32>, vector<16xi32>], vector<16xf32>,
      %add3A_746 = arith.constant 8 : i32
      %add3A_747 = arith.addi %add3A_641, %add3A_746 : i32
      %lt3A = arith.constant 256 : i32
      %lt3A_748 = arith.cmpi slt, %add3A_747, %lt3A : i32
      %convert_element_type3A = arith.extui %lt3A_748 : i1 to i32
      %cond3A = arith.constant 0 : i32
      %cond3A_749 = arith.cmpi ne, %convert_element_type3A, %cond3A : i32
      scf.if %cond3A_749 {
        %get3A_1562 = arith.index_cast %add3A_747 : i32 to index
        %get3A_1563 = memref.load %arg6[%get3A_1562] : memref<256xi32, #tpu.memory_space<smem>>
        %shift_right_arithmetic3A_1564 = arith.constant 7 : i32
        %shift_right_arithmetic3A_1565 = arith.shrsi %get3A_1563, %shift_right_arithmetic3A_1564 : i32
        %mul3A_1566 = arith.constant 128 : i32
        %mul3A_1567 = arith.muli %shift_right_arithmetic3A_1565, %mul3A_1566 : i32
        %multiple_of3A_1568 = tpu.assume_multiple %mul3A_1567, 128 : i32
        %dma_start3A_1569 = arith.constant 0 : i32
        %dma_start3A_1570 = arith.constant 0 : i32
        %dma_start3A_1571 = arith.constant 0 : i32
        %dma_start3A_1572 = arith.constant 0 : i32
        %dma_start3A_1573 = arith.constant 0 : i32
        %dma_start3A_1574 = tpu.memref_slice %arg8[%dma_start3A_1569, %dma_start3A_1571, %dma_start3A_1572, %dma_start3A_1573] : memref<8x8x8x128xf32, #tpu.memory_space<vmem>> -> memref<1x8x8x128xf32, #tpu.memory_space<vmem>>
        %dma_start3A_1575 = tpu.memref_squeeze %dma_start3A_1574 : memref<1x8x8x128xf32, #tpu.memory_space<vmem>> -> memref<8x8x128xf32, #tpu.memory_space<vmem>>
        %dma_start3A_1576 = arith.constant 0 : i32
        %dma_start3A_1577 = arith.constant 0 : i32
        %dma_start3A_1578 = tpu.memref_slice %arg2[%dma_start3A_1576, %dma_start3A_1577, %multiple_of3A_1568] : memref<8x8x1000000xf32, #tpu.memory_space<hbm>> -> memref<8x8x128xf32, #tpu.memory_space<hbm>>
        %dma_start3A_1579 = tpu.memref_slice %arg11[%dma_start3A_1570] : memref<8x!tpu.dma_semaphore, #tpu.memory_space<semaphore_mem>> -> memref<1x!tpu.dma_semaphore, #tpu.memory_space<semaphore_mem>>
        %dma_start3A_1580 = tpu.memref_squeeze %dma_start3A_1579 : memref<1x!tpu.dma_semaphore, #tpu.memory_space<semaphore_mem>> -> memref<!tpu.dma_semaphore, #tpu.memory_space<semaphore_mem>>
        %dma_start3A_1581 = arith.constant 0 : i32
        %dma_start3A_1582 = arith.constant 0 : i32
        %dma_start3A_1583 = arith.constant 0 : i32
        %dma_start3A_1584 = tpu.memref_slice %arg8[%dma_start3A_1569, %dma_start3A_1581, %dma_start3A_1582, %dma_start3A_1583] : memref<8x8x8x128xf32, #tpu.memory_space<vmem>> -> memref<1x8x8x128xf32, #tpu.memory_space<vmem>>
        %dma_start3A_1585 = tpu.memref_squeeze %dma_start3A_1584 : memref<1x8x8x128xf32, #tpu.memory_space<vmem>> -> memref<8x8x128xf32, #tpu.memory_space<vmem>>
        %dma_start3A_1586 = arith.constant 0 : i32
        %dma_start3A_1587 = arith.constant 0 : i32
        %dma_start3A_1588 = tpu.memref_slice %arg2[%dma_start3A_1586, %dma_start3A_1587, %multiple_of3A_1568] : memref<8x8x1000000xf32, #tpu.memory_space<hbm>> -> memref<8x8x128xf32, #tpu.memory_space<hbm>>
        tpu.enqueue_dma source(%dma_start3A_1588 : memref<8x8x128xf32, #tpu.memory_space<hbm>>) target(%dma_start3A_1585 : memref<8x8x128xf32, #tpu.memory_space<vmem>>) target_semaphore(%dma_start3A_1580 : memref<!tpu.dma_semaphore, #tpu.memory_space<semaphore_mem>>)
      } else {
      }
      %mul3A_750 = arith.constant 8 : i32
      %mul3A_751 = arith.muli %scan3A_637, %mul3A_750 : i32
      %add3A_752 = arith.constant 1 : i32
      %add3A_753 = arith.addi %mul3A_751, %add3A_752 : i32
      %dma_wait3A_754 = arith.constant 1 : i32
      %dma_wait3A_755 = arith.constant 1 : i32
      %dma_wait3A_756 = arith.constant 0 : i32
      %dma_wait3A_757 = arith.constant 0 : i32
      %dma_wait3A_758 = arith.constant 0 : i32
      %dma_wait3A_759 = tpu.memref_slice %arg8[%dma_wait3A_754, %dma_wait3A_756, %dma_wait3A_757, %dma_wait3A_758] : memref<8x8x8x128xf32, #tpu.memory_space<vmem>> -> memref<1x8x8x128xf32, #tpu.memory_space<vmem>>
      %dma_wait3A_760 = tpu.memref_squeeze %dma_wait3A_759 : memref<1x8x8x128xf32, #tpu.memory_space<vmem>> -> memref<8x8x128xf32, #tpu.memory_space<vmem>>
      %dma_wait3A_761 = arith.constant 0 : i32
      %dma_wait3A_762 = arith.constant 0 : i32
      %dma_wait3A_763 = arith.constant 0 : i32
      %dma_wait3A_764 = tpu.memref_slice %arg2[%dma_wait3A_761, %dma_wait3A_762, %dma_wait3A_763] : memref<8x8x1000000xf32, #tpu.memory_space<hbm>> -> memref<8x8x128xf32, #tpu.memory_space<hbm>>
      %dma_wait3A_765 = tpu.memref_slice %arg11[%dma_wait3A_755] : memref<8x!tpu.dma_semaphore, #tpu.memory_space<semaphore_mem>> -> memref<1x!tpu.dma_semaphore, #tpu.memory_space<semaphore_mem>>
      %dma_wait3A_766 = tpu.memref_squeeze %dma_wait3A_765 : memref<1x!tpu.dma_semaphore, #tpu.memory_space<semaphore_mem>> -> memref<!tpu.dma_semaphore, #tpu.memory_space<semaphore_mem>>
      %dma_wait3A_767 = arith.constant 0 : i32
      %dma_wait3A_768 = arith.constant 0 : i32
      %dma_wait3A_769 = arith.constant 0 : i32
      %dma_wait3A_770 = tpu.memref_slice %arg8[%dma_wait3A_754, %dma_wait3A_767, %dma_wait3A_768, %dma_wait3A_769] : memref<8x8x8x128xf32, #tpu.memory_space<vmem>> -> memref<1x8x8x128xf32, #tpu.memory_space<vmem>>
      %dma_wait3A_771 = tpu.memref_squeeze %dma_wait3A_770 : memref<1x8x8x128xf32, #tpu.memory_space<vmem>> -> memref<8x8x128xf32, #tpu.memory_space<vmem>>
      %dma_wait3A_772 = arith.constant 0 : i32
      %dma_wait3A_773 = arith.constant 0 : i32
      %dma_wait3A_774 = arith.constant 0 : i32
      %dma_wait3A_775 = tpu.memref_slice %arg2[%dma_wait3A_772, %dma_wait3A_773, %dma_wait3A_774] : memref<8x8x1000000xf32, #tpu.memory_space<hbm>> -> memref<8x8x128xf32, #tpu.memory_space<hbm>>
      tpu.wait_dma2 semaphore(%dma_wait3A_766 : memref<!tpu.dma_semaphore, #tpu.memory_space<semaphore_mem>>) src(%dma_wait3A_775 : memref<8x8x128xf32, #tpu.memory_space<hbm>>) dst(%dma_wait3A_771 : memref<8x8x128xf32, #tpu.memory_space<vmem>>)
      %get3A_776 = arith.index_cast %add3A_753 : i32 to index
      %get3A_777 = memref.load %arg6[%get3A_776] : memref<256xi32, #tpu.memory_space<smem>>
      %and3A_778 = arith.constant 127 : i32
      %and3A_779 = arith.andi %get3A_777, %and3A_778 : i32
      %broadcast_in_dim3A_780 = vector.broadcast %and3A_779 : i32 to vector<16xi32>
      %shift_right_arithmetic3A_781 = arith.constant 7 : i32
      %shift_right_arithmetic3A_782 = arith.shrsi %add3A_753, %shift_right_arithmetic3A_781 : i32
      %broadcast_in_dim3A_783 = vector.broadcast %shift_right_arithmetic3A_782 : i32 to vector<16xi32>
      %and3A_784 = arith.constant 127 : i32
      %and3A_785 = arith.andi %add3A_753, %and3A_784 : i32
      %broadcast_in_dim3A_786 = vector.broadcast %and3A_785 : i32 to vector<16xi32>
      %add3A_787 = arith.constant 0 : i32
      %add3A_788 = vector.broadcast %add3A_787 : i32 to vector<16xi32>
      %add3A_789 = arith.addi %add3A_788, %iota3A : vector<16xi32>
      %shift_right_arithmetic3A_790 = arith.constant 3 : i32
      %shift_right_arithmetic3A_791 = vector.broadcast %shift_right_arithmetic3A_790 : i32 to vector<16xi32>
      %shift_right_arithmetic3A_792 = arith.shrsi %add3A_789, %shift_right_arithmetic3A_791 : vector<16xi32>
      %and3A_793 = arith.constant 7 : i32
      %and3A_794 = vector.broadcast %and3A_793 : i32 to vector<16xi32>
      %and3A_795 = arith.andi %add3A_789, %and3A_794 : vector<16xi32>
      %gather3A_796 = arith.constant 1 : i32
      %gather3A_797 = arith.constant 0 : i32
      %gather3A_798 = arith.constant 0 : i32
      %gather3A_799 = arith.constant 0 : i32
      %gather3A_800 = tpu.memref_slice %arg8[%gather3A_796, %gather3A_797, %gather3A_798, %gather3A_799] : memref<8x8x8x128xf32, #tpu.memory_space<vmem>> -> memref<1x8x8x128xf32, #tpu.memory_space<vmem>>
      %gather3A_801 = tpu.memref_squeeze %gather3A_800 : memref<1x8x8x128xf32, #tpu.memory_space<vmem>> -> memref<8x8x128xf32, #tpu.memory_space<vmem>>
      %gather3A_802 = tpu.vector_load_idx %gather3A_801[%shift_right_arithmetic3A_792, %and3A_795, %broadcast_in_dim3A_780] : memref<8x8x128xf32, #tpu.memory_space<vmem>>[vector<16xi32>, vector<16xi32>, vector<16xi32>], vector<16xf32>,
      %gather3A_803 = tpu.vector_load_idx %arg10[%broadcast_in_dim3A_783, %add3A_789, %broadcast_in_dim3A_786] : memref<2x64x128xf32, #tpu.memory_space<vmem>>[vector<16xi32>, vector<16xi32>, vector<16xi32>], vector<16xf32>,
      %add3A_804 = arith.addf %gather3A_802, %gather3A_803 : vector<16xf32>
      tpu.vector_store_idx %arg9[%broadcast_in_dim3A_783, %add3A_789, %broadcast_in_dim3A_786], %add3A_804 : memref<2x64x128xf32, #tpu.memory_space<vmem>>[vector<16xi32>, vector<16xi32>, vector<16xi32>], vector<16xf32>,
      %add3A_805 = arith.constant 16 : i32
      %add3A_806 = vector.broadcast %add3A_805 : i32 to vector<16xi32>
      %add3A_807 = arith.addi %add3A_806, %iota3A : vector<16xi32>
      %shift_right_arithmetic3A_808 = arith.constant 3 : i32
      %shift_right_arithmetic3A_809 = vector.broadcast %shift_right_arithmetic3A_808 : i32 to vector<16xi32>
      %shift_right_arithmetic3A_810 = arith.shrsi %add3A_807, %shift_right_arithmetic3A_809 : vector<16xi32>
      %and3A_811 = arith.constant 7 : i32
      %and3A_812 = vector.broadcast %and3A_811 : i32 to vector<16xi32>
      %and3A_813 = arith.andi %add3A_807, %and3A_812 : vector<16xi32>
      %gather3A_814 = arith.constant 1 : i32
      %gather3A_815 = arith.constant 0 : i32
      %gather3A_816 = arith.constant 0 : i32
      %gather3A_817 = arith.constant 0 : i32
      %gather3A_818 = tpu.memref_slice %arg8[%gather3A_814, %gather3A_815, %gather3A_816, %gather3A_817] : memref<8x8x8x128xf32, #tpu.memory_space<vmem>> -> memref<1x8x8x128xf32, #tpu.memory_space<vmem>>
      %gather3A_819 = tpu.memref_squeeze %gather3A_818 : memref<1x8x8x128xf32, #tpu.memory_space<vmem>> -> memref<8x8x128xf32, #tpu.memory_space<vmem>>
      %gather3A_820 = tpu.vector_load_idx %gather3A_819[%shift_right_arithmetic3A_810, %and3A_813, %broadcast_in_dim3A_780] : memref<8x8x128xf32, #tpu.memory_space<vmem>>[vector<16xi32>, vector<16xi32>, vector<16xi32>], vector<16xf32>,
      %gather3A_821 = tpu.vector_load_idx %arg10[%broadcast_in_dim3A_783, %add3A_807, %broadcast_in_dim3A_786] : memref<2x64x128xf32, #tpu.memory_space<vmem>>[vector<16xi32>, vector<16xi32>, vector<16xi32>], vector<16xf32>,
      %add3A_822 = arith.addf %gather3A_820, %gather3A_821 : vector<16xf32>
      tpu.vector_store_idx %arg9[%broadcast_in_dim3A_783, %add3A_807, %broadcast_in_dim3A_786], %add3A_822 : memref<2x64x128xf32, #tpu.memory_space<vmem>>[vector<16xi32>, vector<16xi32>, vector<16xi32>], vector<16xf32>,
      %add3A_823 = arith.constant 32 : i32
      %add3A_824 = vector.broadcast %add3A_823 : i32 to vector<16xi32>
      %add3A_825 = arith.addi %add3A_824, %iota3A : vector<16xi32>
      %shift_right_arithmetic3A_826 = arith.constant 3 : i32
      %shift_right_arithmetic3A_827 = vector.broadcast %shift_right_arithmetic3A_826 : i32 to vector<16xi32>
      %shift_right_arithmetic3A_828 = arith.shrsi %add3A_825, %shift_right_arithmetic3A_827 : vector<16xi32>
      %and3A_829 = arith.constant 7 : i32
      %and3A_830 = vector.broadcast %and3A_829 : i32 to vector<16xi32>
      %and3A_831 = arith.andi %add3A_825, %and3A_830 : vector<16xi32>
      %gather3A_832 = arith.constant 1 : i32
      %gather3A_833 = arith.constant 0 : i32
      %gather3A_834 = arith.constant 0 : i32
      %gather3A_835 = arith.constant 0 : i32
      %gather3A_836 = tpu.memref_slice %arg8[%gather3A_832, %gather3A_833, %gather3A_834, %gather3A_835] : memref<8x8x8x128xf32, #tpu.memory_space<vmem>> -> memref<1x8x8x128xf32, #tpu.memory_space<vmem>>
      %gather3A_837 = tpu.memref_squeeze %gather3A_836 : memref<1x8x8x128xf32, #tpu.memory_space<vmem>> -> memref<8x8x128xf32, #tpu.memory_space<vmem>>
      %gather3A_838 = tpu.vector_load_idx %gather3A_837[%shift_right_arithmetic3A_828, %and3A_831, %broadcast_in_dim3A_780] : memref<8x8x128xf32, #tpu.memory_space<vmem>>[vector<16xi32>, vector<16xi32>, vector<16xi32>], vector<16xf32>,
      %gather3A_839 = tpu.vector_load_idx %arg10[%broadcast_in_dim3A_783, %add3A_825, %broadcast_in_dim3A_786] : memref<2x64x128xf32, #tpu.memory_space<vmem>>[vector<16xi32>, vector<16xi32>, vector<16xi32>], vector<16xf32>,
      %add3A_840 = arith.addf %gather3A_838, %gather3A_839 : vector<16xf32>
      tpu.vector_store_idx %arg9[%broadcast_in_dim3A_783, %add3A_825, %broadcast_in_dim3A_786], %add3A_840 : memref<2x64x128xf32, #tpu.memory_space<vmem>>[vector<16xi32>, vector<16xi32>, vector<16xi32>], vector<16xf32>,
      %add3A_841 = arith.constant 48 : i32
      %add3A_842 = vector.broadcast %add3A_841 : i32 to vector<16xi32>
      %add3A_843 = arith.addi %add3A_842, %iota3A : vector<16xi32>
      %shift_right_arithmetic3A_844 = arith.constant 3 : i32
      %shift_right_arithmetic3A_845 = vector.broadcast %shift_right_arithmetic3A_844 : i32 to vector<16xi32>
      %shift_right_arithmetic3A_846 = arith.shrsi %add3A_843, %shift_right_arithmetic3A_845 : vector<16xi32>
      %and3A_847 = arith.constant 7 : i32
      %and3A_848 = vector.broadcast %and3A_847 : i32 to vector<16xi32>
      %and3A_849 = arith.andi %add3A_843, %and3A_848 : vector<16xi32>
      %gather3A_850 = arith.constant 1 : i32
      %gather3A_851 = arith.constant 0 : i32
      %gather3A_852 = arith.constant 0 : i32
      %gather3A_853 = arith.constant 0 : i32
      %gather3A_854 = tpu.memref_slice %arg8[%gather3A_850, %gather3A_851, %gather3A_852, %gather3A_853] : memref<8x8x8x128xf32, #tpu.memory_space<vmem>> -> memref<1x8x8x128xf32, #tpu.memory_space<vmem>>
      %gather3A_855 = tpu.memref_squeeze %gather3A_854 : memref<1x8x8x128xf32, #tpu.memory_space<vmem>> -> memref<8x8x128xf32, #tpu.memory_space<vmem>>
      %gather3A_856 = tpu.vector_load_idx %gather3A_855[%shift_right_arithmetic3A_846, %and3A_849, %broadcast_in_dim3A_780] : memref<8x8x128xf32, #tpu.memory_space<vmem>>[vector<16xi32>, vector<16xi32>, vector<16xi32>], vector<16xf32>,
      %gather3A_857 = tpu.vector_load_idx %arg10[%broadcast_in_dim3A_783, %add3A_843, %broadcast_in_dim3A_786] : memref<2x64x128xf32, #tpu.memory_space<vmem>>[vector<16xi32>, vector<16xi32>, vector<16xi32>], vector<16xf32>,
      %add3A_858 = arith.addf %gather3A_856, %gather3A_857 : vector<16xf32>
      tpu.vector_store_idx %arg9[%broadcast_in_dim3A_783, %add3A_843, %broadcast_in_dim3A_786], %add3A_858 : memref<2x64x128xf32, #tpu.memory_space<vmem>>[vector<16xi32>, vector<16xi32>, vector<16xi32>], vector<16xf32>,
      %add3A_859 = arith.constant 8 : i32
      %add3A_860 = arith.addi %add3A_753, %add3A_859 : i32
      %lt3A_861 = arith.constant 256 : i32
      %lt3A_862 = arith.cmpi slt, %add3A_860, %lt3A_861 : i32
      %convert_element_type3A_863 = arith.extui %lt3A_862 : i1 to i32
      %cond3A_864 = arith.constant 0 : i32
      %cond3A_865 = arith.cmpi ne, %convert_element_type3A_863, %cond3A_864 : i32
      scf.if %cond3A_865 {
        %get3A_1562 = arith.index_cast %add3A_860 : i32 to index
        %get3A_1563 = memref.load %arg6[%get3A_1562] : memref<256xi32, #tpu.memory_space<smem>>
        %shift_right_arithmetic3A_1564 = arith.constant 7 : i32
        %shift_right_arithmetic3A_1565 = arith.shrsi %get3A_1563, %shift_right_arithmetic3A_1564 : i32
        %mul3A_1566 = arith.constant 128 : i32
        %mul3A_1567 = arith.muli %shift_right_arithmetic3A_1565, %mul3A_1566 : i32
        %multiple_of3A_1568 = tpu.assume_multiple %mul3A_1567, 128 : i32
        %dma_start3A_1569 = arith.constant 1 : i32
        %dma_start3A_1570 = arith.constant 1 : i32
        %dma_start3A_1571 = arith.constant 0 : i32
        %dma_start3A_1572 = arith.constant 0 : i32
        %dma_start3A_1573 = arith.constant 0 : i32
        %dma_start3A_1574 = tpu.memref_slice %arg8[%dma_start3A_1569, %dma_start3A_1571, %dma_start3A_1572, %dma_start3A_1573] : memref<8x8x8x128xf32, #tpu.memory_space<vmem>> -> memref<1x8x8x128xf32, #tpu.memory_space<vmem>>
        %dma_start3A_1575 = tpu.memref_squeeze %dma_start3A_1574 : memref<1x8x8x128xf32, #tpu.memory_space<vmem>> -> memref<8x8x128xf32, #tpu.memory_space<vmem>>
        %dma_start3A_1576 = arith.constant 0 : i32
        %dma_start3A_1577 = arith.constant 0 : i32
        %dma_start3A_1578 = tpu.memref_slice %arg2[%dma_start3A_1576, %dma_start3A_1577, %multiple_of3A_1568] : memref<8x8x1000000xf32, #tpu.memory_space<hbm>> -> memref<8x8x128xf32, #tpu.memory_space<hbm>>
        %dma_start3A_1579 = tpu.memref_slice %arg11[%dma_start3A_1570] : memref<8x!tpu.dma_semaphore, #tpu.memory_space<semaphore_mem>> -> memref<1x!tpu.dma_semaphore, #tpu.memory_space<semaphore_mem>>
        %dma_start3A_1580 = tpu.memref_squeeze %dma_start3A_1579 : memref<1x!tpu.dma_semaphore, #tpu.memory_space<semaphore_mem>> -> memref<!tpu.dma_semaphore, #tpu.memory_space<semaphore_mem>>
        %dma_start3A_1581 = arith.constant 0 : i32
        %dma_start3A_1582 = arith.constant 0 : i32
        %dma_start3A_1583 = arith.constant 0 : i32
        %dma_start3A_1584 = tpu.memref_slice %arg8[%dma_start3A_1569, %dma_start3A_1581, %dma_start3A_1582, %dma_start3A_1583] : memref<8x8x8x128xf32, #tpu.memory_space<vmem>> -> memref<1x8x8x128xf32, #tpu.memory_space<vmem>>
        %dma_start3A_1585 = tpu.memref_squeeze %dma_start3A_1584 : memref<1x8x8x128xf32, #tpu.memory_space<vmem>> -> memref<8x8x128xf32, #tpu.memory_space<vmem>>
        %dma_start3A_1586 = arith.constant 0 : i32
        %dma_start3A_1587 = arith.constant 0 : i32
        %dma_start3A_1588 = tpu.memref_slice %arg2[%dma_start3A_1586, %dma_start3A_1587, %multiple_of3A_1568] : memref<8x8x1000000xf32, #tpu.memory_space<hbm>> -> memref<8x8x128xf32, #tpu.memory_space<hbm>>
        tpu.enqueue_dma source(%dma_start3A_1588 : memref<8x8x128xf32, #tpu.memory_space<hbm>>) target(%dma_start3A_1585 : memref<8x8x128xf32, #tpu.memory_space<vmem>>) target_semaphore(%dma_start3A_1580 : memref<!tpu.dma_semaphore, #tpu.memory_space<semaphore_mem>>)
      } else {
      }
      %mul3A_866 = arith.constant 8 : i32
      %mul3A_867 = arith.muli %scan3A_637, %mul3A_866 : i32
      %add3A_868 = arith.constant 2 : i32
      %add3A_869 = arith.addi %mul3A_867, %add3A_868 : i32
      %dma_wait3A_870 = arith.constant 2 : i32
      %dma_wait3A_871 = arith.constant 2 : i32
      %dma_wait3A_872 = arith.constant 0 : i32
      %dma_wait3A_873 = arith.constant 0 : i32
      %dma_wait3A_874 = arith.constant 0 : i32
      %dma_wait3A_875 = tpu.memref_slice %arg8[%dma_wait3A_870, %dma_wait3A_872, %dma_wait3A_873, %dma_wait3A_874] : memref<8x8x8x128xf32, #tpu.memory_space<vmem>> -> memref<1x8x8x128xf32, #tpu.memory_space<vmem>>
      %dma_wait3A_876 = tpu.memref_squeeze %dma_wait3A_875 : memref<1x8x8x128xf32, #tpu.memory_space<vmem>> -> memref<8x8x128xf32, #tpu.memory_space<vmem>>
      %dma_wait3A_877 = arith.constant 0 : i32
      %dma_wait3A_878 = arith.constant 0 : i32
      %dma_wait3A_879 = arith.constant 0 : i32
      %dma_wait3A_880 = tpu.memref_slice %arg2[%dma_wait3A_877, %dma_wait3A_878, %dma_wait3A_879] : memref<8x8x1000000xf32, #tpu.memory_space<hbm>> -> memref<8x8x128xf32, #tpu.memory_space<hbm>>
      %dma_wait3A_881 = tpu.memref_slice %arg11[%dma_wait3A_871] : memref<8x!tpu.dma_semaphore, #tpu.memory_space<semaphore_mem>> -> memref<1x!tpu.dma_semaphore, #tpu.memory_space<semaphore_mem>>
      %dma_wait3A_882 = tpu.memref_squeeze %dma_wait3A_881 : memref<1x!tpu.dma_semaphore, #tpu.memory_space<semaphore_mem>> -> memref<!tpu.dma_semaphore, #tpu.memory_space<semaphore_mem>>
      %dma_wait3A_883 = arith.constant 0 : i32
      %dma_wait3A_884 = arith.constant 0 : i32
      %dma_wait3A_885 = arith.constant 0 : i32
      %dma_wait3A_886 = tpu.memref_slice %arg8[%dma_wait3A_870, %dma_wait3A_883, %dma_wait3A_884, %dma_wait3A_885] : memref<8x8x8x128xf32, #tpu.memory_space<vmem>> -> memref<1x8x8x128xf32, #tpu.memory_space<vmem>>
      %dma_wait3A_887 = tpu.memref_squeeze %dma_wait3A_886 : memref<1x8x8x128xf32, #tpu.memory_space<vmem>> -> memref<8x8x128xf32, #tpu.memory_space<vmem>>
      %dma_wait3A_888 = arith.constant 0 : i32
      %dma_wait3A_889 = arith.constant 0 : i32
      %dma_wait3A_890 = arith.constant 0 : i32
      %dma_wait3A_891 = tpu.memref_slice %arg2[%dma_wait3A_888, %dma_wait3A_889, %dma_wait3A_890] : memref<8x8x1000000xf32, #tpu.memory_space<hbm>> -> memref<8x8x128xf32, #tpu.memory_space<hbm>>
      tpu.wait_dma2 semaphore(%dma_wait3A_882 : memref<!tpu.dma_semaphore, #tpu.memory_space<semaphore_mem>>) src(%dma_wait3A_891 : memref<8x8x128xf32, #tpu.memory_space<hbm>>) dst(%dma_wait3A_887 : memref<8x8x128xf32, #tpu.memory_space<vmem>>)
      %get3A_892 = arith.index_cast %add3A_869 : i32 to index
      %get3A_893 = memref.load %arg6[%get3A_892] : memref<256xi32, #tpu.memory_space<smem>>
      %and3A_894 = arith.constant 127 : i32
      %and3A_895 = arith.andi %get3A_893, %and3A_894 : i32
      %broadcast_in_dim3A_896 = vector.broadcast %and3A_895 : i32 to vector<16xi32>
      %shift_right_arithmetic3A_897 = arith.constant 7 : i32
      %shift_right_arithmetic3A_898 = arith.shrsi %add3A_869, %shift_right_arithmetic3A_897 : i32
      %broadcast_in_dim3A_899 = vector.broadcast %shift_right_arithmetic3A_898 : i32 to vector<16xi32>
      %and3A_900 = arith.constant 127 : i32
      %and3A_901 = arith.andi %add3A_869, %and3A_900 : i32
      %broadcast_in_dim3A_902 = vector.broadcast %and3A_901 : i32 to vector<16xi32>
      %add3A_903 = arith.constant 0 : i32
      %add3A_904 = vector.broadcast %add3A_903 : i32 to vector<16xi32>
      %add3A_905 = arith.addi %add3A_904, %iota3A : vector<16xi32>
      %shift_right_arithmetic3A_906 = arith.constant 3 : i32
      %shift_right_arithmetic3A_907 = vector.broadcast %shift_right_arithmetic3A_906 : i32 to vector<16xi32>
      %shift_right_arithmetic3A_908 = arith.shrsi %add3A_905, %shift_right_arithmetic3A_907 : vector<16xi32>
      %and3A_909 = arith.constant 7 : i32
      %and3A_910 = vector.broadcast %and3A_909 : i32 to vector<16xi32>
      %and3A_911 = arith.andi %add3A_905, %and3A_910 : vector<16xi32>
      %gather3A_912 = arith.constant 2 : i32
      %gather3A_913 = arith.constant 0 : i32
      %gather3A_914 = arith.constant 0 : i32
      %gather3A_915 = arith.constant 0 : i32
      %gather3A_916 = tpu.memref_slice %arg8[%gather3A_912, %gather3A_913, %gather3A_914, %gather3A_915] : memref<8x8x8x128xf32, #tpu.memory_space<vmem>> -> memref<1x8x8x128xf32, #tpu.memory_space<vmem>>
      %gather3A_917 = tpu.memref_squeeze %gather3A_916 : memref<1x8x8x128xf32, #tpu.memory_space<vmem>> -> memref<8x8x128xf32, #tpu.memory_space<vmem>>
      %gather3A_918 = tpu.vector_load_idx %gather3A_917[%shift_right_arithmetic3A_908, %and3A_911, %broadcast_in_dim3A_896] : memref<8x8x128xf32, #tpu.memory_space<vmem>>[vector<16xi32>, vector<16xi32>, vector<16xi32>], vector<16xf32>,
      %gather3A_919 = tpu.vector_load_idx %arg10[%broadcast_in_dim3A_899, %add3A_905, %broadcast_in_dim3A_902] : memref<2x64x128xf32, #tpu.memory_space<vmem>>[vector<16xi32>, vector<16xi32>, vector<16xi32>], vector<16xf32>,
      %add3A_920 = arith.addf %gather3A_918, %gather3A_919 : vector<16xf32>
      tpu.vector_store_idx %arg9[%broadcast_in_dim3A_899, %add3A_905, %broadcast_in_dim3A_902], %add3A_920 : memref<2x64x128xf32, #tpu.memory_space<vmem>>[vector<16xi32>, vector<16xi32>, vector<16xi32>], vector<16xf32>,
      %add3A_921 = arith.constant 16 : i32
      %add3A_922 = vector.broadcast %add3A_921 : i32 to vector<16xi32>
      %add3A_923 = arith.addi %add3A_922, %iota3A : vector<16xi32>
      %shift_right_arithmetic3A_924 = arith.constant 3 : i32
      %shift_right_arithmetic3A_925 = vector.broadcast %shift_right_arithmetic3A_924 : i32 to vector<16xi32>
      %shift_right_arithmetic3A_926 = arith.shrsi %add3A_923, %shift_right_arithmetic3A_925 : vector<16xi32>
      %and3A_927 = arith.constant 7 : i32
      %and3A_928 = vector.broadcast %and3A_927 : i32 to vector<16xi32>
      %and3A_929 = arith.andi %add3A_923, %and3A_928 : vector<16xi32>
      %gather3A_930 = arith.constant 2 : i32
      %gather3A_931 = arith.constant 0 : i32
      %gather3A_932 = arith.constant 0 : i32
      %gather3A_933 = arith.constant 0 : i32
      %gather3A_934 = tpu.memref_slice %arg8[%gather3A_930, %gather3A_931, %gather3A_932, %gather3A_933] : memref<8x8x8x128xf32, #tpu.memory_space<vmem>> -> memref<1x8x8x128xf32, #tpu.memory_space<vmem>>
      %gather3A_935 = tpu.memref_squeeze %gather3A_934 : memref<1x8x8x128xf32, #tpu.memory_space<vmem>> -> memref<8x8x128xf32, #tpu.memory_space<vmem>>
      %gather3A_936 = tpu.vector_load_idx %gather3A_935[%shift_right_arithmetic3A_926, %and3A_929, %broadcast_in_dim3A_896] : memref<8x8x128xf32, #tpu.memory_space<vmem>>[vector<16xi32>, vector<16xi32>, vector<16xi32>], vector<16xf32>,
      %gather3A_937 = tpu.vector_load_idx %arg10[%broadcast_in_dim3A_899, %add3A_923, %broadcast_in_dim3A_902] : memref<2x64x128xf32, #tpu.memory_space<vmem>>[vector<16xi32>, vector<16xi32>, vector<16xi32>], vector<16xf32>,
      %add3A_938 = arith.addf %gather3A_936, %gather3A_937 : vector<16xf32>
      tpu.vector_store_idx %arg9[%broadcast_in_dim3A_899, %add3A_923, %broadcast_in_dim3A_902], %add3A_938 : memref<2x64x128xf32, #tpu.memory_space<vmem>>[vector<16xi32>, vector<16xi32>, vector<16xi32>], vector<16xf32>,
      %add3A_939 = arith.constant 32 : i32
      %add3A_940 = vector.broadcast %add3A_939 : i32 to vector<16xi32>
      %add3A_941 = arith.addi %add3A_940, %iota3A : vector<16xi32>
      %shift_right_arithmetic3A_942 = arith.constant 3 : i32
      %shift_right_arithmetic3A_943 = vector.broadcast %shift_right_arithmetic3A_942 : i32 to vector<16xi32>
      %shift_right_arithmetic3A_944 = arith.shrsi %add3A_941, %shift_right_arithmetic3A_943 : vector<16xi32>
      %and3A_945 = arith.constant 7 : i32
      %and3A_946 = vector.broadcast %and3A_945 : i32 to vector<16xi32>
      %and3A_947 = arith.andi %add3A_941, %and3A_946 : vector<16xi32>
      %gather3A_948 = arith.constant 2 : i32
      %gather3A_949 = arith.constant 0 : i32
      %gather3A_950 = arith.constant 0 : i32
      %gather3A_951 = arith.constant 0 : i32
      %gather3A_952 = tpu.memref_slice %arg8[%gather3A_948, %gather3A_949, %gather3A_950, %gather3A_951] : memref<8x8x8x128xf32, #tpu.memory_space<vmem>> -> memref<1x8x8x128xf32, #tpu.memory_space<vmem>>
      %gather3A_953 = tpu.memref_squeeze %gather3A_952 : memref<1x8x8x128xf32, #tpu.memory_space<vmem>> -> memref<8x8x128xf32, #tpu.memory_space<vmem>>
      %gather3A_954 = tpu.vector_load_idx %gather3A_953[%shift_right_arithmetic3A_944, %and3A_947, %broadcast_in_dim3A_896] : memref<8x8x128xf32, #tpu.memory_space<vmem>>[vector<16xi32>, vector<16xi32>, vector<16xi32>], vector<16xf32>,
      %gather3A_955 = tpu.vector_load_idx %arg10[%broadcast_in_dim3A_899, %add3A_941, %broadcast_in_dim3A_902] : memref<2x64x128xf32, #tpu.memory_space<vmem>>[vector<16xi32>, vector<16xi32>, vector<16xi32>], vector<16xf32>,
      %add3A_956 = arith.addf %gather3A_954, %gather3A_955 : vector<16xf32>
      tpu.vector_store_idx %arg9[%broadcast_in_dim3A_899, %add3A_941, %broadcast_in_dim3A_902], %add3A_956 : memref<2x64x128xf32, #tpu.memory_space<vmem>>[vector<16xi32>, vector<16xi32>, vector<16xi32>], vector<16xf32>,
      %add3A_957 = arith.constant 48 : i32
      %add3A_958 = vector.broadcast %add3A_957 : i32 to vector<16xi32>
      %add3A_959 = arith.addi %add3A_958, %iota3A : vector<16xi32>
      %shift_right_arithmetic3A_960 = arith.constant 3 : i32
      %shift_right_arithmetic3A_961 = vector.broadcast %shift_right_arithmetic3A_960 : i32 to vector<16xi32>
      %shift_right_arithmetic3A_962 = arith.shrsi %add3A_959, %shift_right_arithmetic3A_961 : vector<16xi32>
      %and3A_963 = arith.constant 7 : i32
      %and3A_964 = vector.broadcast %and3A_963 : i32 to vector<16xi32>
      %and3A_965 = arith.andi %add3A_959, %and3A_964 : vector<16xi32>
      %gather3A_966 = arith.constant 2 : i32
      %gather3A_967 = arith.constant 0 : i32
      %gather3A_968 = arith.constant 0 : i32
      %gather3A_969 = arith.constant 0 : i32
      %gather3A_970 = tpu.memref_slice %arg8[%gather3A_966, %gather3A_967, %gather3A_968, %gather3A_969] : memref<8x8x8x128xf32, #tpu.memory_space<vmem>> -> memref<1x8x8x128xf32, #tpu.memory_space<vmem>>
      %gather3A_971 = tpu.memref_squeeze %gather3A_970 : memref<1x8x8x128xf32, #tpu.memory_space<vmem>> -> memref<8x8x128xf32, #tpu.memory_space<vmem>>
      %gather3A_972 = tpu.vector_load_idx %gather3A_971[%shift_right_arithmetic3A_962, %and3A_965, %broadcast_in_dim3A_896] : memref<8x8x128xf32, #tpu.memory_space<vmem>>[vector<16xi32>, vector<16xi32>, vector<16xi32>], vector<16xf32>,
      %gather3A_973 = tpu.vector_load_idx %arg10[%broadcast_in_dim3A_899, %add3A_959, %broadcast_in_dim3A_902] : memref<2x64x128xf32, #tpu.memory_space<vmem>>[vector<16xi32>, vector<16xi32>, vector<16xi32>], vector<16xf32>,
      %add3A_974 = arith.addf %gather3A_972, %gather3A_973 : vector<16xf32>
      tpu.vector_store_idx %arg9[%broadcast_in_dim3A_899, %add3A_959, %broadcast_in_dim3A_902], %add3A_974 : memref<2x64x128xf32, #tpu.memory_space<vmem>>[vector<16xi32>, vector<16xi32>, vector<16xi32>], vector<16xf32>,
      %add3A_975 = arith.constant 8 : i32
      %add3A_976 = arith.addi %add3A_869, %add3A_975 : i32
      %lt3A_977 = arith.constant 256 : i32
      %lt3A_978 = arith.cmpi slt, %add3A_976, %lt3A_977 : i32
      %convert_element_type3A_979 = arith.extui %lt3A_978 : i1 to i32
      %cond3A_980 = arith.constant 0 : i32
      %cond3A_981 = arith.cmpi ne, %convert_element_type3A_979, %cond3A_980 : i32
      scf.if %cond3A_981 {
        %get3A_1562 = arith.index_cast %add3A_976 : i32 to index
        %get3A_1563 = memref.load %arg6[%get3A_1562] : memref<256xi32, #tpu.memory_space<smem>>
        %shift_right_arithmetic3A_1564 = arith.constant 7 : i32
        %shift_right_arithmetic3A_1565 = arith.shrsi %get3A_1563, %shift_right_arithmetic3A_1564 : i32
        %mul3A_1566 = arith.constant 128 : i32
        %mul3A_1567 = arith.muli %shift_right_arithmetic3A_1565, %mul3A_1566 : i32
        %multiple_of3A_1568 = tpu.assume_multiple %mul3A_1567, 128 : i32
        %dma_start3A_1569 = arith.constant 2 : i32
        %dma_start3A_1570 = arith.constant 2 : i32
        %dma_start3A_1571 = arith.constant 0 : i32
        %dma_start3A_1572 = arith.constant 0 : i32
        %dma_start3A_1573 = arith.constant 0 : i32
        %dma_start3A_1574 = tpu.memref_slice %arg8[%dma_start3A_1569, %dma_start3A_1571, %dma_start3A_1572, %dma_start3A_1573] : memref<8x8x8x128xf32, #tpu.memory_space<vmem>> -> memref<1x8x8x128xf32, #tpu.memory_space<vmem>>
        %dma_start3A_1575 = tpu.memref_squeeze %dma_start3A_1574 : memref<1x8x8x128xf32, #tpu.memory_space<vmem>> -> memref<8x8x128xf32, #tpu.memory_space<vmem>>
        %dma_start3A_1576 = arith.constant 0 : i32
        %dma_start3A_1577 = arith.constant 0 : i32
        %dma_start3A_1578 = tpu.memref_slice %arg2[%dma_start3A_1576, %dma_start3A_1577, %multiple_of3A_1568] : memref<8x8x1000000xf32, #tpu.memory_space<hbm>> -> memref<8x8x128xf32, #tpu.memory_space<hbm>>
        %dma_start3A_1579 = tpu.memref_slice %arg11[%dma_start3A_1570] : memref<8x!tpu.dma_semaphore, #tpu.memory_space<semaphore_mem>> -> memref<1x!tpu.dma_semaphore, #tpu.memory_space<semaphore_mem>>
        %dma_start3A_1580 = tpu.memref_squeeze %dma_start3A_1579 : memref<1x!tpu.dma_semaphore, #tpu.memory_space<semaphore_mem>> -> memref<!tpu.dma_semaphore, #tpu.memory_space<semaphore_mem>>
        %dma_start3A_1581 = arith.constant 0 : i32
        %dma_start3A_1582 = arith.constant 0 : i32
        %dma_start3A_1583 = arith.constant 0 : i32
        %dma_start3A_1584 = tpu.memref_slice %arg8[%dma_start3A_1569, %dma_start3A_1581, %dma_start3A_1582, %dma_start3A_1583] : memref<8x8x8x128xf32, #tpu.memory_space<vmem>> -> memref<1x8x8x128xf32, #tpu.memory_space<vmem>>
        %dma_start3A_1585 = tpu.memref_squeeze %dma_start3A_1584 : memref<1x8x8x128xf32, #tpu.memory_space<vmem>> -> memref<8x8x128xf32, #tpu.memory_space<vmem>>
        %dma_start3A_1586 = arith.constant 0 : i32
        %dma_start3A_1587 = arith.constant 0 : i32
        %dma_start3A_1588 = tpu.memref_slice %arg2[%dma_start3A_1586, %dma_start3A_1587, %multiple_of3A_1568] : memref<8x8x1000000xf32, #tpu.memory_space<hbm>> -> memref<8x8x128xf32, #tpu.memory_space<hbm>>
        tpu.enqueue_dma source(%dma_start3A_1588 : memref<8x8x128xf32, #tpu.memory_space<hbm>>) target(%dma_start3A_1585 : memref<8x8x128xf32, #tpu.memory_space<vmem>>) target_semaphore(%dma_start3A_1580 : memref<!tpu.dma_semaphore, #tpu.memory_space<semaphore_mem>>)
      } else {
      }
      %mul3A_982 = arith.constant 8 : i32
      %mul3A_983 = arith.muli %scan3A_637, %mul3A_982 : i32
      %add3A_984 = arith.constant 3 : i32
      %add3A_985 = arith.addi %mul3A_983, %add3A_984 : i32
      %dma_wait3A_986 = arith.constant 3 : i32
      %dma_wait3A_987 = arith.constant 3 : i32
      %dma_wait3A_988 = arith.constant 0 : i32
      %dma_wait3A_989 = arith.constant 0 : i32
      %dma_wait3A_990 = arith.constant 0 : i32
      %dma_wait3A_991 = tpu.memref_slice %arg8[%dma_wait3A_986, %dma_wait3A_988, %dma_wait3A_989, %dma_wait3A_990] : memref<8x8x8x128xf32, #tpu.memory_space<vmem>> -> memref<1x8x8x128xf32, #tpu.memory_space<vmem>>
      %dma_wait3A_992 = tpu.memref_squeeze %dma_wait3A_991 : memref<1x8x8x128xf32, #tpu.memory_space<vmem>> -> memref<8x8x128xf32, #tpu.memory_space<vmem>>
      %dma_wait3A_993 = arith.constant 0 : i32
      %dma_wait3A_994 = arith.constant 0 : i32
      %dma_wait3A_995 = arith.constant 0 : i32
      %dma_wait3A_996 = tpu.memref_slice %arg2[%dma_wait3A_993, %dma_wait3A_994, %dma_wait3A_995] : memref<8x8x1000000xf32, #tpu.memory_space<hbm>> -> memref<8x8x128xf32, #tpu.memory_space<hbm>>
      %dma_wait3A_997 = tpu.memref_slice %arg11[%dma_wait3A_987] : memref<8x!tpu.dma_semaphore, #tpu.memory_space<semaphore_mem>> -> memref<1x!tpu.dma_semaphore, #tpu.memory_space<semaphore_mem>>
      %dma_wait3A_998 = tpu.memref_squeeze %dma_wait3A_997 : memref<1x!tpu.dma_semaphore, #tpu.memory_space<semaphore_mem>> -> memref<!tpu.dma_semaphore, #tpu.memory_space<semaphore_mem>>
      %dma_wait3A_999 = arith.constant 0 : i32
      %dma_wait3A_1000 = arith.constant 0 : i32
      %dma_wait3A_1001 = arith.constant 0 : i32
      %dma_wait3A_1002 = tpu.memref_slice %arg8[%dma_wait3A_986, %dma_wait3A_999, %dma_wait3A_1000, %dma_wait3A_1001] : memref<8x8x8x128xf32, #tpu.memory_space<vmem>> -> memref<1x8x8x128xf32, #tpu.memory_space<vmem>>
      %dma_wait3A_1003 = tpu.memref_squeeze %dma_wait3A_1002 : memref<1x8x8x128xf32, #tpu.memory_space<vmem>> -> memref<8x8x128xf32, #tpu.memory_space<vmem>>
      %dma_wait3A_1004 = arith.constant 0 : i32
      %dma_wait3A_1005 = arith.constant 0 : i32
      %dma_wait3A_1006 = arith.constant 0 : i32
      %dma_wait3A_1007 = tpu.memref_slice %arg2[%dma_wait3A_1004, %dma_wait3A_1005, %dma_wait3A_1006] : memref<8x8x1000000xf32, #tpu.memory_space<hbm>> -> memref<8x8x128xf32, #tpu.memory_space<hbm>>
      tpu.wait_dma2 semaphore(%dma_wait3A_998 : memref<!tpu.dma_semaphore, #tpu.memory_space<semaphore_mem>>) src(%dma_wait3A_1007 : memref<8x8x128xf32, #tpu.memory_space<hbm>>) dst(%dma_wait3A_1003 : memref<8x8x128xf32, #tpu.memory_space<vmem>>)
      %get3A_1008 = arith.index_cast %add3A_985 : i32 to index
      %get3A_1009 = memref.load %arg6[%get3A_1008] : memref<256xi32, #tpu.memory_space<smem>>
      %and3A_1010 = arith.constant 127 : i32
      %and3A_1011 = arith.andi %get3A_1009, %and3A_1010 : i32
      %broadcast_in_dim3A_1012 = vector.broadcast %and3A_1011 : i32 to vector<16xi32>
      %shift_right_arithmetic3A_1013 = arith.constant 7 : i32
      %shift_right_arithmetic3A_1014 = arith.shrsi %add3A_985, %shift_right_arithmetic3A_1013 : i32
      %broadcast_in_dim3A_1015 = vector.broadcast %shift_right_arithmetic3A_1014 : i32 to vector<16xi32>
      %and3A_1016 = arith.constant 127 : i32
      %and3A_1017 = arith.andi %add3A_985, %and3A_1016 : i32
      %broadcast_in_dim3A_1018 = vector.broadcast %and3A_1017 : i32 to vector<16xi32>
      %add3A_1019 = arith.constant 0 : i32
      %add3A_1020 = vector.broadcast %add3A_1019 : i32 to vector<16xi32>
      %add3A_1021 = arith.addi %add3A_1020, %iota3A : vector<16xi32>
      %shift_right_arithmetic3A_1022 = arith.constant 3 : i32
      %shift_right_arithmetic3A_1023 = vector.broadcast %shift_right_arithmetic3A_1022 : i32 to vector<16xi32>
      %shift_right_arithmetic3A_1024 = arith.shrsi %add3A_1021, %shift_right_arithmetic3A_1023 : vector<16xi32>
      %and3A_1025 = arith.constant 7 : i32
      %and3A_1026 = vector.broadcast %and3A_1025 : i32 to vector<16xi32>
      %and3A_1027 = arith.andi %add3A_1021, %and3A_1026 : vector<16xi32>
      %gather3A_1028 = arith.constant 3 : i32
      %gather3A_1029 = arith.constant 0 : i32
      %gather3A_1030 = arith.constant 0 : i32
      %gather3A_1031 = arith.constant 0 : i32
      %gather3A_1032 = tpu.memref_slice %arg8[%gather3A_1028, %gather3A_1029, %gather3A_1030, %gather3A_1031] : memref<8x8x8x128xf32, #tpu.memory_space<vmem>> -> memref<1x8x8x128xf32, #tpu.memory_space<vmem>>
      %gather3A_1033 = tpu.memref_squeeze %gather3A_1032 : memref<1x8x8x128xf32, #tpu.memory_space<vmem>> -> memref<8x8x128xf32, #tpu.memory_space<vmem>>
      %gather3A_1034 = tpu.vector_load_idx %gather3A_1033[%shift_right_arithmetic3A_1024, %and3A_1027, %broadcast_in_dim3A_1012] : memref<8x8x128xf32, #tpu.memory_space<vmem>>[vector<16xi32>, vector<16xi32>, vector<16xi32>], vector<16xf32>,
      %gather3A_1035 = tpu.vector_load_idx %arg10[%broadcast_in_dim3A_1015, %add3A_1021, %broadcast_in_dim3A_1018] : memref<2x64x128xf32, #tpu.memory_space<vmem>>[vector<16xi32>, vector<16xi32>, vector<16xi32>], vector<16xf32>,
      %add3A_1036 = arith.addf %gather3A_1034, %gather3A_1035 : vector<16xf32>
      tpu.vector_store_idx %arg9[%broadcast_in_dim3A_1015, %add3A_1021, %broadcast_in_dim3A_1018], %add3A_1036 : memref<2x64x128xf32, #tpu.memory_space<vmem>>[vector<16xi32>, vector<16xi32>, vector<16xi32>], vector<16xf32>,
      %add3A_1037 = arith.constant 16 : i32
      %add3A_1038 = vector.broadcast %add3A_1037 : i32 to vector<16xi32>
      %add3A_1039 = arith.addi %add3A_1038, %iota3A : vector<16xi32>
      %shift_right_arithmetic3A_1040 = arith.constant 3 : i32
      %shift_right_arithmetic3A_1041 = vector.broadcast %shift_right_arithmetic3A_1040 : i32 to vector<16xi32>
      %shift_right_arithmetic3A_1042 = arith.shrsi %add3A_1039, %shift_right_arithmetic3A_1041 : vector<16xi32>
      %and3A_1043 = arith.constant 7 : i32
      %and3A_1044 = vector.broadcast %and3A_1043 : i32 to vector<16xi32>
      %and3A_1045 = arith.andi %add3A_1039, %and3A_1044 : vector<16xi32>
      %gather3A_1046 = arith.constant 3 : i32
      %gather3A_1047 = arith.constant 0 : i32
      %gather3A_1048 = arith.constant 0 : i32
      %gather3A_1049 = arith.constant 0 : i32
      %gather3A_1050 = tpu.memref_slice %arg8[%gather3A_1046, %gather3A_1047, %gather3A_1048, %gather3A_1049] : memref<8x8x8x128xf32, #tpu.memory_space<vmem>> -> memref<1x8x8x128xf32, #tpu.memory_space<vmem>>
      %gather3A_1051 = tpu.memref_squeeze %gather3A_1050 : memref<1x8x8x128xf32, #tpu.memory_space<vmem>> -> memref<8x8x128xf32, #tpu.memory_space<vmem>>
      %gather3A_1052 = tpu.vector_load_idx %gather3A_1051[%shift_right_arithmetic3A_1042, %and3A_1045, %broadcast_in_dim3A_1012] : memref<8x8x128xf32, #tpu.memory_space<vmem>>[vector<16xi32>, vector<16xi32>, vector<16xi32>], vector<16xf32>,
      %gather3A_1053 = tpu.vector_load_idx %arg10[%broadcast_in_dim3A_1015, %add3A_1039, %broadcast_in_dim3A_1018] : memref<2x64x128xf32, #tpu.memory_space<vmem>>[vector<16xi32>, vector<16xi32>, vector<16xi32>], vector<16xf32>,
      %add3A_1054 = arith.addf %gather3A_1052, %gather3A_1053 : vector<16xf32>
      tpu.vector_store_idx %arg9[%broadcast_in_dim3A_1015, %add3A_1039, %broadcast_in_dim3A_1018], %add3A_1054 : memref<2x64x128xf32, #tpu.memory_space<vmem>>[vector<16xi32>, vector<16xi32>, vector<16xi32>], vector<16xf32>,
      %add3A_1055 = arith.constant 32 : i32
      %add3A_1056 = vector.broadcast %add3A_1055 : i32 to vector<16xi32>
      %add3A_1057 = arith.addi %add3A_1056, %iota3A : vector<16xi32>
      %shift_right_arithmetic3A_1058 = arith.constant 3 : i32
      %shift_right_arithmetic3A_1059 = vector.broadcast %shift_right_arithmetic3A_1058 : i32 to vector<16xi32>
      %shift_right_arithmetic3A_1060 = arith.shrsi %add3A_1057, %shift_right_arithmetic3A_1059 : vector<16xi32>
      %and3A_1061 = arith.constant 7 : i32
      %and3A_1062 = vector.broadcast %and3A_1061 : i32 to vector<16xi32>
      %and3A_1063 = arith.andi %add3A_1057, %and3A_1062 : vector<16xi32>
      %gather3A_1064 = arith.constant 3 : i32
      %gather3A_1065 = arith.constant 0 : i32
      %gather3A_1066 = arith.constant 0 : i32
      %gather3A_1067 = arith.constant 0 : i32
      %gather3A_1068 = tpu.memref_slice %arg8[%gather3A_1064, %gather3A_1065, %gather3A_1066, %gather3A_1067] : memref<8x8x8x128xf32, #tpu.memory_space<vmem>> -> memref<1x8x8x128xf32, #tpu.memory_space<vmem>>
      %gather3A_1069 = tpu.memref_squeeze %gather3A_1068 : memref<1x8x8x128xf32, #tpu.memory_space<vmem>> -> memref<8x8x128xf32, #tpu.memory_space<vmem>>
      %gather3A_1070 = tpu.vector_load_idx %gather3A_1069[%shift_right_arithmetic3A_1060, %and3A_1063, %broadcast_in_dim3A_1012] : memref<8x8x128xf32, #tpu.memory_space<vmem>>[vector<16xi32>, vector<16xi32>, vector<16xi32>], vector<16xf32>,
      %gather3A_1071 = tpu.vector_load_idx %arg10[%broadcast_in_dim3A_1015, %add3A_1057, %broadcast_in_dim3A_1018] : memref<2x64x128xf32, #tpu.memory_space<vmem>>[vector<16xi32>, vector<16xi32>, vector<16xi32>], vector<16xf32>,
      %add3A_1072 = arith.addf %gather3A_1070, %gather3A_1071 : vector<16xf32>
      tpu.vector_store_idx %arg9[%broadcast_in_dim3A_1015, %add3A_1057, %broadcast_in_dim3A_1018], %add3A_1072 : memref<2x64x128xf32, #tpu.memory_space<vmem>>[vector<16xi32>, vector<16xi32>, vector<16xi32>], vector<16xf32>,
      %add3A_1073 = arith.constant 48 : i32
      %add3A_1074 = vector.broadcast %add3A_1073 : i32 to vector<16xi32>
      %add3A_1075 = arith.addi %add3A_1074, %iota3A : vector<16xi32>
      %shift_right_arithmetic3A_1076 = arith.constant 3 : i32
      %shift_right_arithmetic3A_1077 = vector.broadcast %shift_right_arithmetic3A_1076 : i32 to vector<16xi32>
      %shift_right_arithmetic3A_1078 = arith.shrsi %add3A_1075, %shift_right_arithmetic3A_1077 : vector<16xi32>
      %and3A_1079 = arith.constant 7 : i32
      %and3A_1080 = vector.broadcast %and3A_1079 : i32 to vector<16xi32>
      %and3A_1081 = arith.andi %add3A_1075, %and3A_1080 : vector<16xi32>
      %gather3A_1082 = arith.constant 3 : i32
      %gather3A_1083 = arith.constant 0 : i32
      %gather3A_1084 = arith.constant 0 : i32
      %gather3A_1085 = arith.constant 0 : i32
      %gather3A_1086 = tpu.memref_slice %arg8[%gather3A_1082, %gather3A_1083, %gather3A_1084, %gather3A_1085] : memref<8x8x8x128xf32, #tpu.memory_space<vmem>> -> memref<1x8x8x128xf32, #tpu.memory_space<vmem>>
      %gather3A_1087 = tpu.memref_squeeze %gather3A_1086 : memref<1x8x8x128xf32, #tpu.memory_space<vmem>> -> memref<8x8x128xf32, #tpu.memory_space<vmem>>
      %gather3A_1088 = tpu.vector_load_idx %gather3A_1087[%shift_right_arithmetic3A_1078, %and3A_1081, %broadcast_in_dim3A_1012] : memref<8x8x128xf32, #tpu.memory_space<vmem>>[vector<16xi32>, vector<16xi32>, vector<16xi32>], vector<16xf32>,
      %gather3A_1089 = tpu.vector_load_idx %arg10[%broadcast_in_dim3A_1015, %add3A_1075, %broadcast_in_dim3A_1018] : memref<2x64x128xf32, #tpu.memory_space<vmem>>[vector<16xi32>, vector<16xi32>, vector<16xi32>], vector<16xf32>,
      %add3A_1090 = arith.addf %gather3A_1088, %gather3A_1089 : vector<16xf32>
      tpu.vector_store_idx %arg9[%broadcast_in_dim3A_1015, %add3A_1075, %broadcast_in_dim3A_1018], %add3A_1090 : memref<2x64x128xf32, #tpu.memory_space<vmem>>[vector<16xi32>, vector<16xi32>, vector<16xi32>], vector<16xf32>,
      %add3A_1091 = arith.constant 8 : i32
      %add3A_1092 = arith.addi %add3A_985, %add3A_1091 : i32
      %lt3A_1093 = arith.constant 256 : i32
      %lt3A_1094 = arith.cmpi slt, %add3A_1092, %lt3A_1093 : i32
      %convert_element_type3A_1095 = arith.extui %lt3A_1094 : i1 to i32
      %cond3A_1096 = arith.constant 0 : i32
      %cond3A_1097 = arith.cmpi ne, %convert_element_type3A_1095, %cond3A_1096 : i32
      scf.if %cond3A_1097 {
        %get3A_1562 = arith.index_cast %add3A_1092 : i32 to index
        %get3A_1563 = memref.load %arg6[%get3A_1562] : memref<256xi32, #tpu.memory_space<smem>>
        %shift_right_arithmetic3A_1564 = arith.constant 7 : i32
        %shift_right_arithmetic3A_1565 = arith.shrsi %get3A_1563, %shift_right_arithmetic3A_1564 : i32
        %mul3A_1566 = arith.constant 128 : i32
        %mul3A_1567 = arith.muli %shift_right_arithmetic3A_1565, %mul3A_1566 : i32
        %multiple_of3A_1568 = tpu.assume_multiple %mul3A_1567, 128 : i32
        %dma_start3A_1569 = arith.constant 3 : i32
        %dma_start3A_1570 = arith.constant 3 : i32
        %dma_start3A_1571 = arith.constant 0 : i32
        %dma_start3A_1572 = arith.constant 0 : i32
        %dma_start3A_1573 = arith.constant 0 : i32
        %dma_start3A_1574 = tpu.memref_slice %arg8[%dma_start3A_1569, %dma_start3A_1571, %dma_start3A_1572, %dma_start3A_1573] : memref<8x8x8x128xf32, #tpu.memory_space<vmem>> -> memref<1x8x8x128xf32, #tpu.memory_space<vmem>>
        %dma_start3A_1575 = tpu.memref_squeeze %dma_start3A_1574 : memref<1x8x8x128xf32, #tpu.memory_space<vmem>> -> memref<8x8x128xf32, #tpu.memory_space<vmem>>
        %dma_start3A_1576 = arith.constant 0 : i32
        %dma_start3A_1577 = arith.constant 0 : i32
        %dma_start3A_1578 = tpu.memref_slice %arg2[%dma_start3A_1576, %dma_start3A_1577, %multiple_of3A_1568] : memref<8x8x1000000xf32, #tpu.memory_space<hbm>> -> memref<8x8x128xf32, #tpu.memory_space<hbm>>
        %dma_start3A_1579 = tpu.memref_slice %arg11[%dma_start3A_1570] : memref<8x!tpu.dma_semaphore, #tpu.memory_space<semaphore_mem>> -> memref<1x!tpu.dma_semaphore, #tpu.memory_space<semaphore_mem>>
        %dma_start3A_1580 = tpu.memref_squeeze %dma_start3A_1579 : memref<1x!tpu.dma_semaphore, #tpu.memory_space<semaphore_mem>> -> memref<!tpu.dma_semaphore, #tpu.memory_space<semaphore_mem>>
        %dma_start3A_1581 = arith.constant 0 : i32
        %dma_start3A_1582 = arith.constant 0 : i32
        %dma_start3A_1583 = arith.constant 0 : i32
        %dma_start3A_1584 = tpu.memref_slice %arg8[%dma_start3A_1569, %dma_start3A_1581, %dma_start3A_1582, %dma_start3A_1583] : memref<8x8x8x128xf32, #tpu.memory_space<vmem>> -> memref<1x8x8x128xf32, #tpu.memory_space<vmem>>
        %dma_start3A_1585 = tpu.memref_squeeze %dma_start3A_1584 : memref<1x8x8x128xf32, #tpu.memory_space<vmem>> -> memref<8x8x128xf32, #tpu.memory_space<vmem>>
        %dma_start3A_1586 = arith.constant 0 : i32
        %dma_start3A_1587 = arith.constant 0 : i32
        %dma_start3A_1588 = tpu.memref_slice %arg2[%dma_start3A_1586, %dma_start3A_1587, %multiple_of3A_1568] : memref<8x8x1000000xf32, #tpu.memory_space<hbm>> -> memref<8x8x128xf32, #tpu.memory_space<hbm>>
        tpu.enqueue_dma source(%dma_start3A_1588 : memref<8x8x128xf32, #tpu.memory_space<hbm>>) target(%dma_start3A_1585 : memref<8x8x128xf32, #tpu.memory_space<vmem>>) target_semaphore(%dma_start3A_1580 : memref<!tpu.dma_semaphore, #tpu.memory_space<semaphore_mem>>)
      } else {
      }
      %mul3A_1098 = arith.constant 8 : i32
      %mul3A_1099 = arith.muli %scan3A_637, %mul3A_1098 : i32
      %add3A_1100 = arith.constant 4 : i32
      %add3A_1101 = arith.addi %mul3A_1099, %add3A_1100 : i32
      %dma_wait3A_1102 = arith.constant 4 : i32
      %dma_wait3A_1103 = arith.constant 4 : i32
      %dma_wait3A_1104 = arith.constant 0 : i32
      %dma_wait3A_1105 = arith.constant 0 : i32
      %dma_wait3A_1106 = arith.constant 0 : i32
      %dma_wait3A_1107 = tpu.memref_slice %arg8[%dma_wait3A_1102, %dma_wait3A_1104, %dma_wait3A_1105, %dma_wait3A_1106] : memref<8x8x8x128xf32, #tpu.memory_space<vmem>> -> memref<1x8x8x128xf32, #tpu.memory_space<vmem>>
      %dma_wait3A_1108 = tpu.memref_squeeze %dma_wait3A_1107 : memref<1x8x8x128xf32, #tpu.memory_space<vmem>> -> memref<8x8x128xf32, #tpu.memory_space<vmem>>
      %dma_wait3A_1109 = arith.constant 0 : i32
      %dma_wait3A_1110 = arith.constant 0 : i32
      %dma_wait3A_1111 = arith.constant 0 : i32
      %dma_wait3A_1112 = tpu.memref_slice %arg2[%dma_wait3A_1109, %dma_wait3A_1110, %dma_wait3A_1111] : memref<8x8x1000000xf32, #tpu.memory_space<hbm>> -> memref<8x8x128xf32, #tpu.memory_space<hbm>>
      %dma_wait3A_1113 = tpu.memref_slice %arg11[%dma_wait3A_1103] : memref<8x!tpu.dma_semaphore, #tpu.memory_space<semaphore_mem>> -> memref<1x!tpu.dma_semaphore, #tpu.memory_space<semaphore_mem>>
      %dma_wait3A_1114 = tpu.memref_squeeze %dma_wait3A_1113 : memref<1x!tpu.dma_semaphore, #tpu.memory_space<semaphore_mem>> -> memref<!tpu.dma_semaphore, #tpu.memory_space<semaphore_mem>>
      %dma_wait3A_1115 = arith.constant 0 : i32
      %dma_wait3A_1116 = arith.constant 0 : i32
      %dma_wait3A_1117 = arith.constant 0 : i32
      %dma_wait3A_1118 = tpu.memref_slice %arg8[%dma_wait3A_1102, %dma_wait3A_1115, %dma_wait3A_1116, %dma_wait3A_1117] : memref<8x8x8x128xf32, #tpu.memory_space<vmem>> -> memref<1x8x8x128xf32, #tpu.memory_space<vmem>>
      %dma_wait3A_1119 = tpu.memref_squeeze %dma_wait3A_1118 : memref<1x8x8x128xf32, #tpu.memory_space<vmem>> -> memref<8x8x128xf32, #tpu.memory_space<vmem>>
      %dma_wait3A_1120 = arith.constant 0 : i32
      %dma_wait3A_1121 = arith.constant 0 : i32
      %dma_wait3A_1122 = arith.constant 0 : i32
      %dma_wait3A_1123 = tpu.memref_slice %arg2[%dma_wait3A_1120, %dma_wait3A_1121, %dma_wait3A_1122] : memref<8x8x1000000xf32, #tpu.memory_space<hbm>> -> memref<8x8x128xf32, #tpu.memory_space<hbm>>
      tpu.wait_dma2 semaphore(%dma_wait3A_1114 : memref<!tpu.dma_semaphore, #tpu.memory_space<semaphore_mem>>) src(%dma_wait3A_1123 : memref<8x8x128xf32, #tpu.memory_space<hbm>>) dst(%dma_wait3A_1119 : memref<8x8x128xf32, #tpu.memory_space<vmem>>)
      %get3A_1124 = arith.index_cast %add3A_1101 : i32 to index
      %get3A_1125 = memref.load %arg6[%get3A_1124] : memref<256xi32, #tpu.memory_space<smem>>
      %and3A_1126 = arith.constant 127 : i32
      %and3A_1127 = arith.andi %get3A_1125, %and3A_1126 : i32
      %broadcast_in_dim3A_1128 = vector.broadcast %and3A_1127 : i32 to vector<16xi32>
      %shift_right_arithmetic3A_1129 = arith.constant 7 : i32
      %shift_right_arithmetic3A_1130 = arith.shrsi %add3A_1101, %shift_right_arithmetic3A_1129 : i32
      %broadcast_in_dim3A_1131 = vector.broadcast %shift_right_arithmetic3A_1130 : i32 to vector<16xi32>
      %and3A_1132 = arith.constant 127 : i32
      %and3A_1133 = arith.andi %add3A_1101, %and3A_1132 : i32
      %broadcast_in_dim3A_1134 = vector.broadcast %and3A_1133 : i32 to vector<16xi32>
      %add3A_1135 = arith.constant 0 : i32
      %add3A_1136 = vector.broadcast %add3A_1135 : i32 to vector<16xi32>
      %add3A_1137 = arith.addi %add3A_1136, %iota3A : vector<16xi32>
      %shift_right_arithmetic3A_1138 = arith.constant 3 : i32
      %shift_right_arithmetic3A_1139 = vector.broadcast %shift_right_arithmetic3A_1138 : i32 to vector<16xi32>
      %shift_right_arithmetic3A_1140 = arith.shrsi %add3A_1137, %shift_right_arithmetic3A_1139 : vector<16xi32>
      %and3A_1141 = arith.constant 7 : i32
      %and3A_1142 = vector.broadcast %and3A_1141 : i32 to vector<16xi32>
      %and3A_1143 = arith.andi %add3A_1137, %and3A_1142 : vector<16xi32>
      %gather3A_1144 = arith.constant 4 : i32
      %gather3A_1145 = arith.constant 0 : i32
      %gather3A_1146 = arith.constant 0 : i32
      %gather3A_1147 = arith.constant 0 : i32
      %gather3A_1148 = tpu.memref_slice %arg8[%gather3A_1144, %gather3A_1145, %gather3A_1146, %gather3A_1147] : memref<8x8x8x128xf32, #tpu.memory_space<vmem>> -> memref<1x8x8x128xf32, #tpu.memory_space<vmem>>
      %gather3A_1149 = tpu.memref_squeeze %gather3A_1148 : memref<1x8x8x128xf32, #tpu.memory_space<vmem>> -> memref<8x8x128xf32, #tpu.memory_space<vmem>>
      %gather3A_1150 = tpu.vector_load_idx %gather3A_1149[%shift_right_arithmetic3A_1140, %and3A_1143, %broadcast_in_dim3A_1128] : memref<8x8x128xf32, #tpu.memory_space<vmem>>[vector<16xi32>, vector<16xi32>, vector<16xi32>], vector<16xf32>,
      %gather3A_1151 = tpu.vector_load_idx %arg10[%broadcast_in_dim3A_1131, %add3A_1137, %broadcast_in_dim3A_1134] : memref<2x64x128xf32, #tpu.memory_space<vmem>>[vector<16xi32>, vector<16xi32>, vector<16xi32>], vector<16xf32>,
      %add3A_1152 = arith.addf %gather3A_1150, %gather3A_1151 : vector<16xf32>
      tpu.vector_store_idx %arg9[%broadcast_in_dim3A_1131, %add3A_1137, %broadcast_in_dim3A_1134], %add3A_1152 : memref<2x64x128xf32, #tpu.memory_space<vmem>>[vector<16xi32>, vector<16xi32>, vector<16xi32>], vector<16xf32>,
      %add3A_1153 = arith.constant 16 : i32
      %add3A_1154 = vector.broadcast %add3A_1153 : i32 to vector<16xi32>
      %add3A_1155 = arith.addi %add3A_1154, %iota3A : vector<16xi32>
      %shift_right_arithmetic3A_1156 = arith.constant 3 : i32
      %shift_right_arithmetic3A_1157 = vector.broadcast %shift_right_arithmetic3A_1156 : i32 to vector<16xi32>
      %shift_right_arithmetic3A_1158 = arith.shrsi %add3A_1155, %shift_right_arithmetic3A_1157 : vector<16xi32>
      %and3A_1159 = arith.constant 7 : i32
      %and3A_1160 = vector.broadcast %and3A_1159 : i32 to vector<16xi32>
      %and3A_1161 = arith.andi %add3A_1155, %and3A_1160 : vector<16xi32>
      %gather3A_1162 = arith.constant 4 : i32
      %gather3A_1163 = arith.constant 0 : i32
      %gather3A_1164 = arith.constant 0 : i32
      %gather3A_1165 = arith.constant 0 : i32
      %gather3A_1166 = tpu.memref_slice %arg8[%gather3A_1162, %gather3A_1163, %gather3A_1164, %gather3A_1165] : memref<8x8x8x128xf32, #tpu.memory_space<vmem>> -> memref<1x8x8x128xf32, #tpu.memory_space<vmem>>
      %gather3A_1167 = tpu.memref_squeeze %gather3A_1166 : memref<1x8x8x128xf32, #tpu.memory_space<vmem>> -> memref<8x8x128xf32, #tpu.memory_space<vmem>>
      %gather3A_1168 = tpu.vector_load_idx %gather3A_1167[%shift_right_arithmetic3A_1158, %and3A_1161, %broadcast_in_dim3A_1128] : memref<8x8x128xf32, #tpu.memory_space<vmem>>[vector<16xi32>, vector<16xi32>, vector<16xi32>], vector<16xf32>,
      %gather3A_1169 = tpu.vector_load_idx %arg10[%broadcast_in_dim3A_1131, %add3A_1155, %broadcast_in_dim3A_1134] : memref<2x64x128xf32, #tpu.memory_space<vmem>>[vector<16xi32>, vector<16xi32>, vector<16xi32>], vector<16xf32>,
      %add3A_1170 = arith.addf %gather3A_1168, %gather3A_1169 : vector<16xf32>
      tpu.vector_store_idx %arg9[%broadcast_in_dim3A_1131, %add3A_1155, %broadcast_in_dim3A_1134], %add3A_1170 : memref<2x64x128xf32, #tpu.memory_space<vmem>>[vector<16xi32>, vector<16xi32>, vector<16xi32>], vector<16xf32>,
      %add3A_1171 = arith.constant 32 : i32
      %add3A_1172 = vector.broadcast %add3A_1171 : i32 to vector<16xi32>
      %add3A_1173 = arith.addi %add3A_1172, %iota3A : vector<16xi32>
      %shift_right_arithmetic3A_1174 = arith.constant 3 : i32
      %shift_right_arithmetic3A_1175 = vector.broadcast %shift_right_arithmetic3A_1174 : i32 to vector<16xi32>
      %shift_right_arithmetic3A_1176 = arith.shrsi %add3A_1173, %shift_right_arithmetic3A_1175 : vector<16xi32>
      %and3A_1177 = arith.constant 7 : i32
      %and3A_1178 = vector.broadcast %and3A_1177 : i32 to vector<16xi32>
      %and3A_1179 = arith.andi %add3A_1173, %and3A_1178 : vector<16xi32>
      %gather3A_1180 = arith.constant 4 : i32
      %gather3A_1181 = arith.constant 0 : i32
      %gather3A_1182 = arith.constant 0 : i32
      %gather3A_1183 = arith.constant 0 : i32
      %gather3A_1184 = tpu.memref_slice %arg8[%gather3A_1180, %gather3A_1181, %gather3A_1182, %gather3A_1183] : memref<8x8x8x128xf32, #tpu.memory_space<vmem>> -> memref<1x8x8x128xf32, #tpu.memory_space<vmem>>
      %gather3A_1185 = tpu.memref_squeeze %gather3A_1184 : memref<1x8x8x128xf32, #tpu.memory_space<vmem>> -> memref<8x8x128xf32, #tpu.memory_space<vmem>>
      %gather3A_1186 = tpu.vector_load_idx %gather3A_1185[%shift_right_arithmetic3A_1176, %and3A_1179, %broadcast_in_dim3A_1128] : memref<8x8x128xf32, #tpu.memory_space<vmem>>[vector<16xi32>, vector<16xi32>, vector<16xi32>], vector<16xf32>,
      %gather3A_1187 = tpu.vector_load_idx %arg10[%broadcast_in_dim3A_1131, %add3A_1173, %broadcast_in_dim3A_1134] : memref<2x64x128xf32, #tpu.memory_space<vmem>>[vector<16xi32>, vector<16xi32>, vector<16xi32>], vector<16xf32>,
      %add3A_1188 = arith.addf %gather3A_1186, %gather3A_1187 : vector<16xf32>
      tpu.vector_store_idx %arg9[%broadcast_in_dim3A_1131, %add3A_1173, %broadcast_in_dim3A_1134], %add3A_1188 : memref<2x64x128xf32, #tpu.memory_space<vmem>>[vector<16xi32>, vector<16xi32>, vector<16xi32>], vector<16xf32>,
      %add3A_1189 = arith.constant 48 : i32
      %add3A_1190 = vector.broadcast %add3A_1189 : i32 to vector<16xi32>
      %add3A_1191 = arith.addi %add3A_1190, %iota3A : vector<16xi32>
      %shift_right_arithmetic3A_1192 = arith.constant 3 : i32
      %shift_right_arithmetic3A_1193 = vector.broadcast %shift_right_arithmetic3A_1192 : i32 to vector<16xi32>
      %shift_right_arithmetic3A_1194 = arith.shrsi %add3A_1191, %shift_right_arithmetic3A_1193 : vector<16xi32>
      %and3A_1195 = arith.constant 7 : i32
      %and3A_1196 = vector.broadcast %and3A_1195 : i32 to vector<16xi32>
      %and3A_1197 = arith.andi %add3A_1191, %and3A_1196 : vector<16xi32>
      %gather3A_1198 = arith.constant 4 : i32
      %gather3A_1199 = arith.constant 0 : i32
      %gather3A_1200 = arith.constant 0 : i32
      %gather3A_1201 = arith.constant 0 : i32
      %gather3A_1202 = tpu.memref_slice %arg8[%gather3A_1198, %gather3A_1199, %gather3A_1200, %gather3A_1201] : memref<8x8x8x128xf32, #tpu.memory_space<vmem>> -> memref<1x8x8x128xf32, #tpu.memory_space<vmem>>
      %gather3A_1203 = tpu.memref_squeeze %gather3A_1202 : memref<1x8x8x128xf32, #tpu.memory_space<vmem>> -> memref<8x8x128xf32, #tpu.memory_space<vmem>>
      %gather3A_1204 = tpu.vector_load_idx %gather3A_1203[%shift_right_arithmetic3A_1194, %and3A_1197, %broadcast_in_dim3A_1128] : memref<8x8x128xf32, #tpu.memory_space<vmem>>[vector<16xi32>, vector<16xi32>, vector<16xi32>], vector<16xf32>,
      %gather3A_1205 = tpu.vector_load_idx %arg10[%broadcast_in_dim3A_1131, %add3A_1191, %broadcast_in_dim3A_1134] : memref<2x64x128xf32, #tpu.memory_space<vmem>>[vector<16xi32>, vector<16xi32>, vector<16xi32>], vector<16xf32>,
      %add3A_1206 = arith.addf %gather3A_1204, %gather3A_1205 : vector<16xf32>
      tpu.vector_store_idx %arg9[%broadcast_in_dim3A_1131, %add3A_1191, %broadcast_in_dim3A_1134], %add3A_1206 : memref<2x64x128xf32, #tpu.memory_space<vmem>>[vector<16xi32>, vector<16xi32>, vector<16xi32>], vector<16xf32>,
      %add3A_1207 = arith.constant 8 : i32
      %add3A_1208 = arith.addi %add3A_1101, %add3A_1207 : i32
      %lt3A_1209 = arith.constant 256 : i32
      %lt3A_1210 = arith.cmpi slt, %add3A_1208, %lt3A_1209 : i32
      %convert_element_type3A_1211 = arith.extui %lt3A_1210 : i1 to i32
      %cond3A_1212 = arith.constant 0 : i32
      %cond3A_1213 = arith.cmpi ne, %convert_element_type3A_1211, %cond3A_1212 : i32
      scf.if %cond3A_1213 {
        %get3A_1562 = arith.index_cast %add3A_1208 : i32 to index
        %get3A_1563 = memref.load %arg6[%get3A_1562] : memref<256xi32, #tpu.memory_space<smem>>
        %shift_right_arithmetic3A_1564 = arith.constant 7 : i32
        %shift_right_arithmetic3A_1565 = arith.shrsi %get3A_1563, %shift_right_arithmetic3A_1564 : i32
        %mul3A_1566 = arith.constant 128 : i32
        %mul3A_1567 = arith.muli %shift_right_arithmetic3A_1565, %mul3A_1566 : i32
        %multiple_of3A_1568 = tpu.assume_multiple %mul3A_1567, 128 : i32
        %dma_start3A_1569 = arith.constant 4 : i32
        %dma_start3A_1570 = arith.constant 4 : i32
        %dma_start3A_1571 = arith.constant 0 : i32
        %dma_start3A_1572 = arith.constant 0 : i32
        %dma_start3A_1573 = arith.constant 0 : i32
        %dma_start3A_1574 = tpu.memref_slice %arg8[%dma_start3A_1569, %dma_start3A_1571, %dma_start3A_1572, %dma_start3A_1573] : memref<8x8x8x128xf32, #tpu.memory_space<vmem>> -> memref<1x8x8x128xf32, #tpu.memory_space<vmem>>
        %dma_start3A_1575 = tpu.memref_squeeze %dma_start3A_1574 : memref<1x8x8x128xf32, #tpu.memory_space<vmem>> -> memref<8x8x128xf32, #tpu.memory_space<vmem>>
        %dma_start3A_1576 = arith.constant 0 : i32
        %dma_start3A_1577 = arith.constant 0 : i32
        %dma_start3A_1578 = tpu.memref_slice %arg2[%dma_start3A_1576, %dma_start3A_1577, %multiple_of3A_1568] : memref<8x8x1000000xf32, #tpu.memory_space<hbm>> -> memref<8x8x128xf32, #tpu.memory_space<hbm>>
        %dma_start3A_1579 = tpu.memref_slice %arg11[%dma_start3A_1570] : memref<8x!tpu.dma_semaphore, #tpu.memory_space<semaphore_mem>> -> memref<1x!tpu.dma_semaphore, #tpu.memory_space<semaphore_mem>>
        %dma_start3A_1580 = tpu.memref_squeeze %dma_start3A_1579 : memref<1x!tpu.dma_semaphore, #tpu.memory_space<semaphore_mem>> -> memref<!tpu.dma_semaphore, #tpu.memory_space<semaphore_mem>>
        %dma_start3A_1581 = arith.constant 0 : i32
        %dma_start3A_1582 = arith.constant 0 : i32
        %dma_start3A_1583 = arith.constant 0 : i32
        %dma_start3A_1584 = tpu.memref_slice %arg8[%dma_start3A_1569, %dma_start3A_1581, %dma_start3A_1582, %dma_start3A_1583] : memref<8x8x8x128xf32, #tpu.memory_space<vmem>> -> memref<1x8x8x128xf32, #tpu.memory_space<vmem>>
        %dma_start3A_1585 = tpu.memref_squeeze %dma_start3A_1584 : memref<1x8x8x128xf32, #tpu.memory_space<vmem>> -> memref<8x8x128xf32, #tpu.memory_space<vmem>>
        %dma_start3A_1586 = arith.constant 0 : i32
        %dma_start3A_1587 = arith.constant 0 : i32
        %dma_start3A_1588 = tpu.memref_slice %arg2[%dma_start3A_1586, %dma_start3A_1587, %multiple_of3A_1568] : memref<8x8x1000000xf32, #tpu.memory_space<hbm>> -> memref<8x8x128xf32, #tpu.memory_space<hbm>>
        tpu.enqueue_dma source(%dma_start3A_1588 : memref<8x8x128xf32, #tpu.memory_space<hbm>>) target(%dma_start3A_1585 : memref<8x8x128xf32, #tpu.memory_space<vmem>>) target_semaphore(%dma_start3A_1580 : memref<!tpu.dma_semaphore, #tpu.memory_space<semaphore_mem>>)
      } else {
      }
      %mul3A_1214 = arith.constant 8 : i32
      %mul3A_1215 = arith.muli %scan3A_637, %mul3A_1214 : i32
      %add3A_1216 = arith.constant 5 : i32
      %add3A_1217 = arith.addi %mul3A_1215, %add3A_1216 : i32
      %dma_wait3A_1218 = arith.constant 5 : i32
      %dma_wait3A_1219 = arith.constant 5 : i32
      %dma_wait3A_1220 = arith.constant 0 : i32
      %dma_wait3A_1221 = arith.constant 0 : i32
      %dma_wait3A_1222 = arith.constant 0 : i32
      %dma_wait3A_1223 = tpu.memref_slice %arg8[%dma_wait3A_1218, %dma_wait3A_1220, %dma_wait3A_1221, %dma_wait3A_1222] : memref<8x8x8x128xf32, #tpu.memory_space<vmem>> -> memref<1x8x8x128xf32, #tpu.memory_space<vmem>>
      %dma_wait3A_1224 = tpu.memref_squeeze %dma_wait3A_1223 : memref<1x8x8x128xf32, #tpu.memory_space<vmem>> -> memref<8x8x128xf32, #tpu.memory_space<vmem>>
      %dma_wait3A_1225 = arith.constant 0 : i32
      %dma_wait3A_1226 = arith.constant 0 : i32
      %dma_wait3A_1227 = arith.constant 0 : i32
      %dma_wait3A_1228 = tpu.memref_slice %arg2[%dma_wait3A_1225, %dma_wait3A_1226, %dma_wait3A_1227] : memref<8x8x1000000xf32, #tpu.memory_space<hbm>> -> memref<8x8x128xf32, #tpu.memory_space<hbm>>
      %dma_wait3A_1229 = tpu.memref_slice %arg11[%dma_wait3A_1219] : memref<8x!tpu.dma_semaphore, #tpu.memory_space<semaphore_mem>> -> memref<1x!tpu.dma_semaphore, #tpu.memory_space<semaphore_mem>>
      %dma_wait3A_1230 = tpu.memref_squeeze %dma_wait3A_1229 : memref<1x!tpu.dma_semaphore, #tpu.memory_space<semaphore_mem>> -> memref<!tpu.dma_semaphore, #tpu.memory_space<semaphore_mem>>
      %dma_wait3A_1231 = arith.constant 0 : i32
      %dma_wait3A_1232 = arith.constant 0 : i32
      %dma_wait3A_1233 = arith.constant 0 : i32
      %dma_wait3A_1234 = tpu.memref_slice %arg8[%dma_wait3A_1218, %dma_wait3A_1231, %dma_wait3A_1232, %dma_wait3A_1233] : memref<8x8x8x128xf32, #tpu.memory_space<vmem>> -> memref<1x8x8x128xf32, #tpu.memory_space<vmem>>
      %dma_wait3A_1235 = tpu.memref_squeeze %dma_wait3A_1234 : memref<1x8x8x128xf32, #tpu.memory_space<vmem>> -> memref<8x8x128xf32, #tpu.memory_space<vmem>>
      %dma_wait3A_1236 = arith.constant 0 : i32
      %dma_wait3A_1237 = arith.constant 0 : i32
      %dma_wait3A_1238 = arith.constant 0 : i32
      %dma_wait3A_1239 = tpu.memref_slice %arg2[%dma_wait3A_1236, %dma_wait3A_1237, %dma_wait3A_1238] : memref<8x8x1000000xf32, #tpu.memory_space<hbm>> -> memref<8x8x128xf32, #tpu.memory_space<hbm>>
      tpu.wait_dma2 semaphore(%dma_wait3A_1230 : memref<!tpu.dma_semaphore, #tpu.memory_space<semaphore_mem>>) src(%dma_wait3A_1239 : memref<8x8x128xf32, #tpu.memory_space<hbm>>) dst(%dma_wait3A_1235 : memref<8x8x128xf32, #tpu.memory_space<vmem>>)
      %get3A_1240 = arith.index_cast %add3A_1217 : i32 to index
      %get3A_1241 = memref.load %arg6[%get3A_1240] : memref<256xi32, #tpu.memory_space<smem>>
      %and3A_1242 = arith.constant 127 : i32
      %and3A_1243 = arith.andi %get3A_1241, %and3A_1242 : i32
      %broadcast_in_dim3A_1244 = vector.broadcast %and3A_1243 : i32 to vector<16xi32>
      %shift_right_arithmetic3A_1245 = arith.constant 7 : i32
      %shift_right_arithmetic3A_1246 = arith.shrsi %add3A_1217, %shift_right_arithmetic3A_1245 : i32
      %broadcast_in_dim3A_1247 = vector.broadcast %shift_right_arithmetic3A_1246 : i32 to vector<16xi32>
      %and3A_1248 = arith.constant 127 : i32
      %and3A_1249 = arith.andi %add3A_1217, %and3A_1248 : i32
      %broadcast_in_dim3A_1250 = vector.broadcast %and3A_1249 : i32 to vector<16xi32>
      %add3A_1251 = arith.constant 0 : i32
      %add3A_1252 = vector.broadcast %add3A_1251 : i32 to vector<16xi32>
      %add3A_1253 = arith.addi %add3A_1252, %iota3A : vector<16xi32>
      %shift_right_arithmetic3A_1254 = arith.constant 3 : i32
      %shift_right_arithmetic3A_1255 = vector.broadcast %shift_right_arithmetic3A_1254 : i32 to vector<16xi32>
      %shift_right_arithmetic3A_1256 = arith.shrsi %add3A_1253, %shift_right_arithmetic3A_1255 : vector<16xi32>
      %and3A_1257 = arith.constant 7 : i32
      %and3A_1258 = vector.broadcast %and3A_1257 : i32 to vector<16xi32>
      %and3A_1259 = arith.andi %add3A_1253, %and3A_1258 : vector<16xi32>
      %gather3A_1260 = arith.constant 5 : i32
      %gather3A_1261 = arith.constant 0 : i32
      %gather3A_1262 = arith.constant 0 : i32
      %gather3A_1263 = arith.constant 0 : i32
      %gather3A_1264 = tpu.memref_slice %arg8[%gather3A_1260, %gather3A_1261, %gather3A_1262, %gather3A_1263] : memref<8x8x8x128xf32, #tpu.memory_space<vmem>> -> memref<1x8x8x128xf32, #tpu.memory_space<vmem>>
      %gather3A_1265 = tpu.memref_squeeze %gather3A_1264 : memref<1x8x8x128xf32, #tpu.memory_space<vmem>> -> memref<8x8x128xf32, #tpu.memory_space<vmem>>
      %gather3A_1266 = tpu.vector_load_idx %gather3A_1265[%shift_right_arithmetic3A_1256, %and3A_1259, %broadcast_in_dim3A_1244] : memref<8x8x128xf32, #tpu.memory_space<vmem>>[vector<16xi32>, vector<16xi32>, vector<16xi32>], vector<16xf32>,
      %gather3A_1267 = tpu.vector_load_idx %arg10[%broadcast_in_dim3A_1247, %add3A_1253, %broadcast_in_dim3A_1250] : memref<2x64x128xf32, #tpu.memory_space<vmem>>[vector<16xi32>, vector<16xi32>, vector<16xi32>], vector<16xf32>,
      %add3A_1268 = arith.addf %gather3A_1266, %gather3A_1267 : vector<16xf32>
      tpu.vector_store_idx %arg9[%broadcast_in_dim3A_1247, %add3A_1253, %broadcast_in_dim3A_1250], %add3A_1268 : memref<2x64x128xf32, #tpu.memory_space<vmem>>[vector<16xi32>, vector<16xi32>, vector<16xi32>], vector<16xf32>,
      %add3A_1269 = arith.constant 16 : i32
      %add3A_1270 = vector.broadcast %add3A_1269 : i32 to vector<16xi32>
      %add3A_1271 = arith.addi %add3A_1270, %iota3A : vector<16xi32>
      %shift_right_arithmetic3A_1272 = arith.constant 3 : i32
      %shift_right_arithmetic3A_1273 = vector.broadcast %shift_right_arithmetic3A_1272 : i32 to vector<16xi32>
      %shift_right_arithmetic3A_1274 = arith.shrsi %add3A_1271, %shift_right_arithmetic3A_1273 : vector<16xi32>
      %and3A_1275 = arith.constant 7 : i32
      %and3A_1276 = vector.broadcast %and3A_1275 : i32 to vector<16xi32>
      %and3A_1277 = arith.andi %add3A_1271, %and3A_1276 : vector<16xi32>
      %gather3A_1278 = arith.constant 5 : i32
      %gather3A_1279 = arith.constant 0 : i32
      %gather3A_1280 = arith.constant 0 : i32
      %gather3A_1281 = arith.constant 0 : i32
      %gather3A_1282 = tpu.memref_slice %arg8[%gather3A_1278, %gather3A_1279, %gather3A_1280, %gather3A_1281] : memref<8x8x8x128xf32, #tpu.memory_space<vmem>> -> memref<1x8x8x128xf32, #tpu.memory_space<vmem>>
      %gather3A_1283 = tpu.memref_squeeze %gather3A_1282 : memref<1x8x8x128xf32, #tpu.memory_space<vmem>> -> memref<8x8x128xf32, #tpu.memory_space<vmem>>
      %gather3A_1284 = tpu.vector_load_idx %gather3A_1283[%shift_right_arithmetic3A_1274, %and3A_1277, %broadcast_in_dim3A_1244] : memref<8x8x128xf32, #tpu.memory_space<vmem>>[vector<16xi32>, vector<16xi32>, vector<16xi32>], vector<16xf32>,
      %gather3A_1285 = tpu.vector_load_idx %arg10[%broadcast_in_dim3A_1247, %add3A_1271, %broadcast_in_dim3A_1250] : memref<2x64x128xf32, #tpu.memory_space<vmem>>[vector<16xi32>, vector<16xi32>, vector<16xi32>], vector<16xf32>,
      %add3A_1286 = arith.addf %gather3A_1284, %gather3A_1285 : vector<16xf32>
      tpu.vector_store_idx %arg9[%broadcast_in_dim3A_1247, %add3A_1271, %broadcast_in_dim3A_1250], %add3A_1286 : memref<2x64x128xf32, #tpu.memory_space<vmem>>[vector<16xi32>, vector<16xi32>, vector<16xi32>], vector<16xf32>,
      %add3A_1287 = arith.constant 32 : i32
      %add3A_1288 = vector.broadcast %add3A_1287 : i32 to vector<16xi32>
      %add3A_1289 = arith.addi %add3A_1288, %iota3A : vector<16xi32>
      %shift_right_arithmetic3A_1290 = arith.constant 3 : i32
      %shift_right_arithmetic3A_1291 = vector.broadcast %shift_right_arithmetic3A_1290 : i32 to vector<16xi32>
      %shift_right_arithmetic3A_1292 = arith.shrsi %add3A_1289, %shift_right_arithmetic3A_1291 : vector<16xi32>
      %and3A_1293 = arith.constant 7 : i32
      %and3A_1294 = vector.broadcast %and3A_1293 : i32 to vector<16xi32>
      %and3A_1295 = arith.andi %add3A_1289, %and3A_1294 : vector<16xi32>
      %gather3A_1296 = arith.constant 5 : i32
      %gather3A_1297 = arith.constant 0 : i32
      %gather3A_1298 = arith.constant 0 : i32
      %gather3A_1299 = arith.constant 0 : i32
      %gather3A_1300 = tpu.memref_slice %arg8[%gather3A_1296, %gather3A_1297, %gather3A_1298, %gather3A_1299] : memref<8x8x8x128xf32, #tpu.memory_space<vmem>> -> memref<1x8x8x128xf32, #tpu.memory_space<vmem>>
      %gather3A_1301 = tpu.memref_squeeze %gather3A_1300 : memref<1x8x8x128xf32, #tpu.memory_space<vmem>> -> memref<8x8x128xf32, #tpu.memory_space<vmem>>
      %gather3A_1302 = tpu.vector_load_idx %gather3A_1301[%shift_right_arithmetic3A_1292, %and3A_1295, %broadcast_in_dim3A_1244] : memref<8x8x128xf32, #tpu.memory_space<vmem>>[vector<16xi32>, vector<16xi32>, vector<16xi32>], vector<16xf32>,
      %gather3A_1303 = tpu.vector_load_idx %arg10[%broadcast_in_dim3A_1247, %add3A_1289, %broadcast_in_dim3A_1250] : memref<2x64x128xf32, #tpu.memory_space<vmem>>[vector<16xi32>, vector<16xi32>, vector<16xi32>], vector<16xf32>,
      %add3A_1304 = arith.addf %gather3A_1302, %gather3A_1303 : vector<16xf32>
      tpu.vector_store_idx %arg9[%broadcast_in_dim3A_1247, %add3A_1289, %broadcast_in_dim3A_1250], %add3A_1304 : memref<2x64x128xf32, #tpu.memory_space<vmem>>[vector<16xi32>, vector<16xi32>, vector<16xi32>], vector<16xf32>,
      %add3A_1305 = arith.constant 48 : i32
      %add3A_1306 = vector.broadcast %add3A_1305 : i32 to vector<16xi32>
      %add3A_1307 = arith.addi %add3A_1306, %iota3A : vector<16xi32>
      %shift_right_arithmetic3A_1308 = arith.constant 3 : i32
      %shift_right_arithmetic3A_1309 = vector.broadcast %shift_right_arithmetic3A_1308 : i32 to vector<16xi32>
      %shift_right_arithmetic3A_1310 = arith.shrsi %add3A_1307, %shift_right_arithmetic3A_1309 : vector<16xi32>
      %and3A_1311 = arith.constant 7 : i32
      %and3A_1312 = vector.broadcast %and3A_1311 : i32 to vector<16xi32>
      %and3A_1313 = arith.andi %add3A_1307, %and3A_1312 : vector<16xi32>
      %gather3A_1314 = arith.constant 5 : i32
      %gather3A_1315 = arith.constant 0 : i32
      %gather3A_1316 = arith.constant 0 : i32
      %gather3A_1317 = arith.constant 0 : i32
      %gather3A_1318 = tpu.memref_slice %arg8[%gather3A_1314, %gather3A_1315, %gather3A_1316, %gather3A_1317] : memref<8x8x8x128xf32, #tpu.memory_space<vmem>> -> memref<1x8x8x128xf32, #tpu.memory_space<vmem>>
      %gather3A_1319 = tpu.memref_squeeze %gather3A_1318 : memref<1x8x8x128xf32, #tpu.memory_space<vmem>> -> memref<8x8x128xf32, #tpu.memory_space<vmem>>
      %gather3A_1320 = tpu.vector_load_idx %gather3A_1319[%shift_right_arithmetic3A_1310, %and3A_1313, %broadcast_in_dim3A_1244] : memref<8x8x128xf32, #tpu.memory_space<vmem>>[vector<16xi32>, vector<16xi32>, vector<16xi32>], vector<16xf32>,
      %gather3A_1321 = tpu.vector_load_idx %arg10[%broadcast_in_dim3A_1247, %add3A_1307, %broadcast_in_dim3A_1250] : memref<2x64x128xf32, #tpu.memory_space<vmem>>[vector<16xi32>, vector<16xi32>, vector<16xi32>], vector<16xf32>,
      %add3A_1322 = arith.addf %gather3A_1320, %gather3A_1321 : vector<16xf32>
      tpu.vector_store_idx %arg9[%broadcast_in_dim3A_1247, %add3A_1307, %broadcast_in_dim3A_1250], %add3A_1322 : memref<2x64x128xf32, #tpu.memory_space<vmem>>[vector<16xi32>, vector<16xi32>, vector<16xi32>], vector<16xf32>,
      %add3A_1323 = arith.constant 8 : i32
      %add3A_1324 = arith.addi %add3A_1217, %add3A_1323 : i32
      %lt3A_1325 = arith.constant 256 : i32
      %lt3A_1326 = arith.cmpi slt, %add3A_1324, %lt3A_1325 : i32
      %convert_element_type3A_1327 = arith.extui %lt3A_1326 : i1 to i32
      %cond3A_1328 = arith.constant 0 : i32
      %cond3A_1329 = arith.cmpi ne, %convert_element_type3A_1327, %cond3A_1328 : i32
      scf.if %cond3A_1329 {
        %get3A_1562 = arith.index_cast %add3A_1324 : i32 to index
        %get3A_1563 = memref.load %arg6[%get3A_1562] : memref<256xi32, #tpu.memory_space<smem>>
        %shift_right_arithmetic3A_1564 = arith.constant 7 : i32
        %shift_right_arithmetic3A_1565 = arith.shrsi %get3A_1563, %shift_right_arithmetic3A_1564 : i32
        %mul3A_1566 = arith.constant 128 : i32
        %mul3A_1567 = arith.muli %shift_right_arithmetic3A_1565, %mul3A_1566 : i32
        %multiple_of3A_1568 = tpu.assume_multiple %mul3A_1567, 128 : i32
        %dma_start3A_1569 = arith.constant 5 : i32
        %dma_start3A_1570 = arith.constant 5 : i32
        %dma_start3A_1571 = arith.constant 0 : i32
        %dma_start3A_1572 = arith.constant 0 : i32
        %dma_start3A_1573 = arith.constant 0 : i32
        %dma_start3A_1574 = tpu.memref_slice %arg8[%dma_start3A_1569, %dma_start3A_1571, %dma_start3A_1572, %dma_start3A_1573] : memref<8x8x8x128xf32, #tpu.memory_space<vmem>> -> memref<1x8x8x128xf32, #tpu.memory_space<vmem>>
        %dma_start3A_1575 = tpu.memref_squeeze %dma_start3A_1574 : memref<1x8x8x128xf32, #tpu.memory_space<vmem>> -> memref<8x8x128xf32, #tpu.memory_space<vmem>>
        %dma_start3A_1576 = arith.constant 0 : i32
        %dma_start3A_1577 = arith.constant 0 : i32
        %dma_start3A_1578 = tpu.memref_slice %arg2[%dma_start3A_1576, %dma_start3A_1577, %multiple_of3A_1568] : memref<8x8x1000000xf32, #tpu.memory_space<hbm>> -> memref<8x8x128xf32, #tpu.memory_space<hbm>>
        %dma_start3A_1579 = tpu.memref_slice %arg11[%dma_start3A_1570] : memref<8x!tpu.dma_semaphore, #tpu.memory_space<semaphore_mem>> -> memref<1x!tpu.dma_semaphore, #tpu.memory_space<semaphore_mem>>
        %dma_start3A_1580 = tpu.memref_squeeze %dma_start3A_1579 : memref<1x!tpu.dma_semaphore, #tpu.memory_space<semaphore_mem>> -> memref<!tpu.dma_semaphore, #tpu.memory_space<semaphore_mem>>
        %dma_start3A_1581 = arith.constant 0 : i32
        %dma_start3A_1582 = arith.constant 0 : i32
        %dma_start3A_1583 = arith.constant 0 : i32
        %dma_start3A_1584 = tpu.memref_slice %arg8[%dma_start3A_1569, %dma_start3A_1581, %dma_start3A_1582, %dma_start3A_1583] : memref<8x8x8x128xf32, #tpu.memory_space<vmem>> -> memref<1x8x8x128xf32, #tpu.memory_space<vmem>>
        %dma_start3A_1585 = tpu.memref_squeeze %dma_start3A_1584 : memref<1x8x8x128xf32, #tpu.memory_space<vmem>> -> memref<8x8x128xf32, #tpu.memory_space<vmem>>
        %dma_start3A_1586 = arith.constant 0 : i32
        %dma_start3A_1587 = arith.constant 0 : i32
        %dma_start3A_1588 = tpu.memref_slice %arg2[%dma_start3A_1586, %dma_start3A_1587, %multiple_of3A_1568] : memref<8x8x1000000xf32, #tpu.memory_space<hbm>> -> memref<8x8x128xf32, #tpu.memory_space<hbm>>
        tpu.enqueue_dma source(%dma_start3A_1588 : memref<8x8x128xf32, #tpu.memory_space<hbm>>) target(%dma_start3A_1585 : memref<8x8x128xf32, #tpu.memory_space<vmem>>) target_semaphore(%dma_start3A_1580 : memref<!tpu.dma_semaphore, #tpu.memory_space<semaphore_mem>>)
      } else {
      }
      %mul3A_1330 = arith.constant 8 : i32
      %mul3A_1331 = arith.muli %scan3A_637, %mul3A_1330 : i32
      %add3A_1332 = arith.constant 6 : i32
      %add3A_1333 = arith.addi %mul3A_1331, %add3A_1332 : i32
      %dma_wait3A_1334 = arith.constant 6 : i32
      %dma_wait3A_1335 = arith.constant 6 : i32
      %dma_wait3A_1336 = arith.constant 0 : i32
      %dma_wait3A_1337 = arith.constant 0 : i32
      %dma_wait3A_1338 = arith.constant 0 : i32
      %dma_wait3A_1339 = tpu.memref_slice %arg8[%dma_wait3A_1334, %dma_wait3A_1336, %dma_wait3A_1337, %dma_wait3A_1338] : memref<8x8x8x128xf32, #tpu.memory_space<vmem>> -> memref<1x8x8x128xf32, #tpu.memory_space<vmem>>
      %dma_wait3A_1340 = tpu.memref_squeeze %dma_wait3A_1339 : memref<1x8x8x128xf32, #tpu.memory_space<vmem>> -> memref<8x8x128xf32, #tpu.memory_space<vmem>>
      %dma_wait3A_1341 = arith.constant 0 : i32
      %dma_wait3A_1342 = arith.constant 0 : i32
      %dma_wait3A_1343 = arith.constant 0 : i32
      %dma_wait3A_1344 = tpu.memref_slice %arg2[%dma_wait3A_1341, %dma_wait3A_1342, %dma_wait3A_1343] : memref<8x8x1000000xf32, #tpu.memory_space<hbm>> -> memref<8x8x128xf32, #tpu.memory_space<hbm>>
      %dma_wait3A_1345 = tpu.memref_slice %arg11[%dma_wait3A_1335] : memref<8x!tpu.dma_semaphore, #tpu.memory_space<semaphore_mem>> -> memref<1x!tpu.dma_semaphore, #tpu.memory_space<semaphore_mem>>
      %dma_wait3A_1346 = tpu.memref_squeeze %dma_wait3A_1345 : memref<1x!tpu.dma_semaphore, #tpu.memory_space<semaphore_mem>> -> memref<!tpu.dma_semaphore, #tpu.memory_space<semaphore_mem>>
      %dma_wait3A_1347 = arith.constant 0 : i32
      %dma_wait3A_1348 = arith.constant 0 : i32
      %dma_wait3A_1349 = arith.constant 0 : i32
      %dma_wait3A_1350 = tpu.memref_slice %arg8[%dma_wait3A_1334, %dma_wait3A_1347, %dma_wait3A_1348, %dma_wait3A_1349] : memref<8x8x8x128xf32, #tpu.memory_space<vmem>> -> memref<1x8x8x128xf32, #tpu.memory_space<vmem>>
      %dma_wait3A_1351 = tpu.memref_squeeze %dma_wait3A_1350 : memref<1x8x8x128xf32, #tpu.memory_space<vmem>> -> memref<8x8x128xf32, #tpu.memory_space<vmem>>
      %dma_wait3A_1352 = arith.constant 0 : i32
      %dma_wait3A_1353 = arith.constant 0 : i32
      %dma_wait3A_1354 = arith.constant 0 : i32
      %dma_wait3A_1355 = tpu.memref_slice %arg2[%dma_wait3A_1352, %dma_wait3A_1353, %dma_wait3A_1354] : memref<8x8x1000000xf32, #tpu.memory_space<hbm>> -> memref<8x8x128xf32, #tpu.memory_space<hbm>>
      tpu.wait_dma2 semaphore(%dma_wait3A_1346 : memref<!tpu.dma_semaphore, #tpu.memory_space<semaphore_mem>>) src(%dma_wait3A_1355 : memref<8x8x128xf32, #tpu.memory_space<hbm>>) dst(%dma_wait3A_1351 : memref<8x8x128xf32, #tpu.memory_space<vmem>>)
      %get3A_1356 = arith.index_cast %add3A_1333 : i32 to index
      %get3A_1357 = memref.load %arg6[%get3A_1356] : memref<256xi32, #tpu.memory_space<smem>>
      %and3A_1358 = arith.constant 127 : i32
      %and3A_1359 = arith.andi %get3A_1357, %and3A_1358 : i32
      %broadcast_in_dim3A_1360 = vector.broadcast %and3A_1359 : i32 to vector<16xi32>
      %shift_right_arithmetic3A_1361 = arith.constant 7 : i32
      %shift_right_arithmetic3A_1362 = arith.shrsi %add3A_1333, %shift_right_arithmetic3A_1361 : i32
      %broadcast_in_dim3A_1363 = vector.broadcast %shift_right_arithmetic3A_1362 : i32 to vector<16xi32>
      %and3A_1364 = arith.constant 127 : i32
      %and3A_1365 = arith.andi %add3A_1333, %and3A_1364 : i32
      %broadcast_in_dim3A_1366 = vector.broadcast %and3A_1365 : i32 to vector<16xi32>
      %add3A_1367 = arith.constant 0 : i32
      %add3A_1368 = vector.broadcast %add3A_1367 : i32 to vector<16xi32>
      %add3A_1369 = arith.addi %add3A_1368, %iota3A : vector<16xi32>
      %shift_right_arithmetic3A_1370 = arith.constant 3 : i32
      %shift_right_arithmetic3A_1371 = vector.broadcast %shift_right_arithmetic3A_1370 : i32 to vector<16xi32>
      %shift_right_arithmetic3A_1372 = arith.shrsi %add3A_1369, %shift_right_arithmetic3A_1371 : vector<16xi32>
      %and3A_1373 = arith.constant 7 : i32
      %and3A_1374 = vector.broadcast %and3A_1373 : i32 to vector<16xi32>
      %and3A_1375 = arith.andi %add3A_1369, %and3A_1374 : vector<16xi32>
      %gather3A_1376 = arith.constant 6 : i32
      %gather3A_1377 = arith.constant 0 : i32
      %gather3A_1378 = arith.constant 0 : i32
      %gather3A_1379 = arith.constant 0 : i32
      %gather3A_1380 = tpu.memref_slice %arg8[%gather3A_1376, %gather3A_1377, %gather3A_1378, %gather3A_1379] : memref<8x8x8x128xf32, #tpu.memory_space<vmem>> -> memref<1x8x8x128xf32, #tpu.memory_space<vmem>>
      %gather3A_1381 = tpu.memref_squeeze %gather3A_1380 : memref<1x8x8x128xf32, #tpu.memory_space<vmem>> -> memref<8x8x128xf32, #tpu.memory_space<vmem>>
      %gather3A_1382 = tpu.vector_load_idx %gather3A_1381[%shift_right_arithmetic3A_1372, %and3A_1375, %broadcast_in_dim3A_1360] : memref<8x8x128xf32, #tpu.memory_space<vmem>>[vector<16xi32>, vector<16xi32>, vector<16xi32>], vector<16xf32>,
      %gather3A_1383 = tpu.vector_load_idx %arg10[%broadcast_in_dim3A_1363, %add3A_1369, %broadcast_in_dim3A_1366] : memref<2x64x128xf32, #tpu.memory_space<vmem>>[vector<16xi32>, vector<16xi32>, vector<16xi32>], vector<16xf32>,
      %add3A_1384 = arith.addf %gather3A_1382, %gather3A_1383 : vector<16xf32>
      tpu.vector_store_idx %arg9[%broadcast_in_dim3A_1363, %add3A_1369, %broadcast_in_dim3A_1366], %add3A_1384 : memref<2x64x128xf32, #tpu.memory_space<vmem>>[vector<16xi32>, vector<16xi32>, vector<16xi32>], vector<16xf32>,
      %add3A_1385 = arith.constant 16 : i32
      %add3A_1386 = vector.broadcast %add3A_1385 : i32 to vector<16xi32>
      %add3A_1387 = arith.addi %add3A_1386, %iota3A : vector<16xi32>
      %shift_right_arithmetic3A_1388 = arith.constant 3 : i32
      %shift_right_arithmetic3A_1389 = vector.broadcast %shift_right_arithmetic3A_1388 : i32 to vector<16xi32>
      %shift_right_arithmetic3A_1390 = arith.shrsi %add3A_1387, %shift_right_arithmetic3A_1389 : vector<16xi32>
      %and3A_1391 = arith.constant 7 : i32
      %and3A_1392 = vector.broadcast %and3A_1391 : i32 to vector<16xi32>
      %and3A_1393 = arith.andi %add3A_1387, %and3A_1392 : vector<16xi32>
      %gather3A_1394 = arith.constant 6 : i32
      %gather3A_1395 = arith.constant 0 : i32
      %gather3A_1396 = arith.constant 0 : i32
      %gather3A_1397 = arith.constant 0 : i32
      %gather3A_1398 = tpu.memref_slice %arg8[%gather3A_1394, %gather3A_1395, %gather3A_1396, %gather3A_1397] : memref<8x8x8x128xf32, #tpu.memory_space<vmem>> -> memref<1x8x8x128xf32, #tpu.memory_space<vmem>>
      %gather3A_1399 = tpu.memref_squeeze %gather3A_1398 : memref<1x8x8x128xf32, #tpu.memory_space<vmem>> -> memref<8x8x128xf32, #tpu.memory_space<vmem>>
      %gather3A_1400 = tpu.vector_load_idx %gather3A_1399[%shift_right_arithmetic3A_1390, %and3A_1393, %broadcast_in_dim3A_1360] : memref<8x8x128xf32, #tpu.memory_space<vmem>>[vector<16xi32>, vector<16xi32>, vector<16xi32>], vector<16xf32>,
      %gather3A_1401 = tpu.vector_load_idx %arg10[%broadcast_in_dim3A_1363, %add3A_1387, %broadcast_in_dim3A_1366] : memref<2x64x128xf32, #tpu.memory_space<vmem>>[vector<16xi32>, vector<16xi32>, vector<16xi32>], vector<16xf32>,
      %add3A_1402 = arith.addf %gather3A_1400, %gather3A_1401 : vector<16xf32>
      tpu.vector_store_idx %arg9[%broadcast_in_dim3A_1363, %add3A_1387, %broadcast_in_dim3A_1366], %add3A_1402 : memref<2x64x128xf32, #tpu.memory_space<vmem>>[vector<16xi32>, vector<16xi32>, vector<16xi32>], vector<16xf32>,
      %add3A_1403 = arith.constant 32 : i32
      %add3A_1404 = vector.broadcast %add3A_1403 : i32 to vector<16xi32>
      %add3A_1405 = arith.addi %add3A_1404, %iota3A : vector<16xi32>
      %shift_right_arithmetic3A_1406 = arith.constant 3 : i32
      %shift_right_arithmetic3A_1407 = vector.broadcast %shift_right_arithmetic3A_1406 : i32 to vector<16xi32>
      %shift_right_arithmetic3A_1408 = arith.shrsi %add3A_1405, %shift_right_arithmetic3A_1407 : vector<16xi32>
      %and3A_1409 = arith.constant 7 : i32
      %and3A_1410 = vector.broadcast %and3A_1409 : i32 to vector<16xi32>
      %and3A_1411 = arith.andi %add3A_1405, %and3A_1410 : vector<16xi32>
      %gather3A_1412 = arith.constant 6 : i32
      %gather3A_1413 = arith.constant 0 : i32
      %gather3A_1414 = arith.constant 0 : i32
      %gather3A_1415 = arith.constant 0 : i32
      %gather3A_1416 = tpu.memref_slice %arg8[%gather3A_1412, %gather3A_1413, %gather3A_1414, %gather3A_1415] : memref<8x8x8x128xf32, #tpu.memory_space<vmem>> -> memref<1x8x8x128xf32, #tpu.memory_space<vmem>>
      %gather3A_1417 = tpu.memref_squeeze %gather3A_1416 : memref<1x8x8x128xf32, #tpu.memory_space<vmem>> -> memref<8x8x128xf32, #tpu.memory_space<vmem>>
      %gather3A_1418 = tpu.vector_load_idx %gather3A_1417[%shift_right_arithmetic3A_1408, %and3A_1411, %broadcast_in_dim3A_1360] : memref<8x8x128xf32, #tpu.memory_space<vmem>>[vector<16xi32>, vector<16xi32>, vector<16xi32>], vector<16xf32>,
      %gather3A_1419 = tpu.vector_load_idx %arg10[%broadcast_in_dim3A_1363, %add3A_1405, %broadcast_in_dim3A_1366] : memref<2x64x128xf32, #tpu.memory_space<vmem>>[vector<16xi32>, vector<16xi32>, vector<16xi32>], vector<16xf32>,
      %add3A_1420 = arith.addf %gather3A_1418, %gather3A_1419 : vector<16xf32>
      tpu.vector_store_idx %arg9[%broadcast_in_dim3A_1363, %add3A_1405, %broadcast_in_dim3A_1366], %add3A_1420 : memref<2x64x128xf32, #tpu.memory_space<vmem>>[vector<16xi32>, vector<16xi32>, vector<16xi32>], vector<16xf32>,
      %add3A_1421 = arith.constant 48 : i32
      %add3A_1422 = vector.broadcast %add3A_1421 : i32 to vector<16xi32>
      %add3A_1423 = arith.addi %add3A_1422, %iota3A : vector<16xi32>
      %shift_right_arithmetic3A_1424 = arith.constant 3 : i32
      %shift_right_arithmetic3A_1425 = vector.broadcast %shift_right_arithmetic3A_1424 : i32 to vector<16xi32>
      %shift_right_arithmetic3A_1426 = arith.shrsi %add3A_1423, %shift_right_arithmetic3A_1425 : vector<16xi32>
      %and3A_1427 = arith.constant 7 : i32
      %and3A_1428 = vector.broadcast %and3A_1427 : i32 to vector<16xi32>
      %and3A_1429 = arith.andi %add3A_1423, %and3A_1428 : vector<16xi32>
      %gather3A_1430 = arith.constant 6 : i32
      %gather3A_1431 = arith.constant 0 : i32
      %gather3A_1432 = arith.constant 0 : i32
      %gather3A_1433 = arith.constant 0 : i32
      %gather3A_1434 = tpu.memref_slice %arg8[%gather3A_1430, %gather3A_1431, %gather3A_1432, %gather3A_1433] : memref<8x8x8x128xf32, #tpu.memory_space<vmem>> -> memref<1x8x8x128xf32, #tpu.memory_space<vmem>>
      %gather3A_1435 = tpu.memref_squeeze %gather3A_1434 : memref<1x8x8x128xf32, #tpu.memory_space<vmem>> -> memref<8x8x128xf32, #tpu.memory_space<vmem>>
      %gather3A_1436 = tpu.vector_load_idx %gather3A_1435[%shift_right_arithmetic3A_1426, %and3A_1429, %broadcast_in_dim3A_1360] : memref<8x8x128xf32, #tpu.memory_space<vmem>>[vector<16xi32>, vector<16xi32>, vector<16xi32>], vector<16xf32>,
      %gather3A_1437 = tpu.vector_load_idx %arg10[%broadcast_in_dim3A_1363, %add3A_1423, %broadcast_in_dim3A_1366] : memref<2x64x128xf32, #tpu.memory_space<vmem>>[vector<16xi32>, vector<16xi32>, vector<16xi32>], vector<16xf32>,
      %add3A_1438 = arith.addf %gather3A_1436, %gather3A_1437 : vector<16xf32>
      tpu.vector_store_idx %arg9[%broadcast_in_dim3A_1363, %add3A_1423, %broadcast_in_dim3A_1366], %add3A_1438 : memref<2x64x128xf32, #tpu.memory_space<vmem>>[vector<16xi32>, vector<16xi32>, vector<16xi32>], vector<16xf32>,
      %add3A_1439 = arith.constant 8 : i32
      %add3A_1440 = arith.addi %add3A_1333, %add3A_1439 : i32
      %lt3A_1441 = arith.constant 256 : i32
      %lt3A_1442 = arith.cmpi slt, %add3A_1440, %lt3A_1441 : i32
      %convert_element_type3A_1443 = arith.extui %lt3A_1442 : i1 to i32
      %cond3A_1444 = arith.constant 0 : i32
      %cond3A_1445 = arith.cmpi ne, %convert_element_type3A_1443, %cond3A_1444 : i32
      scf.if %cond3A_1445 {
        %get3A_1562 = arith.index_cast %add3A_1440 : i32 to index
        %get3A_1563 = memref.load %arg6[%get3A_1562] : memref<256xi32, #tpu.memory_space<smem>>
        %shift_right_arithmetic3A_1564 = arith.constant 7 : i32
        %shift_right_arithmetic3A_1565 = arith.shrsi %get3A_1563, %shift_right_arithmetic3A_1564 : i32
        %mul3A_1566 = arith.constant 128 : i32
        %mul3A_1567 = arith.muli %shift_right_arithmetic3A_1565, %mul3A_1566 : i32
        %multiple_of3A_1568 = tpu.assume_multiple %mul3A_1567, 128 : i32
        %dma_start3A_1569 = arith.constant 6 : i32
        %dma_start3A_1570 = arith.constant 6 : i32
        %dma_start3A_1571 = arith.constant 0 : i32
        %dma_start3A_1572 = arith.constant 0 : i32
        %dma_start3A_1573 = arith.constant 0 : i32
        %dma_start3A_1574 = tpu.memref_slice %arg8[%dma_start3A_1569, %dma_start3A_1571, %dma_start3A_1572, %dma_start3A_1573] : memref<8x8x8x128xf32, #tpu.memory_space<vmem>> -> memref<1x8x8x128xf32, #tpu.memory_space<vmem>>
        %dma_start3A_1575 = tpu.memref_squeeze %dma_start3A_1574 : memref<1x8x8x128xf32, #tpu.memory_space<vmem>> -> memref<8x8x128xf32, #tpu.memory_space<vmem>>
        %dma_start3A_1576 = arith.constant 0 : i32
        %dma_start3A_1577 = arith.constant 0 : i32
        %dma_start3A_1578 = tpu.memref_slice %arg2[%dma_start3A_1576, %dma_start3A_1577, %multiple_of3A_1568] : memref<8x8x1000000xf32, #tpu.memory_space<hbm>> -> memref<8x8x128xf32, #tpu.memory_space<hbm>>
        %dma_start3A_1579 = tpu.memref_slice %arg11[%dma_start3A_1570] : memref<8x!tpu.dma_semaphore, #tpu.memory_space<semaphore_mem>> -> memref<1x!tpu.dma_semaphore, #tpu.memory_space<semaphore_mem>>
        %dma_start3A_1580 = tpu.memref_squeeze %dma_start3A_1579 : memref<1x!tpu.dma_semaphore, #tpu.memory_space<semaphore_mem>> -> memref<!tpu.dma_semaphore, #tpu.memory_space<semaphore_mem>>
        %dma_start3A_1581 = arith.constant 0 : i32
        %dma_start3A_1582 = arith.constant 0 : i32
        %dma_start3A_1583 = arith.constant 0 : i32
        %dma_start3A_1584 = tpu.memref_slice %arg8[%dma_start3A_1569, %dma_start3A_1581, %dma_start3A_1582, %dma_start3A_1583] : memref<8x8x8x128xf32, #tpu.memory_space<vmem>> -> memref<1x8x8x128xf32, #tpu.memory_space<vmem>>
        %dma_start3A_1585 = tpu.memref_squeeze %dma_start3A_1584 : memref<1x8x8x128xf32, #tpu.memory_space<vmem>> -> memref<8x8x128xf32, #tpu.memory_space<vmem>>
        %dma_start3A_1586 = arith.constant 0 : i32
        %dma_start3A_1587 = arith.constant 0 : i32
        %dma_start3A_1588 = tpu.memref_slice %arg2[%dma_start3A_1586, %dma_start3A_1587, %multiple_of3A_1568] : memref<8x8x1000000xf32, #tpu.memory_space<hbm>> -> memref<8x8x128xf32, #tpu.memory_space<hbm>>
        tpu.enqueue_dma source(%dma_start3A_1588 : memref<8x8x128xf32, #tpu.memory_space<hbm>>) target(%dma_start3A_1585 : memref<8x8x128xf32, #tpu.memory_space<vmem>>) target_semaphore(%dma_start3A_1580 : memref<!tpu.dma_semaphore, #tpu.memory_space<semaphore_mem>>)
      } else {
      }
      %mul3A_1446 = arith.constant 8 : i32
      %mul3A_1447 = arith.muli %scan3A_637, %mul3A_1446 : i32
      %add3A_1448 = arith.constant 7 : i32
      %add3A_1449 = arith.addi %mul3A_1447, %add3A_1448 : i32
      %dma_wait3A_1450 = arith.constant 7 : i32
      %dma_wait3A_1451 = arith.constant 7 : i32
      %dma_wait3A_1452 = arith.constant 0 : i32
      %dma_wait3A_1453 = arith.constant 0 : i32
      %dma_wait3A_1454 = arith.constant 0 : i32
      %dma_wait3A_1455 = tpu.memref_slice %arg8[%dma_wait3A_1450, %dma_wait3A_1452, %dma_wait3A_1453, %dma_wait3A_1454] : memref<8x8x8x128xf32, #tpu.memory_space<vmem>> -> memref<1x8x8x128xf32, #tpu.memory_space<vmem>>
      %dma_wait3A_1456 = tpu.memref_squeeze %dma_wait3A_1455 : memref<1x8x8x128xf32, #tpu.memory_space<vmem>> -> memref<8x8x128xf32, #tpu.memory_space<vmem>>
      %dma_wait3A_1457 = arith.constant 0 : i32
      %dma_wait3A_1458 = arith.constant 0 : i32
      %dma_wait3A_1459 = arith.constant 0 : i32
      %dma_wait3A_1460 = tpu.memref_slice %arg2[%dma_wait3A_1457, %dma_wait3A_1458, %dma_wait3A_1459] : memref<8x8x1000000xf32, #tpu.memory_space<hbm>> -> memref<8x8x128xf32, #tpu.memory_space<hbm>>
      %dma_wait3A_1461 = tpu.memref_slice %arg11[%dma_wait3A_1451] : memref<8x!tpu.dma_semaphore, #tpu.memory_space<semaphore_mem>> -> memref<1x!tpu.dma_semaphore, #tpu.memory_space<semaphore_mem>>
      %dma_wait3A_1462 = tpu.memref_squeeze %dma_wait3A_1461 : memref<1x!tpu.dma_semaphore, #tpu.memory_space<semaphore_mem>> -> memref<!tpu.dma_semaphore, #tpu.memory_space<semaphore_mem>>
      %dma_wait3A_1463 = arith.constant 0 : i32
      %dma_wait3A_1464 = arith.constant 0 : i32
      %dma_wait3A_1465 = arith.constant 0 : i32
      %dma_wait3A_1466 = tpu.memref_slice %arg8[%dma_wait3A_1450, %dma_wait3A_1463, %dma_wait3A_1464, %dma_wait3A_1465] : memref<8x8x8x128xf32, #tpu.memory_space<vmem>> -> memref<1x8x8x128xf32, #tpu.memory_space<vmem>>
      %dma_wait3A_1467 = tpu.memref_squeeze %dma_wait3A_1466 : memref<1x8x8x128xf32, #tpu.memory_space<vmem>> -> memref<8x8x128xf32, #tpu.memory_space<vmem>>
      %dma_wait3A_1468 = arith.constant 0 : i32
      %dma_wait3A_1469 = arith.constant 0 : i32
      %dma_wait3A_1470 = arith.constant 0 : i32
      %dma_wait3A_1471 = tpu.memref_slice %arg2[%dma_wait3A_1468, %dma_wait3A_1469, %dma_wait3A_1470] : memref<8x8x1000000xf32, #tpu.memory_space<hbm>> -> memref<8x8x128xf32, #tpu.memory_space<hbm>>
      tpu.wait_dma2 semaphore(%dma_wait3A_1462 : memref<!tpu.dma_semaphore, #tpu.memory_space<semaphore_mem>>) src(%dma_wait3A_1471 : memref<8x8x128xf32, #tpu.memory_space<hbm>>) dst(%dma_wait3A_1467 : memref<8x8x128xf32, #tpu.memory_space<vmem>>)
      %get3A_1472 = arith.index_cast %add3A_1449 : i32 to index
      %get3A_1473 = memref.load %arg6[%get3A_1472] : memref<256xi32, #tpu.memory_space<smem>>
      %and3A_1474 = arith.constant 127 : i32
      %and3A_1475 = arith.andi %get3A_1473, %and3A_1474 : i32
      %broadcast_in_dim3A_1476 = vector.broadcast %and3A_1475 : i32 to vector<16xi32>
      %shift_right_arithmetic3A_1477 = arith.constant 7 : i32
      %shift_right_arithmetic3A_1478 = arith.shrsi %add3A_1449, %shift_right_arithmetic3A_1477 : i32
      %broadcast_in_dim3A_1479 = vector.broadcast %shift_right_arithmetic3A_1478 : i32 to vector<16xi32>
      %and3A_1480 = arith.constant 127 : i32
      %and3A_1481 = arith.andi %add3A_1449, %and3A_1480 : i32
      %broadcast_in_dim3A_1482 = vector.broadcast %and3A_1481 : i32 to vector<16xi32>
      %add3A_1483 = arith.constant 0 : i32
      %add3A_1484 = vector.broadcast %add3A_1483 : i32 to vector<16xi32>
      %add3A_1485 = arith.addi %add3A_1484, %iota3A : vector<16xi32>
      %shift_right_arithmetic3A_1486 = arith.constant 3 : i32
      %shift_right_arithmetic3A_1487 = vector.broadcast %shift_right_arithmetic3A_1486 : i32 to vector<16xi32>
      %shift_right_arithmetic3A_1488 = arith.shrsi %add3A_1485, %shift_right_arithmetic3A_1487 : vector<16xi32>
      %and3A_1489 = arith.constant 7 : i32
      %and3A_1490 = vector.broadcast %and3A_1489 : i32 to vector<16xi32>
      %and3A_1491 = arith.andi %add3A_1485, %and3A_1490 : vector<16xi32>
      %gather3A_1492 = arith.constant 7 : i32
      %gather3A_1493 = arith.constant 0 : i32
      %gather3A_1494 = arith.constant 0 : i32
      %gather3A_1495 = arith.constant 0 : i32
      %gather3A_1496 = tpu.memref_slice %arg8[%gather3A_1492, %gather3A_1493, %gather3A_1494, %gather3A_1495] : memref<8x8x8x128xf32, #tpu.memory_space<vmem>> -> memref<1x8x8x128xf32, #tpu.memory_space<vmem>>
      %gather3A_1497 = tpu.memref_squeeze %gather3A_1496 : memref<1x8x8x128xf32, #tpu.memory_space<vmem>> -> memref<8x8x128xf32, #tpu.memory_space<vmem>>
      %gather3A_1498 = tpu.vector_load_idx %gather3A_1497[%shift_right_arithmetic3A_1488, %and3A_1491, %broadcast_in_dim3A_1476] : memref<8x8x128xf32, #tpu.memory_space<vmem>>[vector<16xi32>, vector<16xi32>, vector<16xi32>], vector<16xf32>,
      %gather3A_1499 = tpu.vector_load_idx %arg10[%broadcast_in_dim3A_1479, %add3A_1485, %broadcast_in_dim3A_1482] : memref<2x64x128xf32, #tpu.memory_space<vmem>>[vector<16xi32>, vector<16xi32>, vector<16xi32>], vector<16xf32>,
      %add3A_1500 = arith.addf %gather3A_1498, %gather3A_1499 : vector<16xf32>
      tpu.vector_store_idx %arg9[%broadcast_in_dim3A_1479, %add3A_1485, %broadcast_in_dim3A_1482], %add3A_1500 : memref<2x64x128xf32, #tpu.memory_space<vmem>>[vector<16xi32>, vector<16xi32>, vector<16xi32>], vector<16xf32>,
      %add3A_1501 = arith.constant 16 : i32
      %add3A_1502 = vector.broadcast %add3A_1501 : i32 to vector<16xi32>
      %add3A_1503 = arith.addi %add3A_1502, %iota3A : vector<16xi32>
      %shift_right_arithmetic3A_1504 = arith.constant 3 : i32
      %shift_right_arithmetic3A_1505 = vector.broadcast %shift_right_arithmetic3A_1504 : i32 to vector<16xi32>
      %shift_right_arithmetic3A_1506 = arith.shrsi %add3A_1503, %shift_right_arithmetic3A_1505 : vector<16xi32>
      %and3A_1507 = arith.constant 7 : i32
      %and3A_1508 = vector.broadcast %and3A_1507 : i32 to vector<16xi32>
      %and3A_1509 = arith.andi %add3A_1503, %and3A_1508 : vector<16xi32>
      %gather3A_1510 = arith.constant 7 : i32
      %gather3A_1511 = arith.constant 0 : i32
      %gather3A_1512 = arith.constant 0 : i32
      %gather3A_1513 = arith.constant 0 : i32
      %gather3A_1514 = tpu.memref_slice %arg8[%gather3A_1510, %gather3A_1511, %gather3A_1512, %gather3A_1513] : memref<8x8x8x128xf32, #tpu.memory_space<vmem>> -> memref<1x8x8x128xf32, #tpu.memory_space<vmem>>
      %gather3A_1515 = tpu.memref_squeeze %gather3A_1514 : memref<1x8x8x128xf32, #tpu.memory_space<vmem>> -> memref<8x8x128xf32, #tpu.memory_space<vmem>>
      %gather3A_1516 = tpu.vector_load_idx %gather3A_1515[%shift_right_arithmetic3A_1506, %and3A_1509, %broadcast_in_dim3A_1476] : memref<8x8x128xf32, #tpu.memory_space<vmem>>[vector<16xi32>, vector<16xi32>, vector<16xi32>], vector<16xf32>,
      %gather3A_1517 = tpu.vector_load_idx %arg10[%broadcast_in_dim3A_1479, %add3A_1503, %broadcast_in_dim3A_1482] : memref<2x64x128xf32, #tpu.memory_space<vmem>>[vector<16xi32>, vector<16xi32>, vector<16xi32>], vector<16xf32>,
      %add3A_1518 = arith.addf %gather3A_1516, %gather3A_1517 : vector<16xf32>
      tpu.vector_store_idx %arg9[%broadcast_in_dim3A_1479, %add3A_1503, %broadcast_in_dim3A_1482], %add3A_1518 : memref<2x64x128xf32, #tpu.memory_space<vmem>>[vector<16xi32>, vector<16xi32>, vector<16xi32>], vector<16xf32>,
      %add3A_1519 = arith.constant 32 : i32
      %add3A_1520 = vector.broadcast %add3A_1519 : i32 to vector<16xi32>
      %add3A_1521 = arith.addi %add3A_1520, %iota3A : vector<16xi32>
      %shift_right_arithmetic3A_1522 = arith.constant 3 : i32
      %shift_right_arithmetic3A_1523 = vector.broadcast %shift_right_arithmetic3A_1522 : i32 to vector<16xi32>
      %shift_right_arithmetic3A_1524 = arith.shrsi %add3A_1521, %shift_right_arithmetic3A_1523 : vector<16xi32>
      %and3A_1525 = arith.constant 7 : i32
      %and3A_1526 = vector.broadcast %and3A_1525 : i32 to vector<16xi32>
      %and3A_1527 = arith.andi %add3A_1521, %and3A_1526 : vector<16xi32>
      %gather3A_1528 = arith.constant 7 : i32
      %gather3A_1529 = arith.constant 0 : i32
      %gather3A_1530 = arith.constant 0 : i32
      %gather3A_1531 = arith.constant 0 : i32
      %gather3A_1532 = tpu.memref_slice %arg8[%gather3A_1528, %gather3A_1529, %gather3A_1530, %gather3A_1531] : memref<8x8x8x128xf32, #tpu.memory_space<vmem>> -> memref<1x8x8x128xf32, #tpu.memory_space<vmem>>
      %gather3A_1533 = tpu.memref_squeeze %gather3A_1532 : memref<1x8x8x128xf32, #tpu.memory_space<vmem>> -> memref<8x8x128xf32, #tpu.memory_space<vmem>>
      %gather3A_1534 = tpu.vector_load_idx %gather3A_1533[%shift_right_arithmetic3A_1524, %and3A_1527, %broadcast_in_dim3A_1476] : memref<8x8x128xf32, #tpu.memory_space<vmem>>[vector<16xi32>, vector<16xi32>, vector<16xi32>], vector<16xf32>,
      %gather3A_1535 = tpu.vector_load_idx %arg10[%broadcast_in_dim3A_1479, %add3A_1521, %broadcast_in_dim3A_1482] : memref<2x64x128xf32, #tpu.memory_space<vmem>>[vector<16xi32>, vector<16xi32>, vector<16xi32>], vector<16xf32>,
      %add3A_1536 = arith.addf %gather3A_1534, %gather3A_1535 : vector<16xf32>
      tpu.vector_store_idx %arg9[%broadcast_in_dim3A_1479, %add3A_1521, %broadcast_in_dim3A_1482], %add3A_1536 : memref<2x64x128xf32, #tpu.memory_space<vmem>>[vector<16xi32>, vector<16xi32>, vector<16xi32>], vector<16xf32>,
      %add3A_1537 = arith.constant 48 : i32
      %add3A_1538 = vector.broadcast %add3A_1537 : i32 to vector<16xi32>
      %add3A_1539 = arith.addi %add3A_1538, %iota3A : vector<16xi32>
      %shift_right_arithmetic3A_1540 = arith.constant 3 : i32
      %shift_right_arithmetic3A_1541 = vector.broadcast %shift_right_arithmetic3A_1540 : i32 to vector<16xi32>
      %shift_right_arithmetic3A_1542 = arith.shrsi %add3A_1539, %shift_right_arithmetic3A_1541 : vector<16xi32>
      %and3A_1543 = arith.constant 7 : i32
      %and3A_1544 = vector.broadcast %and3A_1543 : i32 to vector<16xi32>
      %and3A_1545 = arith.andi %add3A_1539, %and3A_1544 : vector<16xi32>
      %gather3A_1546 = arith.constant 7 : i32
      %gather3A_1547 = arith.constant 0 : i32
      %gather3A_1548 = arith.constant 0 : i32
      %gather3A_1549 = arith.constant 0 : i32
      %gather3A_1550 = tpu.memref_slice %arg8[%gather3A_1546, %gather3A_1547, %gather3A_1548, %gather3A_1549] : memref<8x8x8x128xf32, #tpu.memory_space<vmem>> -> memref<1x8x8x128xf32, #tpu.memory_space<vmem>>
      %gather3A_1551 = tpu.memref_squeeze %gather3A_1550 : memref<1x8x8x128xf32, #tpu.memory_space<vmem>> -> memref<8x8x128xf32, #tpu.memory_space<vmem>>
      %gather3A_1552 = tpu.vector_load_idx %gather3A_1551[%shift_right_arithmetic3A_1542, %and3A_1545, %broadcast_in_dim3A_1476] : memref<8x8x128xf32, #tpu.memory_space<vmem>>[vector<16xi32>, vector<16xi32>, vector<16xi32>], vector<16xf32>,
      %gather3A_1553 = tpu.vector_load_idx %arg10[%broadcast_in_dim3A_1479, %add3A_1539, %broadcast_in_dim3A_1482] : memref<2x64x128xf32, #tpu.memory_space<vmem>>[vector<16xi32>, vector<16xi32>, vector<16xi32>], vector<16xf32>,
      %add3A_1554 = arith.addf %gather3A_1552, %gather3A_1553 : vector<16xf32>
      tpu.vector_store_idx %arg9[%broadcast_in_dim3A_1479, %add3A_1539, %broadcast_in_dim3A_1482], %add3A_1554 : memref<2x64x128xf32, #tpu.memory_space<vmem>>[vector<16xi32>, vector<16xi32>, vector<16xi32>], vector<16xf32>,
      %add3A_1555 = arith.constant 8 : i32
      %add3A_1556 = arith.addi %add3A_1449, %add3A_1555 : i32
      %lt3A_1557 = arith.constant 256 : i32
      %lt3A_1558 = arith.cmpi slt, %add3A_1556, %lt3A_1557 : i32
      %convert_element_type3A_1559 = arith.extui %lt3A_1558 : i1 to i32
      %cond3A_1560 = arith.constant 0 : i32
      %cond3A_1561 = arith.cmpi ne, %convert_element_type3A_1559, %cond3A_1560 : i32
      scf.if %cond3A_1561 {
        %get3A_1562 = arith.index_cast %add3A_1556 : i32 to index
        %get3A_1563 = memref.load %arg6[%get3A_1562] : memref<256xi32, #tpu.memory_space<smem>>
        %shift_right_arithmetic3A_1564 = arith.constant 7 : i32
        %shift_right_arithmetic3A_1565 = arith.shrsi %get3A_1563, %shift_right_arithmetic3A_1564 : i32
        %mul3A_1566 = arith.constant 128 : i32
        %mul3A_1567 = arith.muli %shift_right_arithmetic3A_1565, %mul3A_1566 : i32
        %multiple_of3A_1568 = tpu.assume_multiple %mul3A_1567, 128 : i32
        %dma_start3A_1569 = arith.constant 7 : i32
        %dma_start3A_1570 = arith.constant 7 : i32
        %dma_start3A_1571 = arith.constant 0 : i32
        %dma_start3A_1572 = arith.constant 0 : i32
        %dma_start3A_1573 = arith.constant 0 : i32
        %dma_start3A_1574 = tpu.memref_slice %arg8[%dma_start3A_1569, %dma_start3A_1571, %dma_start3A_1572, %dma_start3A_1573] : memref<8x8x8x128xf32, #tpu.memory_space<vmem>> -> memref<1x8x8x128xf32, #tpu.memory_space<vmem>>
        %dma_start3A_1575 = tpu.memref_squeeze %dma_start3A_1574 : memref<1x8x8x128xf32, #tpu.memory_space<vmem>> -> memref<8x8x128xf32, #tpu.memory_space<vmem>>
        %dma_start3A_1576 = arith.constant 0 : i32
        %dma_start3A_1577 = arith.constant 0 : i32
        %dma_start3A_1578 = tpu.memref_slice %arg2[%dma_start3A_1576, %dma_start3A_1577, %multiple_of3A_1568] : memref<8x8x1000000xf32, #tpu.memory_space<hbm>> -> memref<8x8x128xf32, #tpu.memory_space<hbm>>
        %dma_start3A_1579 = tpu.memref_slice %arg11[%dma_start3A_1570] : memref<8x!tpu.dma_semaphore, #tpu.memory_space<semaphore_mem>> -> memref<1x!tpu.dma_semaphore, #tpu.memory_space<semaphore_mem>>
        %dma_start3A_1580 = tpu.memref_squeeze %dma_start3A_1579 : memref<1x!tpu.dma_semaphore, #tpu.memory_space<semaphore_mem>> -> memref<!tpu.dma_semaphore, #tpu.memory_space<semaphore_mem>>
        %dma_start3A_1581 = arith.constant 0 : i32
        %dma_start3A_1582 = arith.constant 0 : i32
        %dma_start3A_1583 = arith.constant 0 : i32
        %dma_start3A_1584 = tpu.memref_slice %arg8[%dma_start3A_1569, %dma_start3A_1581, %dma_start3A_1582, %dma_start3A_1583] : memref<8x8x8x128xf32, #tpu.memory_space<vmem>> -> memref<1x8x8x128xf32, #tpu.memory_space<vmem>>
        %dma_start3A_1585 = tpu.memref_squeeze %dma_start3A_1584 : memref<1x8x8x128xf32, #tpu.memory_space<vmem>> -> memref<8x8x128xf32, #tpu.memory_space<vmem>>
        %dma_start3A_1586 = arith.constant 0 : i32
        %dma_start3A_1587 = arith.constant 0 : i32
        %dma_start3A_1588 = tpu.memref_slice %arg2[%dma_start3A_1586, %dma_start3A_1587, %multiple_of3A_1568] : memref<8x8x1000000xf32, #tpu.memory_space<hbm>> -> memref<8x8x128xf32, #tpu.memory_space<hbm>>
        tpu.enqueue_dma source(%dma_start3A_1588 : memref<8x8x128xf32, #tpu.memory_space<hbm>>) target(%dma_start3A_1585 : memref<8x8x128xf32, #tpu.memory_space<vmem>>) target_semaphore(%dma_start3A_1580 : memref<!tpu.dma_semaphore, #tpu.memory_space<semaphore_mem>>)
      } else {
      }
    }
    %scan3A_630 = arith.constant 32 : i32
    %add3A_631 = arith.constant 0 : i32
    %add3A_632 = arith.addi %rem3A_3, %add3A_631 : i32
    %run_scoped3A_633 = arith.constant 0 : i32
    "tpu.region"() ({
      %run_scoped3A_637 = tpu.sem_alloc : memref<!tpu.dma_semaphore, #tpu.memory_space<semaphore_mem>>
      %dma_start3A_638 = arith.constant 0 : i32
      %dma_start3A_639 = arith.constant 0 : i32
      %dma_start3A_640 = tpu.memref_slice %arg9[%run_scoped3A_633, %dma_start3A_638, %dma_start3A_639] : memref<2x64x128xf32, #tpu.memory_space<vmem>> -> memref<1x64x128xf32, #tpu.memory_space<vmem>>
      %dma_start3A_641 = tpu.memref_squeeze %dma_start3A_640 : memref<1x64x128xf32, #tpu.memory_space<vmem>> -> memref<64x128xf32, #tpu.memory_space<vmem>>
      %dma_start3A_642 = arith.constant 0 : i32
      %dma_start3A_643 = tpu.memref_slice %arg5[%select_n3A, %dma_start3A_642, %add3A_632] : memref<4x64x2048xf32, #tpu.memory_space<hbm>> -> memref<1x64x128xf32, #tpu.memory_space<hbm>>
      %dma_start3A_644 = tpu.memref_squeeze %dma_start3A_643 : memref<1x64x128xf32, #tpu.memory_space<hbm>> -> memref<64x128xf32, #tpu.memory_space<hbm>>
      %dma_start3A_645 = arith.constant 0 : i32
      %dma_start3A_646 = tpu.memref_slice %arg5[%select_n3A, %dma_start3A_645, %add3A_632] : memref<4x64x2048xf32, #tpu.memory_space<hbm>> -> memref<1x64x128xf32, #tpu.memory_space<hbm>>
      %dma_start3A_647 = tpu.memref_squeeze %dma_start3A_646 : memref<1x64x128xf32, #tpu.memory_space<hbm>> -> memref<64x128xf32, #tpu.memory_space<hbm>>
      %dma_start3A_648 = arith.constant 0 : i32
      %dma_start3A_649 = arith.constant 0 : i32
      %dma_start3A_650 = tpu.memref_slice %arg9[%run_scoped3A_633, %dma_start3A_648, %dma_start3A_649] : memref<2x64x128xf32, #tpu.memory_space<vmem>> -> memref<1x64x128xf32, #tpu.memory_space<vmem>>
      %dma_start3A_651 = tpu.memref_squeeze %dma_start3A_650 : memref<1x64x128xf32, #tpu.memory_space<vmem>> -> memref<64x128xf32, #tpu.memory_space<vmem>>
      tpu.enqueue_dma source(%dma_start3A_651 : memref<64x128xf32, #tpu.memory_space<vmem>>) target(%dma_start3A_647 : memref<64x128xf32, #tpu.memory_space<hbm>>) target_semaphore(%run_scoped3A_637 : memref<!tpu.dma_semaphore, #tpu.memory_space<semaphore_mem>>)
      %dma_wait3A = arith.constant 0 : i32
      %dma_wait3A_652 = arith.constant 0 : i32
      %dma_wait3A_653 = tpu.memref_slice %arg9[%run_scoped3A_633, %dma_wait3A, %dma_wait3A_652] : memref<2x64x128xf32, #tpu.memory_space<vmem>> -> memref<1x64x128xf32, #tpu.memory_space<vmem>>
      %dma_wait3A_654 = tpu.memref_squeeze %dma_wait3A_653 : memref<1x64x128xf32, #tpu.memory_space<vmem>> -> memref<64x128xf32, #tpu.memory_space<vmem>>
      %dma_wait3A_655 = arith.constant 0 : i32
      %dma_wait3A_656 = tpu.memref_slice %arg5[%select_n3A, %dma_wait3A_655, %add3A_632] : memref<4x64x2048xf32, #tpu.memory_space<hbm>> -> memref<1x64x128xf32, #tpu.memory_space<hbm>>
      %dma_wait3A_657 = tpu.memref_squeeze %dma_wait3A_656 : memref<1x64x128xf32, #tpu.memory_space<hbm>> -> memref<64x128xf32, #tpu.memory_space<hbm>>
      %dma_wait3A_658 = arith.constant 0 : i32
      %dma_wait3A_659 = tpu.memref_slice %arg5[%select_n3A, %dma_wait3A_658, %add3A_632] : memref<4x64x2048xf32, #tpu.memory_space<hbm>> -> memref<1x64x128xf32, #tpu.memory_space<hbm>>
      %dma_wait3A_660 = tpu.memref_squeeze %dma_wait3A_659 : memref<1x64x128xf32, #tpu.memory_space<hbm>> -> memref<64x128xf32, #tpu.memory_space<hbm>>
      %dma_wait3A_661 = arith.constant 0 : i32
      %dma_wait3A_662 = arith.constant 0 : i32
      %dma_wait3A_663 = tpu.memref_slice %arg9[%run_scoped3A_633, %dma_wait3A_661, %dma_wait3A_662] : memref<2x64x128xf32, #tpu.memory_space<vmem>> -> memref<1x64x128xf32, #tpu.memory_space<vmem>>
      %dma_wait3A_664 = tpu.memref_squeeze %dma_wait3A_663 : memref<1x64x128xf32, #tpu.memory_space<vmem>> -> memref<64x128xf32, #tpu.memory_space<vmem>>
      tpu.wait_dma2 semaphore(%run_scoped3A_637 : memref<!tpu.dma_semaphore, #tpu.memory_space<semaphore_mem>>) src(%dma_wait3A_664 : memref<64x128xf32, #tpu.memory_space<vmem>>) dst(%dma_wait3A_660 : memref<64x128xf32, #tpu.memory_space<hbm>>)
      tpu.yield
    }) : () -> ()
    %add3A_634 = arith.constant 128 : i32
    %add3A_635 = arith.addi %rem3A_3, %add3A_634 : i32
    %run_scoped3A_636 = arith.constant 1 : i32
    "tpu.region"() ({
      %run_scoped3A_637 = tpu.sem_alloc : memref<!tpu.dma_semaphore, #tpu.memory_space<semaphore_mem>>
      %dma_start3A_638 = arith.constant 0 : i32
      %dma_start3A_639 = arith.constant 0 : i32
      %dma_start3A_640 = tpu.memref_slice %arg9[%run_scoped3A_636, %dma_start3A_638, %dma_start3A_639] : memref<2x64x128xf32, #tpu.memory_space<vmem>> -> memref<1x64x128xf32, #tpu.memory_space<vmem>>
      %dma_start3A_641 = tpu.memref_squeeze %dma_start3A_640 : memref<1x64x128xf32, #tpu.memory_space<vmem>> -> memref<64x128xf32, #tpu.memory_space<vmem>>
      %dma_start3A_642 = arith.constant 0 : i32
      %dma_start3A_643 = tpu.memref_slice %arg5[%select_n3A, %dma_start3A_642, %add3A_635] : memref<4x64x2048xf32, #tpu.memory_space<hbm>> -> memref<1x64x128xf32, #tpu.memory_space<hbm>>
      %dma_start3A_644 = tpu.memref_squeeze %dma_start3A_643 : memref<1x64x128xf32, #tpu.memory_space<hbm>> -> memref<64x128xf32, #tpu.memory_space<hbm>>
      %dma_start3A_645 = arith.constant 0 : i32
      %dma_start3A_646 = tpu.memref_slice %arg5[%select_n3A, %dma_start3A_645, %add3A_635] : memref<4x64x2048xf32, #tpu.memory_space<hbm>> -> memref<1x64x128xf32, #tpu.memory_space<hbm>>
      %dma_start3A_647 = tpu.memref_squeeze %dma_start3A_646 : memref<1x64x128xf32, #tpu.memory_space<hbm>> -> memref<64x128xf32, #tpu.memory_space<hbm>>
      %dma_start3A_648 = arith.constant 0 : i32
      %dma_start3A_649 = arith.constant 0 : i32
      %dma_start3A_650 = tpu.memref_slice %arg9[%run_scoped3A_636, %dma_start3A_648, %dma_start3A_649] : memref<2x64x128xf32, #tpu.memory_space<vmem>> -> memref<1x64x128xf32, #tpu.memory_space<vmem>>
      %dma_start3A_651 = tpu.memref_squeeze %dma_start3A_650 : memref<1x64x128xf32, #tpu.memory_space<vmem>> -> memref<64x128xf32, #tpu.memory_space<vmem>>
      tpu.enqueue_dma source(%dma_start3A_651 : memref<64x128xf32, #tpu.memory_space<vmem>>) target(%dma_start3A_647 : memref<64x128xf32, #tpu.memory_space<hbm>>) target_semaphore(%run_scoped3A_637 : memref<!tpu.dma_semaphore, #tpu.memory_space<semaphore_mem>>)
      %dma_wait3A = arith.constant 0 : i32
      %dma_wait3A_652 = arith.constant 0 : i32
      %dma_wait3A_653 = tpu.memref_slice %arg9[%run_scoped3A_636, %dma_wait3A, %dma_wait3A_652] : memref<2x64x128xf32, #tpu.memory_space<vmem>> -> memref<1x64x128xf32, #tpu.memory_space<vmem>>
      %dma_wait3A_654 = tpu.memref_squeeze %dma_wait3A_653 : memref<1x64x128xf32, #tpu.memory_space<vmem>> -> memref<64x128xf32, #tpu.memory_space<vmem>>
      %dma_wait3A_655 = arith.constant 0 : i32
      %dma_wait3A_656 = tpu.memref_slice %arg5[%select_n3A, %dma_wait3A_655, %add3A_635] : memref<4x64x2048xf32, #tpu.memory_space<hbm>> -> memref<1x64x128xf32, #tpu.memory_space<hbm>>
      %dma_wait3A_657 = tpu.memref_squeeze %dma_wait3A_656 : memref<1x64x128xf32, #tpu.memory_space<hbm>> -> memref<64x128xf32, #tpu.memory_space<hbm>>
      %dma_wait3A_658 = arith.constant 0 : i32
      %dma_wait3A_659 = tpu.memref_slice %arg5[%select_n3A, %dma_wait3A_658, %add3A_635] : memref<4x64x2048xf32, #tpu.memory_space<hbm>> -> memref<1x64x128xf32, #tpu.memory_space<hbm>>
      %dma_wait3A_660 = tpu.memref_squeeze %dma_wait3A_659 : memref<1x64x128xf32, #tpu.memory_space<hbm>> -> memref<64x128xf32, #tpu.memory_space<hbm>>
      %dma_wait3A_661 = arith.constant 0 : i32
      %dma_wait3A_662 = arith.constant 0 : i32
      %dma_wait3A_663 = tpu.memref_slice %arg9[%run_scoped3A_636, %dma_wait3A_661, %dma_wait3A_662] : memref<2x64x128xf32, #tpu.memory_space<vmem>> -> memref<1x64x128xf32, #tpu.memory_space<vmem>>
      %dma_wait3A_664 = tpu.memref_squeeze %dma_wait3A_663 : memref<1x64x128xf32, #tpu.memory_space<vmem>> -> memref<64x128xf32, #tpu.memory_space<vmem>>
      tpu.wait_dma2 semaphore(%run_scoped3A_637 : memref<!tpu.dma_semaphore, #tpu.memory_space<semaphore_mem>>) src(%dma_wait3A_664 : memref<64x128xf32, #tpu.memory_space<vmem>>) dst(%dma_wait3A_660 : memref<64x128xf32, #tpu.memory_space<hbm>>)
      tpu.yield
    }) : () -> ()
    return
  }
}

</mosaic_0001>

<sc_bundles>
// kernel: kernel.3.cloned.1.call-start
scs
__scs_entry_jumppad:
0x0: {  	(pc) =	sbr.rel $0x88, $3  }
0x1: {  	(tag) =	ssettag $0x0;
	lr =	simm.s32 $0x1  }
0x2: {  	[smem:$0x3F9E] =	sst lr;
	_ =	strace $0xD0000000  }
0x3: {  	_ = 	snop  }
0x4: {  	_ = 	snop  }
0x5: {  	_ = 	snop  }
0x6: {  	_ = 	snop  }
0x7: {  	_ = 	snop  }
__scs_overlays_trampoline_lowered:
0x8: {  	[smem:$0x3FAD] =	sst s0  }
0x9: {  	[smem:$0x3FAE] =	sst s1  }
0xa: {  	[smem:$0x3FAF] =	sst s2  }
0xb: {  	[smem:$0x3FB0] =	sst s3  }
0xc: {  	[smem:$0x3FB1] =	sst s4  }
0xd: {  	[smem:$0x3FB2] =	sst s5  }
0xe: {  	[smem:$0x3FB3] =	sst s6  }
0xf: {  	[smem:$0x3FB4] =	sst s7  }
0x10: {  	[smem:$0x3FB5] =	sst s8  }
0x11: {  	[smem:$0x3FB6] =	sst s9;
	s0 =	simm.s32 @!p0 $0x0  }
0x12: {  	s1 =	sld [smem:$0x3F9C];
	s0 =	simm.s32 @p0 $0x1  }
0x13: {  	[smem:$0x3FB7] =	sst s0;
	s0 =	simm.s32 @!p1 $0x0  }
0x14: {  	s2 =	sld [smem:$0x3F9B];
	s0 =	simm.s32 @p1 $0x1  }
0x15: {  	[smem:$0x3FB8] =	sst s0;
	s0 =	simm.s32 @!p2 $0x0  }
0x16: {  	s3 =	sld [smem:$0x3FDB];
	s0 =	simm.s32 @p2 $0x1  }
0x17: {  	s4 =	simm.s32 $0x1BF5;
	[smem:$0x3FBA] =	sst s0  }
0x18: {  	s0 =	sld [smem:$0x3F9D];
	_ =	swait.ge [sflag:s4], $0x0  }
0x19: {  	s7 =	sld [smem:$0x3F9E]  }
0x1a: {  	s8 =	sadd.s32 $0xFFFFE003, lr  }
0x1b: {  	s9 =	sadd.s32 $0xFFFFFEF7, lr;
	s5 =	simm.s32 $0xFFFFFFFF;
	p2 =	slt.u32 s8, $0xFFFFF086  }
0x1c: {  	p1 =	slt.u32 s9, $0xF7A;
	s5 =	simm.s32 @!p2 $0x0  }
0x1d: {  	s5 =	simm.s32 @p1 $0x1;
	p0 =	seq.s32 s7, s2  }
0x1e: {  	s7 =	smul.u32 @!p0 $0xF7A, s2;
	p2 =	seq.s32 @!p0 s5, $0x0  }
0x1f: {  	s9 =	smul.u32 $0xF7A, s1;
	s8 =	simm.s32 @!p0 $0x1BF5;
	p2 =	por !p2, p0  }
0x20: {  	[sflag:s8] =	ssyncset.s32 @!p0 $0xFFFFF086;
	s6 =	sadd.s32 @!p0 s3, s7;
	s7 =	simm.s32 @!p0 $0x108  }
0x21: {  	s3 =	sadd.s32 s3, s9;
	s6 =	sadd.s32 @!p0 $0x88, s6;
	s7 =	simm.s32 @p2 $0x1082  }
0x22: {  	[simem:s7], [sflag:s8] =	dma.local @!p0 [hbm:s6], $0xF7A  }
0x23: {  	s9 =	sor.u32 $0xD0000000, s2;
	s6 =	simm.s32 $0x108;
	_ =	swait.ge @!p0 [sflag:s8], $0x0  }
0x24: {  	s3 =	sadd.s32 $0x88, s3;
	s6 =	simm.s32 @!p1 $0x1082;
	[sflag:s4] =	ssyncset.s32 $0xFFFFF086  }
0x25: {  	[simem:s6], [sflag:s4] =	dma.local [hbm:s3], $0xF7A  }
0x26: {  	[smem:$0x3F9E] =	sst s1;
	(tag) =	ssettag s2;
	_ =	strace s9  }
0x27: {  	s1 =	sld [smem:$0x3FAE]  }
0x28: {  	s2 =	sld [smem:$0x3FAF]  }
0x29: {  	s4 =	sld [smem:$0x3FB1]  }
0x2a: {  	p0 =	seq.s32 s5, $0x0;
	s5 =	sld [smem:$0x3FB2]  }
0x2b: {  	s6 =	sld [smem:$0x3FB3]  }
0x2c: {  	s7 =	sld [smem:$0x3FB4]  }
0x2d: {  	s3 =	simm.s32 $0x108;
	s8 =	sld [smem:$0x3FB5]  }
0x2e: {  	s3 =	simm.s32 @!p0 $0x1082;
	s9 =	sld [smem:$0x3FB6]  }
0x2f: {  	lr =	sadd.s32 s0, s3;
	s0 =	sld [smem:$0x3FAD]  }
0x30: {  	s3 =	sld [smem:$0x3FB0]  }
0x31: {  	[smem:$0x3FB9] =	sst s10  }
0x32: {  	s10 =	sld [smem:$0x3FB7];
	_ =	sdelay $0x3  }
0x33: {  	p0 =	seq.s32 s10, $0x1;
	s10 =	sld [smem:$0x3FB9];
	_ =	sdelay $0x3  }
0x34: {  	[smem:$0x3FB9] =	sst s10  }
0x35: {  	s10 =	sld [smem:$0x3FB8];
	_ =	sdelay $0x3  }
0x36: {  	p1 =	seq.s32 s10, $0x1;
	s10 =	sld [smem:$0x3FB9];
	_ =	sdelay $0x3  }
0x37: {  	[smem:$0x3FB9] =	sst s10  }
0x38: {  	s10 =	sld [smem:$0x3FBA]  }
0x39: {  	_ = 	snop;
	(pc) =	sbr.ind lr, $3  }
0x3a: {  	_ = 	snop  }
0x3b: {  	_ = 	snop  }
0x3c: {  	p2 =	seq.s32 s10, $0x1;
	s10 =	sld [smem:$0x3FB9]  }
0x3d: {  	_ =	shalt  }
0x3e: {  	_ =	shalt  }
0x3f: {  	_ =	shalt  }
0x40: {  	_ =	shalt  }
0x41: {  	_ =	shalt  }
0x42: {  	_ =	shalt  }
0x43: {  	_ =	shalt  }
0x44: {  	_ =	shalt  }
0x45: {  	_ =	shalt  }
0x46: {  	_ =	shalt  }
0x47: {  	_ =	shalt  }
0x48: {  	_ =	shalt  }
0x49: {  	_ =	shalt  }
0x4a: {  	_ =	shalt  }
0x4b: {  	_ =	shalt  }
0x4c: {  	_ =	shalt  }
0x4d: {  	_ =	shalt  }
0x4e: {  	_ =	shalt  }
0x4f: {  	_ =	shalt  }
0x50: {  	_ =	shalt  }
0x51: {  	_ =	shalt  }
0x52: {  	_ =	shalt  }
0x53: {  	_ =	shalt  }
0x54: {  	_ =	shalt  }
0x55: {  	_ =	shalt  }
0x56: {  	_ =	shalt  }
0x57: {  	_ =	shalt  }
0x58: {  	_ =	shalt  }
0x59: {  	_ =	shalt  }
0x5a: {  	_ =	shalt  }
0x5b: {  	_ =	shalt  }
0x5c: {  	_ =	shalt  }
0x5d: {  	_ =	shalt  }
0x5e: {  	_ =	shalt  }
0x5f: {  	_ =	shalt  }
0x60: {  	_ =	shalt  }
0x61: {  	_ =	shalt  }
0x62: {  	_ =	shalt  }
0x63: {  	_ =	shalt  }
0x64: {  	_ =	shalt  }
0x65: {  	_ =	shalt  }
0x66: {  	_ =	shalt  }
0x67: {  	_ =	shalt  }
0x68: {  	_ =	shalt  }
0x69: {  	_ =	shalt  }
0x6a: {  	_ =	shalt  }
0x6b: {  	_ =	shalt  }
0x6c: {  	_ =	shalt  }
0x6d: {  	_ =	shalt  }
0x6e: {  	_ =	shalt  }
0x6f: {  	_ =	shalt  }
0x70: {  	_ =	shalt  }
0x71: {  	_ =	shalt  }
0x72: {  	_ =	shalt  }
0x73: {  	_ =	shalt  }
0x74: {  	_ =	shalt  }
0x75: {  	_ =	shalt  }
0x76: {  	_ =	shalt  }
0x77: {  	_ =	shalt  }
0x78: {  	_ =	shalt  }
0x79: {  	_ =	shalt  }
0x7a: {  	_ =	shalt  }
0x7b: {  	_ =	shalt  }
0x7c: {  	_ =	shalt  }
0x7d: {  	_ =	shalt  }
0x7e: {  	_ =	shalt  }
0x7f: {  	_ =	shalt  }
0x80: {  	_ =	shalt  }
0x81: {  	_ =	shalt  }
0x82: {  	_ =	shalt  }
0x83: {  	_ =	shalt  }
0x84: {  	_ =	shalt  }
0x85: {  	_ =	shalt  }
0x86: {  	_ =	shalt  }
0x87: {  	_ =	shalt  }
.Lfunc_end0:
.L_simem_size_0:
called_computation_lowered:
.L_overlay_start_0:
0x88: {  	s2 =	sld [smem:$0x3FD9]  }
0x89: {  	s3 =	sld [smem:$0x3FFE];
	_ =	sdelay $0x1  }
0x8a: {  	s1 =	srdreg.scid  }
0x8b: {  	s0 =	sand.u32 $0x1, s1  }
0x8c: {  	s18 =	sshll.u32 s0, $0xA;
	s2 =	sadd.s32 s3, s2  }
0x8d: {  	s2 =	sadd.s32 s2, s18  }
0x8e: {  	[smem:$0x3FC5] =	sst s2  }
0x8f: {  	_ = 	snop  }
0x90: {  	s2 =	sld [smem:$0x3FC9]  }
0x91: {  	s19 =	sld [smem:$0x3FC8]  }
0x92: {  	s4 =	sld [smem:$0x3FC7]  }
0x93: {  	s5 =	sld [smem:$0x3FD0];
	(tm) =	ssettm $0x1  }
0x94: {  	s6 =	sld [smem:$0x3FFB];
	_ =	sdelay $0x3  }
0x95: {  	_ =	strace s6  }
0x96: {  	s6 =	sld [smem:$0x3FFC];
	_ =	sdelay $0x3  }
0x97: {  	_ =	strace s6  }
0x98: {  	s6 =	sld [smem:$0x3FFD];
	_ =	sdelay $0x3  }
0x99: {  	_ =	strace s6  }
0x9a: {  	_ =	strace $0x8FFFFFFF  }
0x9b: {  	s20 =	sld [smem:$0x3FDB];
	_ =	sdelay $0x1  }
0x9c: {  	s7 =	simm.s32 $_scs_section_size  }
0x9d: {  	s8 =	simm.s32 $_size__tile_overlayer_lowered;
	s9 =	simm.s32 $_tile_overlayer_lowered  }
0x9e: {  	s23 =	simm.s32 $0x1BFF;
	s22 =	sshll.u32 s9, $0x1;
	s6 =	sadd.s32 s7, s20  }
0x9f: {  	s10 =	simm.s32 $0x0;
	s21 =	sshll.u32 s8, $0x1;
	s8 =	sadd.s32 s22, s6  }
0xa0: {  	[timem:s10], [sflag:s23] =	dma.local [hbm:s8], s21  }
0xa1: {  	_ =	swait.ge [sflag:s23], s21  }
0xa2: {  	s7 =	ssub.s32 $0x0, s21;
	[sflag:s23] =	ssyncset.done $0x0  }
0xa3: {  	[sflag:s23] =	ssyncadd.s32 s7;
	_ =	sdelay $0x1  }
0xa4: {  	s24 =	simm.s32 $0x1B8B  }
0xa5: {  	_ =	swait.ge [sflag:s24], $0x1  }
0xa6: {  	[sflag:s24] =	ssyncset.done $0x0  }
0xa7: {  	s25 =	simm.s32 $0x1B8E;
	[sflag:s24] =	ssyncadd.s32 $0xFFFFFFFF  }
0xa8: {  	s26 =	simm.s32 $execute0_lowered;
	[smem:$0x3FD2] =	sst s25  }
0xa9: {  	s7 =	sshll.u32 s26, $0x1;
	_ =	strace $0x80000046;
	[dreg:$0x1] =	wrdreg $0xFFFFFFFF  }
0xaa: {  	s28 =	simm.s32 $_size_execute0_lowered;
	s6 =	sadd.s32 s6, s7;
	[dreg:$0x0] =	wrdreg $0x0  }
0xab: {  	s7 =	sshll.u32 s28, $0x1;
	[dreg:$0x2] =	wrdreg s6  }
0xac: {  	[dreg:$0x3] =	wrdreg s7  }
0xad: {  	[dreg:$0x4] =	wrdreg $0xC0  }
0xae: {  	_ =	task [dreg:s10], $0x5FFFF  }
0xaf: {  	[dreg:$0x1] =	wrdreg $0xFFFFFFFF  }
0xb0: {  	[dreg:$0x0] =	wrdreg $0x60  }
0xb1: {  	[dreg:$0x2] =	wrdreg s19  }
0xb2: {  	[dreg:$0x3] =	wrdreg s2  }
0xb3: {  	[dreg:$0x4] =	wrdreg s4  }
0xb4: {  	[dreg:$0x5] =	wrdreg s5  }
0xb5: {  	[dreg:$0x6] =	wrdreg $0x9  }
0xb6: {  	_ =	task.clear_ibuf [dreg:s10], $0x7FFFF;
	_ =	strace $0x90000046  }
0xb7: {  	s29 =	simm.s32 $0x9;
	_ =	strace $0x80000048  }
0xb8: {  	_ =	swait.ge [sflag:s29], $0x1  }
0xb9: {  	[sflag:s29] =	ssyncadd.s32 $0xFFFFFFFF  }
0xba: {  	_ =	strace $0x90000048  }
0xbb: {  	_ =	sfence  }
0xbc: {  	s30 =	sld [smem:$0x0];
	_ =	sdelay $0x2  }
0xbd: {  	s31 =	sshll.u32 s1, $0xD;
	s1 =	sshrl.u32 s1, $0x2  }
0xbe: {  	s3 =	sand.u32 $0x4000, s31;
	s1 =	sadd.s32 s1, s30  }
0xbf: {  	s0 =	sor.u32 s3, s0;
	s1 =	sshll.u32 s1, $0x11  }
0xc0: {  	s0 =	sor.u32 s1, s0  }
0xc1: {  	s0 =	sadd.s32 $0x8F2B, s0  }
0xc2: {  	[sflag:s0] =	ssyncadd.remote.s32 $0x1  }
0xc3: {  	_ =	sfence.sel $0xFFFF  }
0xc4: {  	[dreg:$0x0] =	wrdreg $0xFFFFFFFF;
	(pc) =	sbr.abs _section_cstart, $3  }
0xc5: {  	[dreg:$0x1] =	wrdreg $0xFFFFFFFF  }
0xc6: {  	_ =	task.clear_ibuf [dreg:s10], $0x2FFFF;
	_ =	strace $0x9FFFFFFF  }
0xc7: {  	(tm) =	ssettm $0x7FFFFFFF  }
tec
execute0_lowered:
.L_overlay_start_1:
0x0: {  	(tag) =	ssettag $0x1  }
0x1: {  	s1 =	rddreg [dreg:$0x0]  }
0x2: {  	s0 =	rddreg [dreg:$0x1]  }
0x3: {  	s2 =	rddreg [dreg:$0x2]  }
0x4: {  	s3 =	rddreg [dreg:$0x3];
	s4 =	srdreg.scid  }
0x5: {  	s5 =	simm.s32 $0x0;
	s8 =	stileid.u32;
	s16 =	simm.s32 $0x9  }
0x6: {  	s12 =	simm.s32 $0x400;
	s14 =	simm.s32 $0x14400;
	s28 =	simm.s32 $0x7A1400  }
0x7: {  	s17 =	simm.s32 $0x2400;
	s18 =	simm.s32 $0x4400;
	s19 =	simm.s32 $0x6400  }
0x8: {  	s31 =	simm.s32 $0x6;
	s4 =	sand.u32 $0x1, s4;
	s6 =	sshll.u32 s8, $0x1  }
0x9: {  	[smem:$0x7FF] =	sst s5;
	s20 =	ssub.s32 $0x2, s4;
	s4 =	sor.u32 s4, s6  }
0xa: {  	_ =	strace $0x80000047;
	s7 =	sshrl.u32 s20, $0x1;
	s6 =	sshll.u32 s4, $0x8  }
0xb: {  	s21 =	sshll.u32 s4, $0x7;
	s4 =	sshrl.u32 s8, $0x2;
	s5 =	ssub.s32 s20, s7  }
0xc: {  	s6 =	sand.u32 $0x700, s6;
	s7 =	sand.u32 $0x380, s21;
	s22 =	sshll.u32 s4, $0x7  }
0xd: {  	s25 =	sshll.u32 s4, $0x11;
	s10 =	sshll.u32 s4, $0xE;
	s20 =	simm.s32 $0x8400  }
0xe: {  	s21 =	simm.s32 $0xA400;
	s0 =	sadd.s32 s0, s7;
	s23 =	sshll.u32 s6, $0x3  }
0xf: {  	v0 =	vlaneseq.u32;
	s24 =	sadd.s32 s2, s6;
	s26 =	sadd.s32 s3, s10;
	[dreg:$0x5] =	wrdreg s0  }
0x10: {  	vm0 =	vmmov $0x1;
	vm1 =	vcmask $0x308;
	s30 =	smax.u32 s5, $0x1;
	v1 =	vor.u32 s22, v0;
	s22 =	simm.s32 $0xC400;
	[dreg:$0x6] =	wrdreg s24  }
0x11: {  	vm2 =	vcmask $0x70C;
	vm3 =	vcmask $0xB10;
	vm4 =	vcmask $0xF14;
	s5 =	simm.s32 $0x0;
	s7 =	sor.u32 $0x400, s23;
	[dreg:$0xa] =	wrdreg s30  }
.Ltmp0:
0x12: {  	vm5 =	vcmask $0x1318;
	vm6 =	vcmask $0x171C;
	vm7 =	vcmask $0x1B20;
	s24 =	simm.s32 $0x4000;
	s9 =	sshrl.u32 s7, $0x3;
	(pc) =	sbr.rel .LBB2_1-.Ltmp0, $4  }
0x13: {  	vm8 =	vcmask $0x1F24;
	vm9 =	vcmask $0x2328;
	vm10 =	vcmask $0x272C;
	s23 =	simm.s32 $0xE400;
	s7 =	sor.u32 s25, s7;
	s2 =	sadd.s32 s2, s9  }
0x14: {  	vm11 =	vcmask $0x2B30;
	vm12 =	vcmask $0x2F34;
	v2 =	vmul.u32 $0x80, v0;
	s7 =	sshrl.u32 s7, $0x3;
	[dreg:$0x7] =	wrdreg s2;
	s2 =	sadd.s32 s6, s26  }
0x15: {  	vm13 =	vcmask $0x3338;
	vm14 =	vcmask $0x373C;
	vm15 =	vmmov $0x7fff;
	s0 =	simm.s32 $0x7;
	s29 =	sadd.s32 s3, s7;
	[dreg:$0x8] =	wrdreg s2  }
0x16: {  	v3 =	vor.u32 $0x800, v2;
	v4 =	vor.u32 $0x1000, v2;
	v5 =	vor.u32 $0x1800, v2;
	s25 =	simm.s32 $0x10400;
	[dreg:$0x9] =	wrdreg s29;
	s2 =	simm.s32 $0x8  }
.LBB2_6:
0x17: {  	s3 =	rddreg [dreg:$0x8]  }
0x18: {  	[hbm4b:s3+s12] =	stream.strided.scatter [tilespmem:s25], [sflag:$0x9], $0x2000, s24, s12, $0x38;
	[tilespmem:$0x18400] =	vst v63  }
0x19: {  	_ =	swait.ge [sflag:s16], $0x2000  }
0x1a: {  	[sflag:s16] =	ssyncset.done $0x0  }
0x1b: {  	s5 =	simm.s32 $0x12400;
	s26 =	rddreg [dreg:$0x9];
	[sflag:s16] =	ssyncadd.s32 $0xFFFFE000  }
0x1c: {  	[hbm4b:s26+s12] =	stream.strided.scatter [tilespmem:s5], [sflag:$0x9], $0x2000, s24, s12, $0x38;
	[tilespmem:$0x18400] =	vst v63  }
0x1d: {  	_ =	swait.ge [sflag:s16], $0x2000  }
0x1e: {  	s29 =	rddreg [dreg:$0xb]  }
0x1f: {  	s30 =	rddreg [dreg:$0xa];
	s5 =	sadd.s32 $0x1, s29  }
0x20: {  	p0 =	sne.s32 s5, s30  }
.Ltmp1:
0x21: {  	_ = 	snop;
	(pc) =	sbr.rel @!p0 .LBB2_7-.Ltmp1, $3  }
0x22: {  	_ =	sdelay $0x1  }
0x23: {  	[sflag:s16] =	ssyncset.done $0x0  }
0x24: {  	[sflag:s16] =	ssyncadd.s32 $0xFFFFE000  }
.LBB2_1:
0x25: {  	[dreg:$0xb] =	wrdreg s5  }
0x26: {  	s26 =	simm.s32 $0x0;
	s3 =	rddreg [dreg:$0x5]  }
0x27: {  	[tilespmem:s26], [sflag:$0x9] =	stream.linear.gather [hbm4b:s3+s26], $0x400, $0x38;
	[tilespmem:$0x18400] =	vst v63  }
0x28: {  	_ =	swait.ge [sflag:s16], $0x400  }
0x29: {  	[sflag:s16] =	ssyncset.done $0x0  }
0x2a: {  	[sflag:s16] =	ssyncadd.s32 $0xFFFFFC00  }
0x2b: {  	v6 =	vld.idx.msk [tilespmem:v1+s26+$0x0], $0xffff;
	_ =	sdelay $0x4  }
0x2c: {  	v7 =	vnsel vm0, $0x80000000, v6  }
0x2d: {  	v8 =	vsel vm1, $0x80000000, v6;
	v7 =	vxor.u32 $0x80000000, v7  }
0x2e: {  	(xrf0) =	vmax.scan.msk.u32 $0xffff, v7;
	v7 =	vxor.u32 $0x80000000, v8;
	v8 =	vsel vm2, $0x80000000, v6  }
0x2f: {  	(xrf0) =	vmax.scan.msk.u32 $0xffff, v7;
	v7 =	vxor.u32 $0x80000000, v8;
	v8 =	vsel vm3, $0x80000000, v6  }
0x30: {  	(xrf0) =	vmax.scan.msk.u32 $0xffff, v7;
	v7 =	vxor.u32 $0x80000000, v8;
	v8 =	vsel vm4, $0x80000000, v6  }
0x31: {  	(xrf0) =	vmax.scan.msk.u32 $0xffff, v7;
	v7 =	vxor.u32 $0x80000000, v8;
	v8 =	vsel vm5, $0x80000000, v6  }
0x32: {  	(xrf0) =	vmax.scan.msk.u32 $0xffff, v7;
	v7 =	vxor.u32 $0x80000000, v8;
	v8 =	vsel vm6, $0x80000000, v6  }
0x33: {  	(xrf0) =	vmax.scan.msk.u32 $0xffff, v7;
	v7 =	vxor.u32 $0x80000000, v8;
	v8 =	vsel vm7, $0x80000000, v6  }
0x34: {  	v9, _, _ =	vpop (xrf0);
	(xrf0) =	vmax.scan.msk.u32 $0xffff, v7;
	v7 =	vxor.u32 $0x80000000, v8;
	v8 =	vsel vm8, $0x80000000, v6  }
0x35: {  	(v2sf) =	vpush v9, $0xF;
	v9, _, _ =	vpop (xrf0);
	(xrf0) =	vmax.scan.msk.u32 $0xffff, v7;
	v7 =	vxor.u32 $0x80000000, v8;
	v8 =	vsel vm9, $0x80000000, v6  }
0x36: {  	(v2sf) =	vpush v9, $0xF;
	v9, _, _ =	vpop (xrf0);
	(xrf0) =	vmax.scan.msk.u32 $0xffff, v7;
	v7 =	vxor.u32 $0x80000000, v8;
	v8 =	vsel vm10, $0x80000000, v6  }
0x37: {  	(v2sf) =	vpush v9, $0xF;
	v9, _, _ =	vpop (xrf0);
	(xrf0) =	vmax.scan.msk.u32 $0xffff, v7;
	v7 =	vxor.u32 $0x80000000, v8;
	v8 =	vsel vm11, $0x80000000, v6  }
0x38: {  	(v2sf) =	vpush v9, $0xF;
	v9, _, _ =	vpop (xrf0);
	(xrf0) =	vmax.scan.msk.u32 $0xffff, v7;
	v7 =	vxor.u32 $0x80000000, v8;
	v8 =	vsel vm12, $0x80000000, v6  }
0x39: {  	(v2sf) =	vpush v9, $0xF;
	v9, _, _ =	vpop (xrf0);
	(xrf0) =	vmax.scan.msk.u32 $0xffff, v7;
	v7 =	vxor.u32 $0x80000000, v8;
	v8 =	vsel vm13, $0x80000000, v6  }
0x3a: {  	(v2sf) =	vpush v9, $0xF;
	v9, _, _ =	vpop (xrf0);
	(xrf0) =	vmax.scan.msk.u32 $0xffff, v7;
	v7 =	vxor.u32 $0x80000000, v8;
	v8 =	vsel vm14, $0x80000000, v6  }
0x3b: {  	v6 =	vsel vm15, $0x80000000, v6;
	(v2sf) =	vpush v9, $0xF;
	v9, _, _ =	vpop (xrf0);
	(xrf0) =	vmax.scan.msk.u32 $0xffff, v7;
	v7 =	vxor.u32 $0x80000000, v8  }
0x3c: {  	v6 =	vxor.u32 $0x80000000, v6  }
0x3d: {  	(v2sf) =	vpush v9, $0xF;
	v8, _, _ =	vpop (xrf0);
	(xrf0) =	vmax.scan.msk.u32 $0xffff, v7  }
0x3e: {  	(v2sf) =	vpush v8, $0xF;
	v7, _, _ =	vpop (xrf0)  }
0x3f: {  	(xrf0) =	vmax.scan.msk.u32 $0xffff, v6;
	(v2sf) =	vpush v7, $0xF;
	v6, _, _ =	vpop (xrf0)  }
0x40: {  	(v2sf) =	vpush v6, $0xF;
	v6, _, _ =	vpop (xrf0)  }
0x41: {  	(v2sf) =	vpush v6, $0xF;
	v6, _, _ =	vpop (xrf0)  }
0x42: {  	(v2sf) =	vpush v6, $0xF;
	v6, _, _ =	vpop (xrf0)  }
0x43: {  	(v2sf) =	vpush v6, $0xF;
	v6, _, _ =	vpop (xrf0)  }
0x44: {  	(v2sf) =	vpush v6, $0xF  }
0x45: {  	v6, _, _ =	vpop (xrf0);
	s6 =	spop (v2sf)  }
0x46: {  	(v2sf) =	vpush v6, $0xF;
	s7 =	spop (v2sf);
	s9 =	sxor.u32 $0x80000000, s6  }
0x47: {  	s8 =	spop (v2sf);
	[smem:$0x0] =	sst s9;
	s10 =	sxor.u32 $0x80000000, s7  }
0x48: {  	s9 =	spop (v2sf);
	[smem:$0x1] =	sst s10;
	s11 =	sxor.u32 $0x80000000, s8  }
0x49: {  	[smem:$0x2] =	sst s11;
	s13 =	sxor.u32 $0x80000000, s9;
	s10 =	spop (v2sf)  }
0x4a: {  	[smem:$0x3] =	sst s13;
	s15 =	sxor.u32 $0x80000000, s10;
	s11 =	spop (v2sf)  }
0x4b: {  	[smem:$0x4] =	sst s15;
	s29 =	sxor.u32 $0x80000000, s11;
	s5 =	spop (v2sf)  }
0x4c: {  	[smem:$0x5] =	sst s29;
	s13 =	sxor.u32 $0x80000000, s5;
	s3 =	spop (v2sf)  }
0x4d: {  	[smem:$0x6] =	sst s13;
	s30 =	sxor.u32 $0x80000000, s3;
	s15 =	spop (v2sf)  }
0x4e: {  	[smem:$0x7] =	sst s30;
	s29 =	sxor.u32 $0x80000000, s15;
	s30 =	spop (v2sf)  }
0x4f: {  	[smem:$0x8] =	sst s29;
	s29 =	sxor.u32 $0x80000000, s30;
	s30 =	spop (v2sf)  }
0x50: {  	[smem:$0x9] =	sst s29;
	s29 =	sxor.u32 $0x80000000, s30;
	s30 =	spop (v2sf)  }
0x51: {  	[smem:$0xA] =	sst s29;
	s29 =	sxor.u32 $0x80000000, s30;
	s30 =	spop (v2sf)  }
0x52: {  	[smem:$0xB] =	sst s29;
	s29 =	sxor.u32 $0x80000000, s30;
	s30 =	spop (v2sf)  }
0x53: {  	[smem:$0xC] =	sst s29;
	s29 =	sxor.u32 $0x80000000, s30;
	s30 =	spop (v2sf)  }
0x54: {  	[smem:$0xD] =	sst s29;
	s15 =	sxor.u32 $0x80000000, s30  }
0x55: {  	s29 =	spop (v2sf);
	[smem:$0xE] =	sst s15  }
0x56: {  	s30 =	sxor.u32 $0x80000000, s29;
	s15 =	rddreg [dreg:$0x6]  }
0x57: {  	[smem:$0xF] =	sst s30  }
0x58: {  	[tilespmem:s14], [sflag:$0x9] =	stream.strided.gather [hbm4b:s15+s12], $0x2000, s24, s12, $0x38;
	[tilespmem:$0x18400] =	vst v63  }
0x59: {  	_ =	swait.ge [sflag:s16], $0x2000  }
0x5a: {  	[sflag:s16] =	ssyncset.done $0x0  }
0x5b: {  	s30 =	simm.s32 $0x16400;
	s29 =	rddreg [dreg:$0x7];
	[sflag:s16] =	ssyncadd.s32 $0xFFFFE000  }
0x5c: {  	[tilespmem:s30], [sflag:$0x9] =	stream.strided.gather [hbm4b:s29+s12], $0x2000, s24, s12, $0x38;
	[tilespmem:$0x18400] =	vst v63  }
0x5d: {  	_ =	swait.ge [sflag:s16], $0x2000  }
0x5e: {  	s6 =	sand.u32 $0xFFFFF80, s6;
	[sflag:s16] =	ssyncset.done $0x0  }
0x5f: {  	s6 =	sadd.s32 s1, s6;
	s7 =	sand.u32 $0xFFFFF80, s7;
	[sflag:s16] =	ssyncadd.s32 $0xFFFFE000  }
0x60: {  	[tilespmem:s12], [sflag:$0x1] =	stream.strided.gather [hbm4b:s6+s12], $0x2000, s28, s12, $0x38;
	[tilespmem:$0x18400] =	vst v63  }
0x61: {  	s8 =	sand.u32 $0xFFFFF80, s8;
	s6 =	sadd.s32 s1, s7  }
0x62: {  	[tilespmem:s17], [sflag:$0x2] =	stream.strided.gather [hbm4b:s6+s12], $0x2000, s28, s12, $0x38;
	[tilespmem:$0x18400] =	vst v63  }
0x63: {  	s9 =	sand.u32 $0xFFFFF80, s9;
	s6 =	sadd.s32 s1, s8  }
0x64: {  	[tilespmem:s18], [sflag:$0x3] =	stream.strided.gather [hbm4b:s6+s12], $0x2000, s28, s12, $0x38;
	[tilespmem:$0x18400] =	vst v63  }
0x65: {  	s10 =	sand.u32 $0xFFFFF80, s10;
	s6 =	sadd.s32 s1, s9  }
0x66: {  	[tilespmem:s19], [sflag:$0x4] =	stream.strided.gather [hbm4b:s6+s12], $0x2000, s28, s12, $0x38;
	[tilespmem:$0x18400] =	vst v63  }
0x67: {  	s11 =	sand.u32 $0xFFFFF80, s11;
	s6 =	sadd.s32 s1, s10  }
0x68: {  	[tilespmem:s20], [sflag:$0x5] =	stream.strided.gather [hbm4b:s6+s12], $0x2000, s28, s12, $0x38;
	[tilespmem:$0x18400] =	vst v63  }
0x69: {  	s13 =	simm.s32 $0x0;
	s6 =	sadd.s32 s1, s11  }
0x6a: {  	[tilespmem:s21], [sflag:$0x6] =	stream.strided.gather [hbm4b:s6+s12], $0x2000, s28, s12, $0x38;
	[tilespmem:$0x18400] =	vst v63  }
0x6b: {  	s6 =	sand.u32 $0x4, s13  }
0x6c: {  	s15 =	simm.s32 $0x10;
	s6 =	sor.u32 s4, s6  }
0x6d: {  	s7 =	sand.u32 $0x70, s15;
	s6 =	sshll.u32 s6, $0x7  }
0x6e: {  	s6 =	sor.u32 s7, s6  }
0x6f: {  	s5 =	sand.u32 $0xFFFFF80, s5;
	v6 =	vor.u32 s6, v0  }
0x70: {  	s5 =	sadd.s32 s1, s5;
	s3 =	sand.u32 $0xFFFFF80, s3  }
0x71: {  	[tilespmem:s22], [sflag:$0x7] =	stream.strided.gather [hbm4b:s5+s12], $0x2000, s28, s12, $0x38;
	[tilespmem:$0x18400] =	vst v63  }
0x72: {  	s3 =	sadd.s32 s1, s3  }
0x73: {  	[tilespmem:s23], [sflag:$0x8] =	stream.strided.gather [hbm4b:s3+s12], $0x2000, s28, s12, $0x38;
	[tilespmem:$0x18400] =	vst v63  }
0x74: {  	v6 =	vld.idx.msk [tilespmem:v6+s26+$0x0], $0xffff;
	_ =	sdelay $0x4  }
0x75: {  	v7 =	vnsel vm0, $0x80000000, v6  }
0x76: {  	v8 =	vsel vm1, $0x80000000, v6;
	v7 =	vxor.u32 $0x80000000, v7  }
0x77: {  	v9 =	vsel vm4, $0x80000000, v6;
	v8 =	vxor.u32 $0x80000000, v8;
	(xrf0) =	vmax.scan.msk.u32 $0xffff, v7  }
0x78: {  	v9 =	vxor.u32 $0x80000000, v9;
	v7 =	vsel vm3, $0x80000000, v6;
	(xrf0) =	vmax.scan.msk.u32 $0xffff, v8  }
0x79: {  	v7 =	vxor.u32 $0x80000000, v7;
	v8 =	vsel vm7, $0x80000000, v6;
	(xrf0) =	vmax.scan.msk.u32 $0xffff, v9;
	v9 =	vsel vm6, $0x80000000, v6  }
0x7a: {  	v8 =	vxor.u32 $0x80000000, v8;
	(xrf0) =	vmax.scan.msk.u32 $0xffff, v7;
	v7 =	vxor.u32 $0x80000000, v9;
	v9 =	vsel vm9, $0x80000000, v6  }
0x7b: {  	s16 =	simm.s32 $0x1;
	(xrf0) =	vmax.scan.msk.u32 $0xffff, v8;
	v8 =	vxor.u32 $0x80000000, v9  }
0x7c: {  	s3 =	sand.u32 $0x4, s16;
	(xrf0) =	vmax.scan.msk.u32 $0xffff, v7;
	v7 =	vsel vm2, $0x80000000, v6  }
0x7d: {  	s24 =	simm.s32 $0x20;
	s3 =	sor.u32 s4, s3;
	v9 =	vsel vm5, $0x80000000, v6;
	v10, _, _ =	vpop (xrf0);
	(xrf0) =	vmax.scan.msk.u32 $0xffff, v8;
	v7 =	vxor.u32 $0x80000000, v7  }
0x7e: {  	s5 =	sand.u32 $0x70, s24;
	s3 =	sshll.u32 s3, $0x7;
	v9 =	vxor.u32 $0x80000000, v9;
	v8, _, _ =	vpop (xrf0);
	(xrf0) =	vmax.scan.msk.u32 $0xffff, v7  }
0x7f: {  	s3 =	sor.u32 s5, s3;
	(v2sf) =	vpush v10, $0xF;
	v10, _, _ =	vpop (xrf0);
	(xrf0) =	vmax.scan.msk.u32 $0xffff, v9;
	v9 =	vsel vm11, $0x80000000, v6  }
0x80: {  	v11 =	vor.u32 s3, v0;
	v7 =	vsel vm10, $0x80000000, v6;
	(v2sf) =	vpush v8, $0xF;
	v8, _, _ =	vpop (xrf0)  }
0x81: {  	v7 =	vxor.u32 $0x80000000, v7;
	(v2sf) =	vpush v8, $0xF;
	v8, _, _ =	vpop (xrf0)  }
0x82: {  	(xrf0) =	vmax.scan.msk.u32 $0xffff, v7;
	v7 =	vxor.u32 $0x80000000, v9;
	v9, _, _ =	vpop (xrf0);
	(v2sf) =	vpush v10, $0xF  }
0x83: {  	(v2sf) =	vpush v9, $0xF  }
0x84: {  	(v2sf) =	vpush v8, $0xF;
	v8 =	vsel vm13, $0x80000000, v6  }
0x85: {  	(xrf0) =	vmax.scan.msk.u32 $0xffff, v7;
	v10 =	vld.idx.msk [tilespmem:v11+s26+$0x0], $0xffff;
	v9 =	vsel vm12, $0x80000000, v6;
	v7, _, _ =	vpop (xrf0);
	v8 =	vxor.u32 $0x80000000, v8  }
0x86: {  	v9 =	vxor.u32 $0x80000000, v9;
	v11, _, _ =	vpop (xrf0)  }
0x87: {  	v12 =	vsel vm8, $0x80000000, v6;
	(xrf0) =	vmax.scan.msk.u32 $0xffff, v9;
	(v2sf) =	vpush v11, $0xF;
	v11, _, _ =	vpop (xrf0)  }
0x88: {  	v9 =	vxor.u32 $0x80000000, v12;
	(xrf0) =	vmax.scan.msk.u32 $0xffff, v8;
	(v2sf) =	vpush v11, $0xF;
	v11 =	vsel vm14, $0x80000000, v6;
	v8, _, _ =	vpop (xrf0)  }
0x89: {  	v6 =	vsel vm15, $0x80000000, v6;
	(xrf0) =	vmax.scan.msk.u32 $0xffff, v9;
	v11 =	vxor.u32 $0x80000000, v11;
	(v2sf) =	vpush v8, $0xF  }
0x8a: {  	v6 =	vxor.u32 $0x80000000, v6;
	(xrf0) =	vmax.scan.msk.u32 $0xffff, v11;
	(v2sf) =	vpush v7, $0xF;
	v7 =	vnsel vm0, $0x80000000, v10  }
0x8b: {  	v8, _, _ =	vpop (xrf0);
	(xrf0) =	vmax.scan.msk.u32 $0xffff, v6;
	v6 =	vsel vm1, $0x80000000, v10;
	v7 =	vxor.u32 $0x80000000, v7  }
0x8c: {  	(v2sf) =	vpush v8, $0xF;
	v6 =	vxor.u32 $0x80000000, v6;
	v8 =	vsel vm4, $0x80000000, v10  }
0x8d: {  	v9 =	vsel vm3, $0x80000000, v10;
	v8 =	vxor.u32 $0x80000000, v8  }
0x8e: {  	v9 =	vxor.u32 $0x80000000, v9;
	(xrf0) =	vmax.scan.msk.u32 $0xffff, v7;
	v7, _, _ =	vpop (xrf0)  }
0x8f: {  	v11 =	vsel vm7, $0x80000000, v10;
	(xrf0) =	vmax.scan.msk.u32 $0xffff, v6;
	v6, _, _ =	vpop (xrf0)  }
0x90: {  	v11 =	vxor.u32 $0x80000000, v11;
	(xrf0) =	vmax.scan.msk.u32 $0xffff, v8;
	v8, _, _ =	vpop (xrf0)  }
0x91: {  	s11 =	simm.s32 $0x1;
	s29 =	spop (v2sf);
	(xrf0) =	vmax.scan.msk.u32 $0xffff, v9;
	v9, _, _ =	vpop (xrf0);
	(v2sf) =	vpush v8, $0xF;
	v8 =	vsel vm6, $0x80000000, v10  }
0x92: {  	s8 =	sand.u32 $0x4, s11;
	(xrf0) =	vmax.scan.msk.u32 $0xffff, v11;
	(v2sf) =	vpush v9, $0xF;
	v8 =	vxor.u32 $0x80000000, v8;
	v9 =	vsel vm9, $0x80000000, v10  }
0x93: {  	s13 =	simm.s32 $0x30;
	s8 =	sor.u32 s4, s8;
	s30 =	spop (v2sf);
	v11, _, _ =	vpop (xrf0);
	v9 =	vxor.u32 $0x80000000, v9;
	(xrf0) =	vmax.scan.msk.u32 $0xffff, v8;
	v8 =	vsel vm2, $0x80000000, v10  }
0x94: {  	s10 =	sand.u32 $0x70, s13;
	s8 =	sshll.u32 s8, $0x7;
	s7 =	spop (v2sf);
	(v2sf) =	vpush v11, $0xF;
	v8 =	vxor.u32 $0x80000000, v8  }
0x95: {  	s8 =	sor.u32 s10, s8;
	s5 =	spop (v2sf);
	v11, _, _ =	vpop (xrf0)  }
0x96: {  	v61 =	vor.u32 s8, v0;
	s9 =	spop (v2sf);
	(v2sf) =	vpush v7, $0xF;
	v7 =	vsel vm5, $0x80000000, v10;
	(xrf0) =	vmax.scan.msk.u32 $0xffff, v9;
	v9, _, _ =	vpop (xrf0)  }
0x97: {  	v60 =	vsel vm10, $0x80000000, v10;
	s15 =	spop (v2sf);
	v7 =	vxor.u32 $0x80000000, v7;
	(v2sf) =	vpush v11, $0xF;
	(xrf0) =	vmax.scan.msk.u32 $0xffff, v8;
	v8, _, _ =	vpop (xrf0)  }
0x98: {  	s3 =	sxor.u32 $0x80000000, s29;
	v11 =	vxor.u32 $0x80000000, v60;
	s16 =	spop (v2sf);
	(v2sf) =	vpush v9, $0xF;
	v9, _, _ =	vpop (xrf0);
	(xrf0) =	vmax.scan.msk.u32 $0xffff, v7;
	v7 =	vsel vm11, $0x80000000, v10  }
0x99: {  	s10 =	spop (v2sf);
	(v2sf) =	vpush v9, $0xF;
	v9, _, _ =	vpop (xrf0);
	(xrf0) =	vmax.scan.msk.u32 $0xffff, v11;
	v11 =	vsel vm12, $0x80000000, v10;
	v7 =	vxor.u32 $0x80000000, v7;
	[smem:$0x10] =	sst s3  }
0x9a: {  	s8 =	simm.s32 $0x3;
	v13 =	vsel vm13, $0x80000000, v10;
	v11 =	vxor.u32 $0x80000000, v11;
	s3 =	spop (v2sf);
	(xrf0) =	vmax.scan.msk.u32 $0xffff, v7;
	(v2sf) =	vpush v6, $0xF  }
0x9b: {  	s28 =	simm.s32 $0x40;
	s6 =	sxor.u32 $0x80000000, s30;
	v6 =	vxor.u32 $0x80000000, v13;
	v62, _, _ =	vpop (xrf0);
	s24 =	spop (v2sf);
	(v2sf) =	vpush v8, $0xF;
	(xrf0) =	vmax.scan.msk.u32 $0xffff, v11;
	v8 =	vsel vm8, $0x80000000, v10  }
0x9c: {  	s7 =	sxor.u32 $0x80000000, s7;
	v11 =	vsel vm14, $0x80000000, v10;
	v7, _, _ =	vpop (xrf0);
	s29 =	spop (v2sf);
	(v2sf) =	vpush v62, $0xF;
	(xrf0) =	vmax.scan.msk.u32 $0xffff, v6;
	v8 =	vxor.u32 $0x80000000, v8;
	[smem:$0x11] =	sst s6  }
0x9d: {  	s5 =	sxor.u32 $0x80000000, s5;
	s11 =	sxor.u32 $0x80000000, s9;
	s30 =	sxor.u32 $0x80000000, s16;
	v63, _, _ =	vpop (xrf0);
	(xrf0) =	vmax.scan.msk.u32 $0xffff, v8;
	v8 =	vxor.u32 $0x80000000, v11  }
0x9e: {  	s15 =	sxor.u32 $0x80000000, s15;
	s6 =	simm.s32 $0x1F;
	v6 =	vld.idx.msk [tilespmem:v61+s26+$0x0], $0xffff;
	(v2sf) =	vpush v9, $0xF;
	[smem:$0x12] =	sst s30;
	v9 =	vsel vm15, $0x80000000, v10  }
0x9f: {  	s13 =	sxor.u32 $0x80000000, s24;
	s26 =	sxor.u32 $0x80000000, s10;
	(v2sf) =	vpush v63, $0xF;
	v10, _, _ =	vpop (xrf0);
	(xrf0) =	vmax.scan.msk.u32 $0xffff, v8;
	v9 =	vxor.u32 $0x80000000, v9;
	[smem:$0x13] =	sst s7  }
0xa0: {  	s9 =	sxor.u32 $0x80000000, s29;
	s7 =	spop (v2sf);
	(v2sf) =	vpush v10, $0xF;
	v8, _, _ =	vpop (xrf0);
	(xrf0) =	vmax.scan.msk.u32 $0xffff, v9;
	[smem:$0x14] =	sst s5  }
0xa1: {  	s24 =	sxor.u32 $0x80000000, s7;
	s16 =	spop (v2sf);
	s7 =	simm.s32 $0x1F  }
.LBB2_2:
0xa2: {  	s6 =	sadd.s32 $0x10, s6  }
0xa3: {  	(v2sf) =	vpush v8, $0xF;
	v8, _, _ =	vpop (xrf0);
	s5 =	spop (v2sf);
	s29 =	smov.u32 s28;
	s10 =	sadd.s32 $0x10, s28  }
0xa4: {  	p0 =	sne.s32 s28, $0xF0;
	s30 =	sxor.u32 $0x80000000, s3;
	(v2sf) =	vpush v7, $0xF;
	v7, _, _ =	vpop (xrf0)  }
0xa5: {  	(v2sf) =	vpush v8, $0xF;
	v8, _, _ =	vpop (xrf0);
	s3 =	spop (v2sf)  }
0xa6: {  	v18 =	vnsel vm0, $0x80000000, v6;
	v10 =	vsel vm1, $0x80000000, v6;
	v11 =	vsel vm15, $0x80000000, v6;
	v12, _, _ =	vpop (xrf0);
	s28 =	sxor.u32 $0x80000000, s3  }
0xa7: {  	s5 =	sxor.u32 $0x80000000, s5;
	v13 =	vsel vm11, $0x80000000, v6;
	v17 =	vxor.u32 $0x80000000, v18;
	v10 =	vxor.u32 $0x80000000, v10;
	v14, _, _ =	vpop (xrf0);
	[smem:s7+$0xFFFFFFF6] =	sst s26  }
0xa8: {  	s8 =	sadd.s32 $0x1, s8;
	v15 =	vsel vm3, $0x80000000, v6;
	v16 =	vsel vm4, $0x80000000, v6;
	s3 =	sxor.u32 $0x80000000, s16;
	(xrf0) =	vmax.scan.msk.u32 $0xffff, v17;
	(v2sf) =	vpush v12, $0xF;
	v9, _, _ =	vpop (xrf0);
	[smem:s7+$0xFFFFFFF7] =	sst s11  }
0xa9: {  	s26 =	sand.u32 $0x70, s29;
	v12 =	vxor.u32 $0x80000000, v15;
	v15 =	vxor.u32 $0x80000000, v16;
	(xrf0) =	vmax.scan.msk.u32 $0xffff, v10;
	s11 =	spop (v2sf);
	(v2sf) =	vpush v14, $0xF;
	[smem:s7+$0xFFFFFFF8] =	sst s15  }
0xaa: {  	v10 =	vsel vm6, $0x80000000, v6;
	v14 =	vsel vm7, $0x80000000, v6;
	(xrf0) =	vmax.scan.msk.u32 $0xffff, v15;
	s11 =	sxor.u32 $0x80000000, s11;
	s15 =	spop (v2sf);
	(v2sf) =	vpush v9, $0xF;
	[smem:s7+$0xFFFFFFF9] =	sst s24  }
0xab: {  	v9 =	vxor.u32 $0x80000000, v10;
	v10 =	vxor.u32 $0x80000000, v14;
	v14 =	vsel vm8, $0x80000000, v6;
	(xrf0) =	vmax.scan.msk.u32 $0xffff, v12;
	s24 =	sxor.u32 $0x80000000, s15;
	s16 =	spop (v2sf);
	[smem:s7+$0xFFFFFFFA] =	sst s13  }
0xac: {  	v15 =	vsel vm10, $0x80000000, v6;
	s13 =	sshrl.u32 s8, $0x1;
	v12 =	vsel vm9, $0x80000000, v6;
	(xrf0) =	vmax.scan.msk.u32 $0xffff, v10;
	(v2sf) =	vpush v7, $0xF;
	[smem:s7+$0xFFFFFFFB] =	sst s30;
	s15 =	spop (v2sf)  }
0xad: {  	s13 =	sand.u32 $0x4, s13;
	v7 =	vsel vm5, $0x80000000, v6;
	v10 =	vxor.u32 $0x80000000, v12;
	v12 =	vxor.u32 $0x80000000, v15;
	(xrf0) =	vmax.scan.msk.u32 $0xffff, v9;
	s29 =	spop (v2sf);
	[smem:s7+$0xFFFFFFFC] =	sst s9  }
0xae: {  	v20 =	vsel vm2, $0x80000000, v6;
	v18 =	vsel vm13, $0x80000000, v6;
	v15 =	vsel vm12, $0x80000000, v6;
	s9 =	sor.u32 s4, s13;
	v17, _, _ =	vpop (xrf0);
	(xrf0) =	vmax.scan.msk.u32 $0xffff, v10;
	s13 =	spop (v2sf);
	[smem:s7+$0xFFFFFFFD] =	sst s28  }
0xaf: {  	v19 =	vxor.u32 $0x80000000, v20;
	s15 =	sxor.u32 $0x80000000, s15;
	s9 =	sshll.u32 s9, $0x7;
	v10 =	vxor.u32 $0x80000000, v15;
	v15 =	vxor.u32 $0x80000000, v18;
	v16, _, _ =	vpop (xrf0);
	s28 =	spop (v2sf)  }
0xb0: {  	v14 =	vxor.u32 $0x80000000, v14;
	v7 =	vxor.u32 $0x80000000, v7;
	s9 =	sor.u32 s26, s9;
	(v2sf) =	vpush v17, $0xF;
	(xrf0) =	vmax.scan.msk.u32 $0xffff, v19;
	v9, _, _ =	vpop (xrf0);
	s26 =	spop (v2sf);
	[smem:s7+$0xFFFFFFFE] =	sst s15  }
0xb1: {  	v18 =	vsel vm14, $0x80000000, v6;
	v17 =	vor.u32 s9, v0;
	s15 =	sxor.u32 $0x80000000, s28;
	(v2sf) =	vpush v16, $0xF;
	v16, _, _ =	vpop (xrf0);
	(xrf0) =	vmax.scan.msk.u32 $0xffff, v7;
	s9 =	spop (v2sf);
	[smem:s7+$0xFFFFFFFF] =	sst s3  }
0xb2: {  	v19 =	vxor.u32 $0x80000000, v13;
	v13 =	vxor.u32 $0x80000000, v18;
	(v2sf) =	vpush v16, $0xF;
	v16, _, _ =	vpop (xrf0);
	(xrf0) =	vmax.scan.msk.u32 $0xffff, v12;
	[smem:s6+$0xFFFFFFF1] =	sst s11;
	s11 =	sxor.u32 $0x80000000, s13;
	s3 =	spop (v2sf)  }
0xb3: {  	v11 =	vxor.u32 $0x80000000, v11;
	s29 =	sxor.u32 $0x80000000, s29;
	s28 =	sxor.u32 $0x80000000, s26;
	v6, _, _ =	vpop (xrf0);
	(xrf0) =	vmax.scan.msk.u32 $0xffff, v19;
	s13 =	spop (v2sf);
	(v2sf) =	vpush v8, $0xF  }
0xb4: {  	s26 =	sxor.u32 $0x80000000, s9;
	s30 =	spop (v2sf)  }
.Ltmp2:
0xb5: {  	(v2sf) =	vpush v9, $0xF;
	v7, _, _ =	vpop (xrf0);
	(xrf0) =	vmax.scan.msk.u32 $0xffff, v10;
	s13 =	sxor.u32 $0x80000000, s13;
	[smem:s7] =	sst s5;
	(pc) =	sbr.rel @p0 .LBB2_2-.Ltmp2, $4  }
0xb6: {  	s5 =	simm.s32 $0x0;
	s7 =	sxor.u32 $0x80000000, s16;
	(v2sf) =	vpush v6, $0xF;
	(xrf0) =	vmax.scan.msk.u32 $0xffff, v15;
	[smem:s6+$0xFFFFFFF2] =	sst s24  }
0xb7: {  	s9 =	sxor.u32 $0x80000000, s30;
	v6 =	vld.idx.msk [tilespmem:v17+s5+$0x0], $0xffff;
	v8, _, _ =	vpop (xrf0);
	(v2sf) =	vpush v16, $0xF;
	(xrf0) =	vmax.scan.msk.u32 $0xffff, v14;
	[smem:s6+$0xFFFFFFF3] =	sst s28;
	s28 =	smov.u32 s10  }
0xb8: {  	(v2sf) =	vpush v8, $0xF;
	v8, _, _ =	vpop (xrf0);
	(xrf0) =	vmax.scan.msk.u32 $0xffff, v13;
	[smem:s6+$0xFFFFFFF4] =	sst s7;
	s16 =	spop (v2sf);
	s7 =	smov.u32 s6  }
0xb9: {  	(v2sf) =	vpush v8, $0xF;
	v8, _, _ =	vpop (xrf0);
	(xrf0) =	vmax.scan.msk.u32 $0xffff, v11;
	[smem:s6+$0xFFFFFFF5] =	sst s29;
	s24 =	sxor.u32 $0x80000000, s16;
	s16 =	spop (v2sf)  }
0xba: {  	_ =	sdelay $0x1  }
0xbb: {  	v9 =	vnsel vm0, $0x80000000, v6  }
0xbc: {  	v10 =	vsel vm1, $0x80000000, v6;
	v9 =	vxor.u32 $0x80000000, v9  }
0xbd: {  	v11, _, _ =	vpop (xrf0);
	v12 =	vsel vm4, $0x80000000, v6;
	v10 =	vxor.u32 $0x80000000, v10;
	(xrf0) =	vmax.scan.msk.u32 $0xffff, v9  }
0xbe: {  	(v2sf) =	vpush v8, $0xF;
	v36, _, _ =	vpop (xrf0);
	v37 =	vsel vm3, $0x80000000, v6;
	v12 =	vxor.u32 $0x80000000, v12;
	(xrf0) =	vmax.scan.msk.u32 $0xffff, v10  }
0xbf: {  	(v2sf) =	vpush v7, $0xF;
	v7, _, _ =	vpop (xrf0);
	v9 =	vxor.u32 $0x80000000, v37;
	(xrf0) =	vmax.scan.msk.u32 $0xffff, v12  }
0xc0: {  	(v2sf) =	vpush v11, $0xF;
	v40 =	vsel vm7, $0x80000000, v6;
	v38, _, _ =	vpop (xrf0);
	(xrf0) =	vmax.scan.msk.u32 $0xffff, v9  }
0xc1: {  	s8 =	spop (v2sf);
	[smem:s7+$0xFFFFFFF6] =	sst s26;
	v42 =	vsel vm6, $0x80000000, v6;
	v39, _, _ =	vpop (xrf0);
	(v2sf) =	vpush v38, $0xF;
	v10 =	vxor.u32 $0x80000000, v40  }
0xc2: {  	s26 =	spop (v2sf);
	[smem:s7+$0xFFFFFFF7] =	sst s11;
	v43 =	vsel vm9, $0x80000000, v6;
	v41, _, _ =	vpop (xrf0);
	(v2sf) =	vpush v39, $0xF;
	v9 =	vxor.u32 $0x80000000, v42;
	(xrf0) =	vmax.scan.msk.u32 $0xffff, v10  }
0xc3: {  	s3 =	sxor.u32 $0x80000000, s3;
	[smem:s7+$0xFFFFFFF8] =	sst s15;
	v46 =	vsel vm2, $0x80000000, v6;
	v45 =	vxor.u32 $0x80000000, v43;
	s11 =	spop (v2sf);
	(v2sf) =	vpush v41, $0xF;
	v44, _, _ =	vpop (xrf0);
	(xrf0) =	vmax.scan.msk.u32 $0xffff, v9  }
0xc4: {  	s28 =	simm.s32 $0x7A1400;
	v48 =	vsel vm5, $0x80000000, v6;
	[smem:s7+$0xFFFFFFF9] =	sst s24;
	v49 =	vxor.u32 $0x80000000, v46;
	s15 =	spop (v2sf);
	(v2sf) =	vpush v36, $0xF;
	v47, _, _ =	vpop (xrf0);
	(xrf0) =	vmax.scan.msk.u32 $0xffff, v45  }
0xc5: {  	s29 =	simm.s32 $0x4;
	v51 =	vsel vm10, $0x80000000, v6;
	[smem:s7+$0xFFFFFFFA] =	sst s13;
	v12 =	vxor.u32 $0x80000000, v48;
	s10 =	spop (v2sf);
	(v2sf) =	vpush v44, $0xF;
	v50, _, _ =	vpop (xrf0);
	(xrf0) =	vmax.scan.msk.u32 $0xffff, v49  }
0xc6: {  	s8 =	sxor.u32 $0x80000000, s8;
	v53 =	vsel vm11, $0x80000000, v6;
	[smem:s7+$0xFFFFFFFB] =	sst s3;
	s3 =	spop (v2sf);
	v10 =	vxor.u32 $0x80000000, v51;
	(v2sf) =	vpush v47, $0xF;
	v52, _, _ =	vpop (xrf0);
	(xrf0) =	vmax.scan.msk.u32 $0xffff, v12  }
0xc7: {  	s26 =	sxor.u32 $0x80000000, s26;
	v54 =	vsel vm12, $0x80000000, v6;
	v11 =	vxor.u32 $0x80000000, v53;
	[smem:s7+$0xFFFFFFFC] =	sst s9;
	s24 =	spop (v2sf);
	(v2sf) =	vpush v52, $0xF;
	(xrf0) =	vmax.scan.msk.u32 $0xffff, v10  }
0xc8: {  	v8 =	vxor.u32 $0x80000000, v54;
	[smem:s7+$0xFFFFFFFD] =	sst s26;
	s13 =	sxor.u32 $0x80000000, s3;
	s9 =	spop (v2sf);
	v55, _, _ =	vpop (xrf0);
	(v2sf) =	vpush v7, $0xF;
	v7 =	vsel vm13, $0x80000000, v6;
	(xrf0) =	vmax.scan.msk.u32 $0xffff, v11  }
0xc9: {  	v56 =	vsel vm8, $0x80000000, v6;
	s11 =	sxor.u32 $0x80000000, s11;
	s3 =	sadd.s32 $0x10, s6;
	[smem:s7+$0xFFFFFFFE] =	sst s13;
	v7 =	vxor.u32 $0x80000000, v7;
	v57, _, _ =	vpop (xrf0);
	(xrf0) =	vmax.scan.msk.u32 $0xffff, v8  }
0xca: {  	v58 =	vxor.u32 $0x80000000, v56;
	s26 =	sxor.u32 $0x80000000, s16;
	[smem:s3+$0xFFFFFFF1] =	sst s11;
	s13 =	spop (v2sf);
	(v2sf) =	vpush v50, $0xF;
	v59, _, _ =	vpop (xrf0);
	(xrf0) =	vmax.scan.msk.u32 $0xffff, v7;
	v7 =	vsel vm14, $0x80000000, v6  }
0xcb: {  	s16 =	sxor.u32 $0x80000000, s15;
	[smem:s7+$0xFFFFFFFF] =	sst s26;
	s26 =	spop (v2sf);
	(v2sf) =	vpush v57, $0xF;
	v6 =	vsel vm15, $0x80000000, v6;
	v7 =	vxor.u32 $0x80000000, v7  }
0xcc: {  	[smem:s3+$0xFFFFFFF2] =	sst s16;
	s16 =	sxor.u32 $0x80000000, s10;
	s15 =	spop (v2sf);
	v60, _, _ =	vpop (xrf0);
	(v2sf) =	vpush v55, $0xF;
	(xrf0) =	vmax.scan.msk.u32 $0xffff, v58;
	v6 =	vxor.u32 $0x80000000, v6  }
0xcd: {  	[smem:s7] =	sst s8;
	s26 =	sxor.u32 $0x80000000, s26;
	s6 =	spop (v2sf);
	(v2sf) =	vpush v60, $0xF;
	v61, _, _ =	vpop (xrf0)  }
0xce: {  	s9 =	sxor.u32 $0x80000000, s9;
	[smem:s3+$0xFFFFFFF3] =	sst s26;
	s8 =	spop (v2sf);
	(xrf0) =	vmax.scan.msk.u32 $0xffff, v7;
	v7, _, _ =	vpop (xrf0)  }
0xcf: {  	s26 =	sxor.u32 $0x80000000, s24;
	[smem:s3+$0xFFFFFFF4] =	sst s16;
	s11 =	spop (v2sf);
	(v2sf) =	vpush v61, $0xF;
	(xrf0) =	vmax.scan.msk.u32 $0xffff, v6;
	v6, _, _ =	vpop (xrf0)  }
0xd0: {  	s16 =	sxor.u32 $0x80000000, s15;
	[smem:s3+$0xFFFFFFF5] =	sst s26;
	s24 =	spop (v2sf);
	(v2sf) =	vpush v7, $0xF;
	v7, _, _ =	vpop (xrf0)  }
0xd1: {  	s7 =	sadd.s32 $0x10, s3;
	[smem:s3+$0xFFFFFFF6] =	sst s16;
	s10 =	spop (v2sf);
	(v2sf) =	vpush v59, $0xF;
	v62, _, _ =	vpop (xrf0)  }
0xd2: {  	s26 =	sxor.u32 $0x80000000, s13;
	[smem:s3+$0xFFFFFFF7] =	sst s9;
	s13 =	spop (v2sf);
	(v2sf) =	vpush v6, $0xF;
	v6, _, _ =	vpop (xrf0)  }
0xd3: {  	s15 =	sxor.u32 $0x80000000, s24;
	[smem:s3+$0xFFFFFFF8] =	sst s26;
	s16 =	spop (v2sf);
	(v2sf) =	vpush v6, $0xF  }
0xd4: {  	s6 =	sxor.u32 $0x80000000, s6;
	s24 =	sxor.u32 $0x80000000, s8;
	[smem:s3+$0xFFFFFFF9] =	sst s15;
	v6, _, _ =	vpop (xrf0)  }
0xd5: {  	s26 =	sxor.u32 $0x80000000, s11;
	[smem:s3+$0xFFFFFFFA] =	sst s24;
	s8 =	spop (v2sf);
	v63, _, _ =	vpop (xrf0);
	(v2sf) =	vpush v6, $0xF  }
0xd6: {  	s10 =	sxor.u32 $0x80000000, s10;
	[smem:s3+$0xFFFFFFFB] =	sst s6;
	s9 =	spop (v2sf);
	(v2sf) =	vpush v63, $0xF  }
0xd7: {  	s15 =	sxor.u32 $0x80000000, s16;
	[smem:s3+$0xFFFFFFFC] =	sst s26;
	s11 =	spop (v2sf);
	(v2sf) =	vpush v7, $0xF  }
0xd8: {  	[smem:s3+$0xFFFFFFFD] =	sst s15;
	s26 =	sxor.u32 $0x80000000, s8;
	s16 =	spop (v2sf);
	(v2sf) =	vpush v62, $0xF  }
0xd9: {  	[smem:s7+$0xFFFFFFF1] =	sst s26;
	s24 =	sxor.u32 $0x80000000, s16;
	s15 =	spop (v2sf)  }
0xda: {  	s16 =	sxor.u32 $0x80000000, s13;
	[smem:s3+$0xFFFFFFFE] =	sst s24;
	s8 =	spop (v2sf)  }
0xdb: {  	s24 =	sxor.u32 $0x80000000, s9;
	[smem:s3+$0xFFFFFFFF] =	sst s10;
	s13 =	spop (v2sf)  }
0xdc: {  	s30 =	simm.s32 $0x5;
	[smem:s7+$0xFFFFFFF2] =	sst s24;
	s26 =	spop (v2sf)  }
0xdd: {  	s24 =	sxor.u32 $0x80000000, s15;
	[smem:s3] =	sst s16;
	s9 =	sxor.u32 $0x80000000, s26  }
0xde: {  	s16 =	sxor.u32 $0x80000000, s11;
	s10 =	spop (v2sf);
	[smem:s7+$0xFFFFFFF3] =	sst s9  }
0xdf: {  	s8 =	sxor.u32 $0x80000000, s8;
	s9 =	spop (v2sf);
	[smem:s7+$0xFFFFFFF4] =	sst s16  }
0xe0: {  	s6 =	sxor.u32 $0x80000000, s10;
	s26 =	spop (v2sf);
	[smem:s7+$0xFFFFFFF5] =	sst s24  }
0xe1: {  	s15 =	sxor.u32 $0x80000000, s13;
	s10 =	spop (v2sf);
	[smem:s7+$0xFFFFFFF6] =	sst s6  }
0xe2: {  	s9 =	sxor.u32 $0x80000000, s9;
	[smem:s7+$0xFFFFFFF7] =	sst s8;
	s16 =	spop (v2sf)  }
0xe3: {  	s3 =	sxor.u32 $0x80000000, s26;
	[smem:s7+$0xFFFFFFF8] =	sst s15;
	s24 =	sxor.u32 $0x80000000, s16  }
0xe4: {  	s11 =	sxor.u32 $0x80000000, s10;
	s6 =	spop (v2sf);
	[smem:s7+$0xFFFFFFF9] =	sst s24  }
0xe5: {  	s26 =	spop (v2sf);
	s6 =	sxor.u32 $0x80000000, s6;
	[smem:s7+$0xFFFFFFFA] =	sst s3  }
0xe6: {  	s13 =	spop (v2sf);
	s26 =	sxor.u32 $0x80000000, s26;
	[smem:s7+$0xFFFFFFFB] =	sst s9  }
0xe7: {  	s15 =	sxor.u32 $0x80000000, s13;
	s16 =	spop (v2sf);
	[smem:s7+$0xFFFFFFFC] =	sst s11  }
0xe8: {  	s13 =	simm.s32 $0x1;
	s24 =	sxor.u32 $0x80000000, s16;
	[smem:s7+$0xFFFFFFFD] =	sst s15  }
0xe9: {  	s16 =	simm.s32 $0x9;
	s15 =	simm.s32 $0x2;
	[smem:s7+$0xFFFFFFFE] =	sst s24  }
0xea: {  	s24 =	simm.s32 $0x4000;
	[smem:s7+$0xFFFFFFFF] =	sst s6;
	s6 =	simm.s32 $0x6  }
0xeb: {  	[smem:s7] =	sst s26;
	s7 =	simm.s32 $0x8;
	s26 =	simm.s32 $0x3  }
.LBB2_4:
0xec: {  	_ =	swait.ge [sflag:s13], $0x2000  }
0xed: {  	[sflag:s13] =	ssyncset.done $0x0  }
0xee: {  	[sflag:s13] =	ssyncadd.s32 $0xFFFFE000  }
0xef: {  	s8 =	sshll.u32 s5, $0x9;
	s3 =	sld [smem:s7+$0xFFFFFFF8]  }
0xf0: {  	s9 =	sadd.s32 $0xFFFFFFFA, s6;
	s10 =	sand.u32 $0xFFFFE000, s8  }
0xf1: {  	s8 =	sand.u32 $0x78, s9;
	v6 =	vor.u32 s10, v2  }
0xf2: {  	v8 =	vor.u32 s8, v6;
	s3 =	sand.u32 $0x7F, s3  }
0xf3: {  	v7 =	vor.u32 s3, v2;
	_ =	sdelay $0x3  }
0xf4: {  	v10 =	vld.idx.msk [tilespmem:v8+s14+$0x0], $0xffff  }
0xf5: {  	v9 =	vld.idx.msk [tilespmem:v7+s12+$0x0], $0xffff;
	_ =	sdelay $0x2  }
0xf6: {  	v11 =	vor.u32 s3, v3;
	v7 =	vor.u32 s10, v3  }
0xf7: {  	v12 =	vor.u32 s8, v7  }
0xf8: {  	v9 =	vadd.f32 v10, v9;
	_ =	sdelay $0x1  }
0xf9: {  	[tilespmem:v8+s25+$0x0] =	vst.idx.msk $0xffff, v9  }
0xfa: {  	v9 =	vld.idx.msk [tilespmem:v11+s12+$0x0], $0xffff  }
0xfb: {  	v37 =	vld.idx.msk [tilespmem:v12+s14+$0x0], $0xffff;
	_ =	sdelay $0x2  }
0xfc: {  	v38 =	vor.u32 s3, v4;
	v8 =	vor.u32 s10, v4  }
0xfd: {  	v13 =	vor.u32 s8, v8  }
0xfe: {  	v9 =	vadd.f32 v37, v9;
	_ =	sdelay $0x1  }
0xff: {  	[tilespmem:v12+s25+$0x0] =	vst.idx.msk $0xffff, v9  }
0x100: {  	v39 =	vld.idx.msk [tilespmem:v38+s12+$0x0], $0xffff  }
0x101: {  	v40 =	vld.idx.msk [tilespmem:v13+s14+$0x0], $0xffff;
	_ =	sdelay $0x2  }
0x102: {  	v41 =	vor.u32 s3, v5;
	v9 =	vor.u32 s10, v5  }
0x103: {  	v14 =	vor.u32 s8, v9  }
0x104: {  	v10 =	vadd.f32 v40, v39;
	_ =	sdelay $0x1  }
0x105: {  	[tilespmem:v13+s25+$0x0] =	vst.idx.msk $0xffff, v10  }
0x106: {  	v10 =	vld.idx.msk [tilespmem:v41+s12+$0x0], $0xffff  }
0x107: {  	v42 =	vld.idx.msk [tilespmem:v14+s14+$0x0], $0xffff;
	_ =	sdelay $0x1  }
0x108: {  	p0 =	seq.s32 s6, $0xFE  }
0x109: {  	s3 =	sld @!p0 [smem:s7+$0x0];
	_ =	sdelay $0x1  }
0x10a: {  	v10 =	vadd.f32 v42, v10  }
0x10b: {  	s3 =	sand.u32 @!p0 $0xFFFFF80, s3  }
0x10c: {  	s9 =	simm.s32 @!p0 $0x7A1400;
	s3 =	sadd.s32 @!p0 s1, s3;
	s10 =	simm.s32 @!p0 $0x400;
	[tilespmem:v14+s25+$0x0] =	vst.idx.msk $0xffff, v10  }
0x10d: {  	[tilespmem:s10], [sflag:$0x1] =	stream.strided.gather @!p0 [hbm4b:s3+s10], $0x2000, s9, s10, $0x38;
	[tilespmem:$0x18400] =	vst v63  }
0x10e: {  	_ =	swait.ge [sflag:s15], $0x2000  }
0x10f: {  	[sflag:s15] =	ssyncset.done $0x0  }
0x110: {  	[sflag:s15] =	ssyncadd.s32 $0xFFFFE000  }
0x111: {  	s3 =	sld [smem:s7+$0xFFFFFFF9]  }
0x112: {  	s11 =	sadd.s32 $0xFFFFFFFB, s6  }
0x113: {  	s11 =	sand.u32 $0x79, s11  }
0x114: {  	v44 =	vor.u32 s11, v6;
	s3 =	sand.u32 $0x7F, s3  }
0x115: {  	v43 =	vor.u32 s3, v2;
	_ =	sdelay $0x3  }
0x116: {  	v45 =	vld.idx.msk [tilespmem:v44+s14+$0x0], $0xffff  }
0x117: {  	v10 =	vld.idx.msk [tilespmem:v43+s17+$0x0], $0xffff;
	_ =	sdelay $0x2  }
0x118: {  	v46 =	vor.u32 s3, v3  }
0x119: {  	v47 =	vor.u32 s11, v7  }
0x11a: {  	v10 =	vadd.f32 v45, v10;
	_ =	sdelay $0x1  }
0x11b: {  	[tilespmem:v44+s25+$0x0] =	vst.idx.msk $0xffff, v10  }
0x11c: {  	v10 =	vld.idx.msk [tilespmem:v46+s17+$0x0], $0xffff  }
0x11d: {  	v11 =	vld.idx.msk [tilespmem:v47+s14+$0x0], $0xffff;
	_ =	sdelay $0x2  }
0x11e: {  	v48 =	vor.u32 s3, v4  }
0x11f: {  	v49 =	vor.u32 s11, v8  }
0x120: {  	v10 =	vadd.f32 v11, v10;
	_ =	sdelay $0x1  }
0x121: {  	[tilespmem:v47+s25+$0x0] =	vst.idx.msk $0xffff, v10  }
0x122: {  	v10 =	vld.idx.msk [tilespmem:v48+s17+$0x0], $0xffff  }
0x123: {  	v50 =	vld.idx.msk [tilespmem:v49+s14+$0x0], $0xffff;
	_ =	sdelay $0x2  }
0x124: {  	v51 =	vor.u32 s3, v5  }
0x125: {  	v52 =	vor.u32 s11, v9  }
0x126: {  	v10 =	vadd.f32 v50, v10;
	_ =	sdelay $0x1  }
0x127: {  	[tilespmem:v49+s25+$0x0] =	vst.idx.msk $0xffff, v10  }
0x128: {  	v10 =	vld.idx.msk [tilespmem:v51+s17+$0x0], $0xffff  }
0x129: {  	v53 =	vld.idx.msk [tilespmem:v52+s14+$0x0], $0xffff;
	_ =	sdelay $0x2  }
0x12a: {  	s3 =	sld @!p0 [smem:s7+$0x1];
	_ =	sdelay $0x1  }
0x12b: {  	v10 =	vadd.f32 v53, v10  }
0x12c: {  	s3 =	sand.u32 @!p0 $0xFFFFF80, s3  }
0x12d: {  	s11 =	simm.s32 @!p0 $0x2400;
	s3 =	sadd.s32 @!p0 s1, s3;
	[tilespmem:v52+s25+$0x0] =	vst.idx.msk $0xffff, v10  }
0x12e: {  	[tilespmem:s11], [sflag:$0x2] =	stream.strided.gather @!p0 [hbm4b:s3+s10], $0x2000, s9, s10, $0x38;
	[tilespmem:$0x18400] =	vst v63  }
0x12f: {  	_ =	swait.ge [sflag:s26], $0x2000  }
0x130: {  	[sflag:s26] =	ssyncset.done $0x0  }
0x131: {  	[sflag:s26] =	ssyncadd.s32 $0xFFFFE000  }
0x132: {  	s3 =	sld [smem:s7+$0xFFFFFFFA]  }
0x133: {  	s11 =	sadd.s32 $0xFFFFFFFC, s6  }
0x134: {  	s11 =	sand.u32 $0x7A, s11  }
0x135: {  	v55 =	vor.u32 s11, v6;
	s3 =	sand.u32 $0x7F, s3  }
0x136: {  	v54 =	vor.u32 s3, v2;
	_ =	sdelay $0x3  }
0x137: {  	v56 =	vld.idx.msk [tilespmem:v55+s14+$0x0], $0xffff  }
0x138: {  	v10 =	vld.idx.msk [tilespmem:v54+s18+$0x0], $0xffff;
	_ =	sdelay $0x2  }
0x139: {  	v57 =	vor.u32 s3, v3  }
0x13a: {  	v58 =	vor.u32 s11, v7  }
0x13b: {  	v10 =	vadd.f32 v56, v10;
	_ =	sdelay $0x1  }
0x13c: {  	[tilespmem:v55+s25+$0x0] =	vst.idx.msk $0xffff, v10  }
0x13d: {  	v10 =	vld.idx.msk [tilespmem:v57+s18+$0x0], $0xffff  }
0x13e: {  	v11 =	vld.idx.msk [tilespmem:v58+s14+$0x0], $0xffff;
	_ =	sdelay $0x2  }
0x13f: {  	v59 =	vor.u32 s3, v4  }
0x140: {  	v60 =	vor.u32 s11, v8  }
0x141: {  	v10 =	vadd.f32 v11, v10;
	_ =	sdelay $0x1  }
0x142: {  	[tilespmem:v58+s25+$0x0] =	vst.idx.msk $0xffff, v10  }
0x143: {  	v10 =	vld.idx.msk [tilespmem:v59+s18+$0x0], $0xffff  }
0x144: {  	v61 =	vld.idx.msk [tilespmem:v60+s14+$0x0], $0xffff;
	_ =	sdelay $0x2  }
0x145: {  	v62 =	vor.u32 s3, v5  }
0x146: {  	v63 =	vor.u32 s11, v9  }
0x147: {  	v10 =	vadd.f32 v61, v10;
	_ =	sdelay $0x1  }
0x148: {  	[tilespmem:v60+s25+$0x0] =	vst.idx.msk $0xffff, v10  }
0x149: {  	v10 =	vld.idx.msk [tilespmem:v62+s18+$0x0], $0xffff  }
0x14a: {  	v13 =	vld.idx.msk [tilespmem:v63+s14+$0x0], $0xffff;
	_ =	sdelay $0x2  }
0x14b: {  	s3 =	sld @!p0 [smem:s7+$0x2];
	_ =	sdelay $0x1  }
0x14c: {  	v10 =	vadd.f32 v13, v10  }
0x14d: {  	s3 =	sand.u32 @!p0 $0xFFFFF80, s3  }
0x14e: {  	s11 =	simm.s32 @!p0 $0x4400;
	s3 =	sadd.s32 @!p0 s1, s3;
	[tilespmem:v63+s25+$0x0] =	vst.idx.msk $0xffff, v10  }
0x14f: {  	[tilespmem:s11], [sflag:$0x3] =	stream.strided.gather @!p0 [hbm4b:s3+s10], $0x2000, s9, s10, $0x38;
	[tilespmem:$0x18400] =	vst v63  }
0x150: {  	_ =	swait.ge [sflag:s29], $0x2000  }
0x151: {  	[sflag:s29] =	ssyncset.done $0x0  }
0x152: {  	[sflag:s29] =	ssyncadd.s32 $0xFFFFE000  }
0x153: {  	s3 =	sld [smem:s7+$0xFFFFFFFB]  }
0x154: {  	s11 =	sadd.s32 $0xFFFFFFFD, s6  }
0x155: {  	s11 =	sand.u32 $0x7B, s11  }
0x156: {  	v16 =	vor.u32 s11, v6;
	s3 =	sand.u32 $0x7F, s3  }
0x157: {  	v15 =	vor.u32 s3, v2;
	_ =	sdelay $0x3  }
0x158: {  	v17 =	vld.idx.msk [tilespmem:v16+s14+$0x0], $0xffff  }
0x159: {  	v10 =	vld.idx.msk [tilespmem:v15+s19+$0x0], $0xffff;
	_ =	sdelay $0x2  }
0x15a: {  	v18 =	vor.u32 s3, v3  }
0x15b: {  	v19 =	vor.u32 s11, v7  }
0x15c: {  	v10 =	vadd.f32 v17, v10;
	_ =	sdelay $0x1  }
0x15d: {  	[tilespmem:v16+s25+$0x0] =	vst.idx.msk $0xffff, v10  }
0x15e: {  	v10 =	vld.idx.msk [tilespmem:v18+s19+$0x0], $0xffff  }
0x15f: {  	v11 =	vld.idx.msk [tilespmem:v19+s14+$0x0], $0xffff;
	_ =	sdelay $0x2  }
0x160: {  	v20 =	vor.u32 s3, v4  }
0x161: {  	v21 =	vor.u32 s11, v8  }
0x162: {  	v10 =	vadd.f32 v11, v10;
	_ =	sdelay $0x1  }
0x163: {  	[tilespmem:v19+s25+$0x0] =	vst.idx.msk $0xffff, v10  }
0x164: {  	v10 =	vld.idx.msk [tilespmem:v20+s19+$0x0], $0xffff  }
0x165: {  	v22 =	vld.idx.msk [tilespmem:v21+s14+$0x0], $0xffff;
	_ =	sdelay $0x2  }
0x166: {  	v23 =	vor.u32 s3, v5  }
0x167: {  	v24 =	vor.u32 s11, v9  }
0x168: {  	v10 =	vadd.f32 v22, v10;
	_ =	sdelay $0x1  }
0x169: {  	[tilespmem:v21+s25+$0x0] =	vst.idx.msk $0xffff, v10  }
0x16a: {  	v10 =	vld.idx.msk [tilespmem:v23+s19+$0x0], $0xffff  }
0x16b: {  	v25 =	vld.idx.msk [tilespmem:v24+s14+$0x0], $0xffff;
	_ =	sdelay $0x2  }
0x16c: {  	s3 =	sld @!p0 [smem:s7+$0x3];
	_ =	sdelay $0x1  }
0x16d: {  	v10 =	vadd.f32 v25, v10  }
0x16e: {  	s3 =	sand.u32 @!p0 $0xFFFFF80, s3  }
0x16f: {  	s11 =	simm.s32 @!p0 $0x6400;
	s3 =	sadd.s32 @!p0 s1, s3;
	[tilespmem:v24+s25+$0x0] =	vst.idx.msk $0xffff, v10  }
0x170: {  	[tilespmem:s11], [sflag:$0x4] =	stream.strided.gather @!p0 [hbm4b:s3+s10], $0x2000, s9, s10, $0x38;
	[tilespmem:$0x18400] =	vst v63  }
0x171: {  	_ =	swait.ge [sflag:s30], $0x2000  }
0x172: {  	[sflag:s30] =	ssyncset.done $0x0  }
0x173: {  	[sflag:s30] =	ssyncadd.s32 $0xFFFFE000  }
0x174: {  	s3 =	sld [smem:s7+$0xFFFFFFFC]  }
0x175: {  	s11 =	sadd.s32 $0xFFFFFFFE, s6  }
0x176: {  	s11 =	sand.u32 $0x7C, s11  }
0x177: {  	v27 =	vor.u32 s11, v6;
	s3 =	sand.u32 $0x7F, s3  }
0x178: {  	v26 =	vor.u32 s3, v2;
	_ =	sdelay $0x3  }
0x179: {  	v28 =	vld.idx.msk [tilespmem:v27+s14+$0x0], $0xffff  }
0x17a: {  	v10 =	vld.idx.msk [tilespmem:v26+s20+$0x0], $0xffff;
	_ =	sdelay $0x2  }
0x17b: {  	v29 =	vor.u32 s3, v3  }
0x17c: {  	v30 =	vor.u32 s11, v7  }
0x17d: {  	v10 =	vadd.f32 v28, v10;
	_ =	sdelay $0x1  }
0x17e: {  	[tilespmem:v27+s25+$0x0] =	vst.idx.msk $0xffff, v10  }
0x17f: {  	v10 =	vld.idx.msk [tilespmem:v29+s20+$0x0], $0xffff  }
0x180: {  	v11 =	vld.idx.msk [tilespmem:v30+s14+$0x0], $0xffff;
	_ =	sdelay $0x2  }
0x181: {  	v31 =	vor.u32 s3, v4  }
0x182: {  	v32 =	vor.u32 s11, v8  }
0x183: {  	v10 =	vadd.f32 v11, v10;
	_ =	sdelay $0x1  }
0x184: {  	[tilespmem:v30+s25+$0x0] =	vst.idx.msk $0xffff, v10  }
0x185: {  	v10 =	vld.idx.msk [tilespmem:v31+s20+$0x0], $0xffff  }
0x186: {  	v33 =	vld.idx.msk [tilespmem:v32+s14+$0x0], $0xffff;
	_ =	sdelay $0x2  }
0x187: {  	v34 =	vor.u32 s3, v5  }
0x188: {  	v35 =	vor.u32 s11, v9  }
0x189: {  	v10 =	vadd.f32 v33, v10;
	_ =	sdelay $0x1  }
0x18a: {  	[tilespmem:v32+s25+$0x0] =	vst.idx.msk $0xffff, v10  }
0x18b: {  	v10 =	vld.idx.msk [tilespmem:v34+s20+$0x0], $0xffff  }
0x18c: {  	v36 =	vld.idx.msk [tilespmem:v35+s14+$0x0], $0xffff;
	_ =	sdelay $0x2  }
0x18d: {  	s3 =	sld @!p0 [smem:s7+$0x4];
	_ =	sdelay $0x1  }
0x18e: {  	v10 =	vadd.f32 v36, v10  }
0x18f: {  	s3 =	sand.u32 @!p0 $0xFFFFF80, s3  }
0x190: {  	s11 =	simm.s32 @!p0 $0x8400;
	s3 =	sadd.s32 @!p0 s1, s3;
	[tilespmem:v35+s25+$0x0] =	vst.idx.msk $0xffff, v10  }
0x191: {  	[tilespmem:s11], [sflag:$0x5] =	stream.strided.gather @!p0 [hbm4b:s3+s10], $0x2000, s9, s10, $0x38;
	[tilespmem:$0x18400] =	vst v63  }
0x192: {  	_ =	swait.ge [sflag:s31], $0x2000  }
0x193: {  	[sflag:s31] =	ssyncset.done $0x0  }
0x194: {  	[sflag:s31] =	ssyncadd.s32 $0xFFFFE000  }
0x195: {  	s3 =	sld [smem:s7+$0xFFFFFFFD]  }
0x196: {  	s11 =	sadd.s32 $0xFFFFFFFF, s6  }
0x197: {  	s11 =	sand.u32 $0x7D, s11  }
0x198: {  	v38 =	vor.u32 s11, v6;
	s3 =	sand.u32 $0x7F, s3  }
0x199: {  	v37 =	vor.u32 s3, v2;
	_ =	sdelay $0x3  }
0x19a: {  	v39 =	vld.idx.msk [tilespmem:v38+s14+$0x0], $0xffff  }
0x19b: {  	v10 =	vld.idx.msk [tilespmem:v37+s21+$0x0], $0xffff;
	_ =	sdelay $0x2  }
0x19c: {  	v40 =	vor.u32 s3, v3  }
0x19d: {  	v41 =	vor.u32 s11, v7  }
0x19e: {  	v10 =	vadd.f32 v39, v10;
	_ =	sdelay $0x1  }
0x19f: {  	[tilespmem:v38+s25+$0x0] =	vst.idx.msk $0xffff, v10  }
0x1a0: {  	v10 =	vld.idx.msk [tilespmem:v40+s21+$0x0], $0xffff  }
0x1a1: {  	v11 =	vld.idx.msk [tilespmem:v41+s14+$0x0], $0xffff;
	_ =	sdelay $0x2  }
0x1a2: {  	v42 =	vor.u32 s3, v4  }
0x1a3: {  	v43 =	vor.u32 s11, v8  }
0x1a4: {  	v10 =	vadd.f32 v11, v10;
	_ =	sdelay $0x1  }
0x1a5: {  	[tilespmem:v41+s25+$0x0] =	vst.idx.msk $0xffff, v10  }
0x1a6: {  	v10 =	vld.idx.msk [tilespmem:v42+s21+$0x0], $0xffff  }
0x1a7: {  	v44 =	vld.idx.msk [tilespmem:v43+s14+$0x0], $0xffff;
	_ =	sdelay $0x2  }
0x1a8: {  	v45 =	vor.u32 s3, v5  }
0x1a9: {  	v46 =	vor.u32 s11, v9  }
0x1aa: {  	v10 =	vadd.f32 v44, v10;
	_ =	sdelay $0x1  }
0x1ab: {  	[tilespmem:v43+s25+$0x0] =	vst.idx.msk $0xffff, v10  }
0x1ac: {  	v10 =	vld.idx.msk [tilespmem:v45+s21+$0x0], $0xffff  }
0x1ad: {  	v47 =	vld.idx.msk [tilespmem:v46+s14+$0x0], $0xffff;
	_ =	sdelay $0x2  }
0x1ae: {  	s3 =	sld @!p0 [smem:s7+$0x5];
	_ =	sdelay $0x1  }
0x1af: {  	v10 =	vadd.f32 v47, v10  }
0x1b0: {  	s3 =	sand.u32 @!p0 $0xFFFFF80, s3  }
0x1b1: {  	s11 =	simm.s32 @!p0 $0xA400;
	s3 =	sadd.s32 @!p0 s1, s3;
	[tilespmem:v46+s25+$0x0] =	vst.idx.msk $0xffff, v10  }
0x1b2: {  	[tilespmem:s11], [sflag:$0x6] =	stream.strided.gather @!p0 [hbm4b:s3+s10], $0x2000, s9, s10, $0x38;
	[tilespmem:$0x18400] =	vst v63  }
0x1b3: {  	_ =	swait.ge [sflag:s0], $0x2000  }
0x1b4: {  	[sflag:s0] =	ssyncset.done $0x0  }
0x1b5: {  	[sflag:s0] =	ssyncadd.s32 $0xFFFFE000  }
0x1b6: {  	s11 =	sld [smem:s7+$0xFFFFFFFE];
	_ =	sdelay $0x2  }
0x1b7: {  	s3 =	sand.u32 $0x7F, s11  }
0x1b8: {  	s11 =	sand.u32 $0x7E, s6;
	v48 =	vor.u32 s3, v2  }
0x1b9: {  	v49 =	vor.u32 s11, v6;
	_ =	sdelay $0x3  }
0x1ba: {  	v10 =	vld.idx.msk [tilespmem:v48+s22+$0x0], $0xffff  }
0x1bb: {  	v50 =	vld.idx.msk [tilespmem:v49+s14+$0x0], $0xffff;
	_ =	sdelay $0x2  }
0x1bc: {  	v51 =	vor.u32 s3, v3  }
0x1bd: {  	v52 =	vor.u32 s11, v7  }
0x1be: {  	v10 =	vadd.f32 v50, v10;
	_ =	sdelay $0x1  }
0x1bf: {  	[tilespmem:v49+s25+$0x0] =	vst.idx.msk $0xffff, v10  }
0x1c0: {  	v10 =	vld.idx.msk [tilespmem:v51+s22+$0x0], $0xffff  }
0x1c1: {  	v11 =	vld.idx.msk [tilespmem:v52+s14+$0x0], $0xffff;
	_ =	sdelay $0x2  }
0x1c2: {  	v53 =	vor.u32 s3, v4  }
0x1c3: {  	v54 =	vor.u32 s11, v8  }
0x1c4: {  	v10 =	vadd.f32 v11, v10;
	_ =	sdelay $0x1  }
0x1c5: {  	[tilespmem:v52+s25+$0x0] =	vst.idx.msk $0xffff, v10  }
0x1c6: {  	v10 =	vld.idx.msk [tilespmem:v53+s22+$0x0], $0xffff  }
0x1c7: {  	v55 =	vld.idx.msk [tilespmem:v54+s14+$0x0], $0xffff;
	_ =	sdelay $0x2  }
0x1c8: {  	v56 =	vor.u32 s3, v5  }
0x1c9: {  	v57 =	vor.u32 s11, v9  }
0x1ca: {  	v10 =	vadd.f32 v55, v10;
	_ =	sdelay $0x1  }
0x1cb: {  	[tilespmem:v54+s25+$0x0] =	vst.idx.msk $0xffff, v10  }
0x1cc: {  	v10 =	vld.idx.msk [tilespmem:v56+s22+$0x0], $0xffff  }
0x1cd: {  	v58 =	vld.idx.msk [tilespmem:v57+s14+$0x0], $0xffff;
	_ =	sdelay $0x2  }
0x1ce: {  	s3 =	sld @!p0 [smem:s7+$0x6];
	_ =	sdelay $0x1  }
0x1cf: {  	v10 =	vadd.f32 v58, v10  }
0x1d0: {  	s3 =	sand.u32 @!p0 $0xFFFFF80, s3  }
0x1d1: {  	s11 =	simm.s32 @!p0 $0xC400;
	s3 =	sadd.s32 @!p0 s1, s3;
	[tilespmem:v57+s25+$0x0] =	vst.idx.msk $0xffff, v10  }
0x1d2: {  	[tilespmem:s11], [sflag:$0x7] =	stream.strided.gather @!p0 [hbm4b:s3+s10], $0x2000, s9, s10, $0x38;
	[tilespmem:$0x18400] =	vst v63  }
0x1d3: {  	_ =	swait.ge [sflag:s2], $0x2000  }
0x1d4: {  	[sflag:s2] =	ssyncset.done $0x0  }
0x1d5: {  	[sflag:s2] =	ssyncadd.s32 $0xFFFFE000  }
0x1d6: {  	s11 =	sld [smem:s7+$0xFFFFFFFF];
	_ =	sdelay $0x1  }
0x1d7: {  	s8 =	sor.u32 $0x7, s8  }
0x1d8: {  	v6 =	vor.u32 s8, v6;
	s3 =	sand.u32 $0x7F, s11  }
0x1d9: {  	v59 =	vor.u32 s3, v2;
	_ =	sdelay $0x3  }
0x1da: {  	v60 =	vld.idx.msk [tilespmem:v6+s14+$0x0], $0xffff  }
0x1db: {  	v10 =	vld.idx.msk [tilespmem:v59+s23+$0x0], $0xffff;
	_ =	sdelay $0x2  }
0x1dc: {  	v61 =	vor.u32 s3, v3  }
0x1dd: {  	v7 =	vor.u32 s8, v7  }
0x1de: {  	v10 =	vadd.f32 v60, v10;
	_ =	sdelay $0x1  }
0x1df: {  	[tilespmem:v6+s25+$0x0] =	vst.idx.msk $0xffff, v10  }
0x1e0: {  	v6 =	vld.idx.msk [tilespmem:v61+s23+$0x0], $0xffff  }
0x1e1: {  	v10 =	vld.idx.msk [tilespmem:v7+s14+$0x0], $0xffff;
	_ =	sdelay $0x2  }
0x1e2: {  	v62 =	vor.u32 s3, v4  }
0x1e3: {  	v8 =	vor.u32 s8, v8  }
0x1e4: {  	v6 =	vadd.f32 v10, v6;
	_ =	sdelay $0x1  }
0x1e5: {  	[tilespmem:v7+s25+$0x0] =	vst.idx.msk $0xffff, v6  }
0x1e6: {  	v6 =	vld.idx.msk [tilespmem:v62+s23+$0x0], $0xffff  }
0x1e7: {  	v7 =	vld.idx.msk [tilespmem:v8+s14+$0x0], $0xffff;
	_ =	sdelay $0x2  }
0x1e8: {  	v63 =	vor.u32 s3, v5  }
0x1e9: {  	v9 =	vor.u32 s8, v9  }
0x1ea: {  	v6 =	vadd.f32 v7, v6;
	_ =	sdelay $0x1  }
0x1eb: {  	[tilespmem:v8+s25+$0x0] =	vst.idx.msk $0xffff, v6  }
0x1ec: {  	v6 =	vld.idx.msk [tilespmem:v63+s23+$0x0], $0xffff  }
0x1ed: {  	v7 =	vld.idx.msk [tilespmem:v9+s14+$0x0], $0xffff;
	_ =	sdelay $0x2  }
.Ltmp3:
0x1ee: {  	_ = 	snop;
	(pc) =	sbr.rel @p0 .LBB2_6-.Ltmp3, $3  }
0x1ef: {  	_ = 	snop  }
0x1f0: {  	v6 =	vadd.f32 v7, v6;
	_ =	sdelay $0x1  }
0x1f1: {  	[tilespmem:v9+s25+$0x0] =	vst.idx.msk $0xffff, v6  }
0x1f2: {  	s3 =	sld [smem:s7+$0x7]  }
.Ltmp4:
0x1f3: {  	_ = 	snop;
	(pc) =	sbr.rel .LBB2_4-.Ltmp4, $4  }
0x1f4: {  	_ = 	snop  }
0x1f5: {  	s5 =	sadd.s32 $0x1, s5;
	s3 =	sand.u32 $0xFFFFF80, s3  }
0x1f6: {  	s6 =	sadd.s32 $0x8, s6;
	s7 =	sadd.s32 $0x8, s7;
	s3 =	sadd.s32 s1, s3  }
0x1f7: {  	[tilespmem:s23], [sflag:$0x8] =	stream.strided.gather [hbm4b:s3+s12], $0x2000, s28, s12, $0x38;
	[tilespmem:$0x18400] =	vst v63  }
.LBB2_7:
0x1f8: {  	_ =	sfence.sel $0x180000  }
0x1f9: {  	[bflag:$0x0] =	sbarrier.arrive $0xFFFF  }
0x1fa: {  	_ =	strace $0x90000047  }
0x1fb: {  	s0 =	stileid.u32;
	[bflag:$0x2] =	sbarrier.arrive $0xFFFF  }
0x1fc: {  	p0 =	sne.s32 s0, $0x0;
	s0 =	rddreg [dreg:$0x4]  }
0x1fd: {  	s0 =	sadd.s32 @!p0 $0x100000, s0  }
0x1fe: {  	[sflag:s0] =	ssyncadd.tile.s32 @!p0 $0x1;
	_ =	shalt  }
.Lfunc_end2:
_tile_overlayer_lowered:
.L_overlay_start_2:
0x1ff: {  	(tag) =	ssettag $0x2  }
0x200: {  	s0 =	rddreg [dreg:$0x0];
	s2 =	stileid.u32  }
0x201: {  	s1 =	rddreg [dreg:$0x1];
	p0 =	sne.s32 s2, $0x0  }
0x202: {  	s3 =	rddreg [dreg:$0x2];
	[bflag:$0x3] =	sbarrier.arrive $0xFFFF;
	s2 =	simm.s32 @!p0 $0x1C09  }
0x203: {  	[timem:s3], [sflag:s2] =	dma.local @!p0 [hbm:s0], s1  }
0x204: {  	s0 =	simm.s32 @!p0 $0x9  }
0x205: {  	_ =	swait.ge @!p0 [sflag:s0], s1  }
0x206: {  	s1 =	ssub.s32 @!p0 $0x0, s1;
	[sflag:s0] =	ssyncset.done @!p0 $0x0  }
0x207: {  	[sflag:s0] =	ssyncadd.s32 @!p0 s1  }
0x208: {  	[bflag:$0x3] =	sbarrier.arrive $0xFFFF  }
0x209: {  	_ =	shalt  }

</sc_bundles>
